<compile_context>
chip_gen: v7x
topology: tpu7x:2x2x1
jax: 0.10.2.dev20260603
libtpu: 0.0.44.dev20260713+nightly
codegen_flags: <defaults>
</compile_context>

<pallas_src>
import functools

import jax
import jax.numpy as jnp
from jax import lax
from jax.experimental import pallas as pl
from jax.experimental.pallas import tpu as pltpu
from jax.experimental.pallas import tpu_sc as plsc

_LANES = 16


def _make_tag_kernel(n_workers, n_chunks, chans, n_parts, hw):
    mesh = plsc.VectorSubcoreMesh(core_axis_name="c", subcore_axis_name="s")

    @functools.partial(
        pl.kernel,
        mesh=mesh,
        out_type=jax.ShapeDtypeStruct((n_workers, _LANES), jnp.float32),
        scratch_types=[
            pltpu.VMEM((n_chunks, 128), jnp.int32),
            pltpu.VMEM((2 * n_chunks, 128), jnp.int32),
            pltpu.VMEM((2 * n_chunks, 128), jnp.float32),
            pltpu.VMEM((n_chunks, 128), jnp.float32),
            pltpu.VMEM((n_chunks, 128), jnp.float32),
            pltpu.VMEM((_LANES,), jnp.float32),
            pltpu.SemaphoreType.DMA,
        ],
    )
    def tag_kernel(preds_flat, kp_idx, gt, vis, out,
                   idx_v, addr_v, vals_v, gt_v, vis_v, acc_v, sem):
        wid = lax.axis_index("s") * 2 + lax.axis_index("c")
        b = wid // 2
        pltpu.sync_copy(kp_idx.at[b], idx_v)
        pltpu.sync_copy(gt.at[b], gt_v)
        pltpu.sync_copy(vis.at[b], vis_v)
        for t in range(2):
            j = wid * 2 + t
            base = (j * chans + n_parts) * hw
            for c in range(n_chunks):
                for i in range(128 // _LANES):
                    sl = pl.ds(i * _LANES, _LANES)
                    addr_v[t * n_chunks + c, sl] = idx_v[c, sl] + base
        copies = [
            pltpu.async_copy(preds_flat.at[addr_v.at[r]], vals_v.at[r], sem)
            for r in range(2 * n_chunks)
        ]
        for cp in copies:
            cp.wait()
        acc = jnp.zeros((_LANES,), jnp.float32)
        for t in range(2):
            for c in range(n_chunks):
                for i in range(128 // _LANES):
                    sl = pl.ds(i * _LANES, _LANES)
                    d = vals_v[t * n_chunks + c, sl] - gt_v[c, sl]
                    acc = acc + d * d * vis_v[c, sl]
        acc_v[...] = acc
        pltpu.sync_copy(acc_v, out.at[wid])

    return tag_kernel


def _det_body(det_scale, preds_ref, heat_ref, mask_ref, out_ref):
    b = pl.program_id(0)
    d = preds_ref[...]
    h = heat_ref[...]
    m = mask_ref[...]
    psum = jnp.sum((d - h[:, None]) ** 2 * m[:, None, None])

    @pl.when(b == 0)
    def _():
        out_ref[0, 0] = 0.0

    out_ref[0, 0] = out_ref[0, 0] + psum * det_scale


def kernel(preds, masks, keypoints, gt_tags, heatmaps):
    loss_weights = (0.001, 1.0)
    B, nstack, chans, H, W = preds.shape
    n_parts = heatmaps.shape[1]
    tag_dim = gt_tags.shape[1]
    P, K = keypoints.shape[1], keypoints.shape[2]
    pk = P * K
    n_chunks = -(-pk // 128)
    pk_pad = n_chunks * 128
    n_workers = 32
    hw = H * W

    preds_flat = preds.reshape(-1)
    idx = keypoints[..., 0].astype(jnp.int32).reshape(B, pk)
    vis = keypoints[..., 1].astype(jnp.float32).reshape(B, pk)
    gt = gt_tags.astype(jnp.float32).reshape(B, pk)
    pad = ((0, 0), (0, pk_pad - pk))
    idx = jnp.pad(idx, pad).reshape(B, n_chunks, 128)
    vis = jnp.pad(vis, pad).reshape(B, n_chunks, 128)
    gt = jnp.pad(gt, pad).reshape(B, n_chunks, 128)

    tag_kernel = _make_tag_kernel(n_workers, n_chunks, chans, n_parts, hw)
    partials = tag_kernel(preds_flat, idx, gt, vis)

    tag_scale = loss_weights[0] / (B * nstack * tag_dim)
    det_scale = loss_weights[1] / (B * nstack * n_parts * H * W)
    out = pl.pallas_call(
        functools.partial(_det_body, det_scale),
        grid=(B // 2,),
        in_specs=[
            pl.BlockSpec((2, nstack, n_parts, H, W), lambda b: (b, 0, 0, 0, 0)),
            pl.BlockSpec((2, n_parts, H, W), lambda b: (b, 0, 0, 0)),
            pl.BlockSpec((2, H, W), lambda b: (b, 0, 0)),
        ],
        out_specs=pl.BlockSpec(memory_space=pltpu.SMEM),
        out_shape=jax.ShapeDtypeStruct((1, 1), jnp.float32),
        compiler_params=pltpu.CompilerParams(
            dimension_semantics=("arbitrary",)),
    )(preds, heatmaps, masks)
    return out[0, 0] + jnp.sum(partials) * tag_scale

# --- scband reference (transcript-rebuilt; emitter-appended) ---
"""Pipeline reference for scband-loss-supervised-tags-83880711290948 (READ-ONLY COPY).

The authoritative reference and input builder live on the scoring server;
editing this copy changes nothing except your own understanding.
"""

import jax, jax.numpy as jnp
import numpy as np


def setup_inputs(seed: int = 0) -> dict:
    key = jax.random.key(seed)
    ks = jax.random.split(key, 5)
    B, nstack, n_parts, tag_dim, H, W = 16, 4, 17, 1, 128, 128
    P, K = 30, 17
    C = (1 + tag_dim) * n_parts
    preds = jax.random.normal(ks[0], (B, nstack, C, H, W), dtype=jnp.float32)
    masks = jax.random.uniform(ks[1], (B, H, W), dtype=jnp.float32)
    keypoints = jax.random.randint(ks[2], (B, P, K, 2), 0, n_parts * H * W)
    gt_tags = jax.random.normal(ks[3], (B, tag_dim, P, K), dtype=jnp.float32)
    heatmaps = jax.random.uniform(ks[4], (B, n_parts, H, W), dtype=jnp.float32)
    return {"preds": preds, "masks": masks, "keypoints": keypoints, "gt_tags": gt_tags, "heatmaps": heatmaps}


def reference(preds, masks, keypoints, gt_tags, heatmaps):
    loss_weights = (0.001, 1.0)
    B = preds.shape[0]
    nstack = preds.shape[1]
    tag_dim = gt_tags.shape[1]
    n_parts = heatmaps.shape[1]
    P, K = keypoints.shape[1], keypoints.shape[2]
    # split detection channels and tag channels
    dets = preds[:, :, :n_parts]  # [B, nstack, n_parts, H, W]
    tags = preds[:, :, n_parts:(1 + tag_dim) * n_parts].reshape(B, nstack, tag_dim, -1)  # [B, nstack, tag_dim, n_parts*H*W]
    # supervised tag loss: gather predicted tags at keypoint locations
    idx = keypoints[..., 0].reshape(B, 1, 1, P * K)
    idx_b = jnp.broadcast_to(idx, (B, nstack, tag_dim, P * K))
    pred_tags = jnp.take_along_axis(tags, idx_b, axis=3).reshape(B, nstack, tag_dim, P, K)
    vis = keypoints[..., 1].astype(preds.dtype)[:, None, None, :, :]  # [B,1,1,P,K]
    l = (pred_tags - gt_tags[:, None, :, :, :]) ** 2 * vis
    # sum over keypoint dims, mean over tag dims -> [B, nstack]
    tag_loss = l.sum(axis=4).sum(axis=3).mean(axis=2)
    # heatmap detection loss
    det_l = (dets - heatmaps[:, None, :, :, :]) ** 2 * masks[:, None, None, :, :]
    detection_loss = det_l.mean(axis=4).mean(axis=3).mean(axis=2)  # [B, nstack]
    loss = loss_weights[0] * jnp.mean(tag_loss) + loss_weights[1] * jnp.mean(detection_loss)
    return loss

if __name__ == "__main__":
    import jax
    _d = setup_inputs()
    print(jax.jit(kernel)(*tuple(_d.values())))

</pallas_src>

<mosaic_0001>
#map = affine_map<(d0, d1) -> (0)>
#map1 = affine_map<(d0, d1) -> (0, 0, 0)>
#map2 = affine_map<(d0, d1) -> (0, 0)>
module attributes {stable_mosaic.version = 14 : i64} {
  func.func @tag_kernel(%arg0: i32, %arg1: i32, %arg2: memref<35651584xf32, #tpu.memory_space<hbm>>, %arg3: memref<16x4x128xi32, #tpu.memory_space<hbm>>, %arg4: memref<16x4x128xf32, #tpu.memory_space<hbm>>, %arg5: memref<16x4x128xf32, #tpu.memory_space<hbm>>, %arg6: memref<32x16xf32, #tpu.memory_space<hbm>>, %arg7: memref<4x128xi32, #tpu.memory_space<vmem>>, %arg8: memref<8x128xi32, #tpu.memory_space<vmem>>, %arg9: memref<8x128xf32, #tpu.memory_space<vmem>>, %arg10: memref<4x128xf32, #tpu.memory_space<vmem>>, %arg11: memref<4x128xf32, #tpu.memory_space<vmem>>, %arg12: memref<16xf32, #tpu.memory_space<vmem>>, %arg13: memref<!tpu.dma_semaphore, #tpu.memory_space<semaphore_mem>>) attributes {dimension_semantics = [#tpu.dimension_semantics<core_parallel>, #tpu.dimension_semantics<subcore_parallel>], iteration_bounds = array<i64: 2, 16>, scalar_prefetch = 0 : i64, scratch_operands = 7 : i64, tpu.core_type = #tpu.core_type<sc_vector_subcore>, window_params = [{transform_indices = #map}, {transform_indices = #map1}, {transform_indices = #map1}, {transform_indices = #map1}, {transform_indices = #map2}]} {
    %mul3A = arith.constant 2 : i32
    %mul3A_0 = arith.muli %arg1, %mul3A : i32
    %add3A = arith.addi %mul3A_0, %arg0 : i32
    %jit3A = arith.constant 2 : i32
    %div3A = arith.divsi %add3A, %jit3A : i32
    %sign3A = arith.constant 0 : i32
    %sign3A_1 = arith.cmpi sgt, %add3A, %sign3A : i32
    %sign3A_2 = arith.extui %sign3A_1 : i1 to i32
    %sign3A_3 = arith.constant 0 : i32
    %sign3A_4 = arith.cmpi slt, %add3A, %sign3A_3 : i32
    %sign3A_5 = arith.extui %sign3A_4 : i1 to i32
    %sign3A_6 = arith.subi %sign3A_2, %sign3A_5 : i32
    %sign3A_7 = arith.constant 0 : i32
    %sign3A_8 = arith.cmpi sgt, %jit3A, %sign3A_7 : i32
    %sign3A_9 = arith.extui %sign3A_8 : i1 to i32
    %sign3A_10 = arith.constant 0 : i32
    %sign3A_11 = arith.cmpi slt, %jit3A, %sign3A_10 : i32
    %sign3A_12 = arith.extui %sign3A_11 : i1 to i32
    %sign3A_13 = arith.subi %sign3A_9, %sign3A_12 : i32
    %ne3A = arith.cmpi ne, %sign3A_6, %sign3A_13 : i32
    %rem3A = arith.remsi %add3A, %jit3A : i32
    %ne3A_14 = arith.constant 0 : i32
    %ne3A_15 = arith.cmpi ne, %rem3A, %ne3A_14 : i32
    %and3A = arith.andi %ne3A, %ne3A_15 : i1
    %sub3A = arith.constant 1 : i32
    %sub3A_16 = arith.subi %div3A, %sub3A : i32
    %select_n3A = arith.select %and3A, %sub3A_16, %div3A : i32
    "tpu.region"() ({
      %run_scoped3A = tpu.sem_alloc : memref<!tpu.dma_semaphore, #tpu.memory_space<semaphore_mem>>
      %dma_start3A_2246 = arith.constant 0 : i32
      %dma_start3A_2247 = arith.constant 0 : i32
      %dma_start3A_2248 = tpu.memref_slice %arg3[%select_n3A, %dma_start3A_2246, %dma_start3A_2247] : memref<16x4x128xi32, #tpu.memory_space<hbm>> -> memref<1x4x128xi32, #tpu.memory_space<hbm>>
      %dma_start3A_2249 = tpu.memref_squeeze %dma_start3A_2248 : memref<1x4x128xi32, #tpu.memory_space<hbm>> -> memref<4x128xi32, #tpu.memory_space<hbm>>
      %dma_start3A_2250 = arith.constant 0 : i32
      %dma_start3A_2251 = arith.constant 0 : i32
      %dma_start3A_2252 = tpu.memref_slice %arg3[%select_n3A, %dma_start3A_2250, %dma_start3A_2251] : memref<16x4x128xi32, #tpu.memory_space<hbm>> -> memref<1x4x128xi32, #tpu.memory_space<hbm>>
      %dma_start3A_2253 = tpu.memref_squeeze %dma_start3A_2252 : memref<1x4x128xi32, #tpu.memory_space<hbm>> -> memref<4x128xi32, #tpu.memory_space<hbm>>
      tpu.enqueue_dma source(%dma_start3A_2253 : memref<4x128xi32, #tpu.memory_space<hbm>>) target(%arg7 : memref<4x128xi32, #tpu.memory_space<vmem>>) target_semaphore(%run_scoped3A : memref<!tpu.dma_semaphore, #tpu.memory_space<semaphore_mem>>)
      %dma_wait3A_2254 = arith.constant 0 : i32
      %dma_wait3A_2255 = arith.constant 0 : i32
      %dma_wait3A_2256 = tpu.memref_slice %arg3[%select_n3A, %dma_wait3A_2254, %dma_wait3A_2255] : memref<16x4x128xi32, #tpu.memory_space<hbm>> -> memref<1x4x128xi32, #tpu.memory_space<hbm>>
      %dma_wait3A_2257 = tpu.memref_squeeze %dma_wait3A_2256 : memref<1x4x128xi32, #tpu.memory_space<hbm>> -> memref<4x128xi32, #tpu.memory_space<hbm>>
      %dma_wait3A_2258 = arith.constant 0 : i32
      %dma_wait3A_2259 = arith.constant 0 : i32
      %dma_wait3A_2260 = tpu.memref_slice %arg3[%select_n3A, %dma_wait3A_2258, %dma_wait3A_2259] : memref<16x4x128xi32, #tpu.memory_space<hbm>> -> memref<1x4x128xi32, #tpu.memory_space<hbm>>
      %dma_wait3A_2261 = tpu.memref_squeeze %dma_wait3A_2260 : memref<1x4x128xi32, #tpu.memory_space<hbm>> -> memref<4x128xi32, #tpu.memory_space<hbm>>
      tpu.wait_dma2 semaphore(%run_scoped3A : memref<!tpu.dma_semaphore, #tpu.memory_space<semaphore_mem>>) src(%dma_wait3A_2261 : memref<4x128xi32, #tpu.memory_space<hbm>>) dst(%arg7 : memref<4x128xi32, #tpu.memory_space<vmem>>)
      tpu.yield
    }) : () -> ()
    "tpu.region"() ({
      %run_scoped3A = tpu.sem_alloc : memref<!tpu.dma_semaphore, #tpu.memory_space<semaphore_mem>>
      %dma_start3A_2246 = arith.constant 0 : i32
      %dma_start3A_2247 = arith.constant 0 : i32
      %dma_start3A_2248 = tpu.memref_slice %arg4[%select_n3A, %dma_start3A_2246, %dma_start3A_2247] : memref<16x4x128xf32, #tpu.memory_space<hbm>> -> memref<1x4x128xf32, #tpu.memory_space<hbm>>
      %dma_start3A_2249 = tpu.memref_squeeze %dma_start3A_2248 : memref<1x4x128xf32, #tpu.memory_space<hbm>> -> memref<4x128xf32, #tpu.memory_space<hbm>>
      %dma_start3A_2250 = arith.constant 0 : i32
      %dma_start3A_2251 = arith.constant 0 : i32
      %dma_start3A_2252 = tpu.memref_slice %arg4[%select_n3A, %dma_start3A_2250, %dma_start3A_2251] : memref<16x4x128xf32, #tpu.memory_space<hbm>> -> memref<1x4x128xf32, #tpu.memory_space<hbm>>
      %dma_start3A_2253 = tpu.memref_squeeze %dma_start3A_2252 : memref<1x4x128xf32, #tpu.memory_space<hbm>> -> memref<4x128xf32, #tpu.memory_space<hbm>>
      tpu.enqueue_dma source(%dma_start3A_2253 : memref<4x128xf32, #tpu.memory_space<hbm>>) target(%arg10 : memref<4x128xf32, #tpu.memory_space<vmem>>) target_semaphore(%run_scoped3A : memref<!tpu.dma_semaphore, #tpu.memory_space<semaphore_mem>>)
      %dma_wait3A_2254 = arith.constant 0 : i32
      %dma_wait3A_2255 = arith.constant 0 : i32
      %dma_wait3A_2256 = tpu.memref_slice %arg4[%select_n3A, %dma_wait3A_2254, %dma_wait3A_2255] : memref<16x4x128xf32, #tpu.memory_space<hbm>> -> memref<1x4x128xf32, #tpu.memory_space<hbm>>
      %dma_wait3A_2257 = tpu.memref_squeeze %dma_wait3A_2256 : memref<1x4x128xf32, #tpu.memory_space<hbm>> -> memref<4x128xf32, #tpu.memory_space<hbm>>
      %dma_wait3A_2258 = arith.constant 0 : i32
      %dma_wait3A_2259 = arith.constant 0 : i32
      %dma_wait3A_2260 = tpu.memref_slice %arg4[%select_n3A, %dma_wait3A_2258, %dma_wait3A_2259] : memref<16x4x128xf32, #tpu.memory_space<hbm>> -> memref<1x4x128xf32, #tpu.memory_space<hbm>>
      %dma_wait3A_2261 = tpu.memref_squeeze %dma_wait3A_2260 : memref<1x4x128xf32, #tpu.memory_space<hbm>> -> memref<4x128xf32, #tpu.memory_space<hbm>>
      tpu.wait_dma2 semaphore(%run_scoped3A : memref<!tpu.dma_semaphore, #tpu.memory_space<semaphore_mem>>) src(%dma_wait3A_2261 : memref<4x128xf32, #tpu.memory_space<hbm>>) dst(%arg10 : memref<4x128xf32, #tpu.memory_space<vmem>>)
      tpu.yield
    }) : () -> ()
    "tpu.region"() ({
      %run_scoped3A = tpu.sem_alloc : memref<!tpu.dma_semaphore, #tpu.memory_space<semaphore_mem>>
      %dma_start3A_2246 = arith.constant 0 : i32
      %dma_start3A_2247 = arith.constant 0 : i32
      %dma_start3A_2248 = tpu.memref_slice %arg5[%select_n3A, %dma_start3A_2246, %dma_start3A_2247] : memref<16x4x128xf32, #tpu.memory_space<hbm>> -> memref<1x4x128xf32, #tpu.memory_space<hbm>>
      %dma_start3A_2249 = tpu.memref_squeeze %dma_start3A_2248 : memref<1x4x128xf32, #tpu.memory_space<hbm>> -> memref<4x128xf32, #tpu.memory_space<hbm>>
      %dma_start3A_2250 = arith.constant 0 : i32
      %dma_start3A_2251 = arith.constant 0 : i32
      %dma_start3A_2252 = tpu.memref_slice %arg5[%select_n3A, %dma_start3A_2250, %dma_start3A_2251] : memref<16x4x128xf32, #tpu.memory_space<hbm>> -> memref<1x4x128xf32, #tpu.memory_space<hbm>>
      %dma_start3A_2253 = tpu.memref_squeeze %dma_start3A_2252 : memref<1x4x128xf32, #tpu.memory_space<hbm>> -> memref<4x128xf32, #tpu.memory_space<hbm>>
      tpu.enqueue_dma source(%dma_start3A_2253 : memref<4x128xf32, #tpu.memory_space<hbm>>) target(%arg11 : memref<4x128xf32, #tpu.memory_space<vmem>>) target_semaphore(%run_scoped3A : memref<!tpu.dma_semaphore, #tpu.memory_space<semaphore_mem>>)
      %dma_wait3A_2254 = arith.constant 0 : i32
      %dma_wait3A_2255 = arith.constant 0 : i32
      %dma_wait3A_2256 = tpu.memref_slice %arg5[%select_n3A, %dma_wait3A_2254, %dma_wait3A_2255] : memref<16x4x128xf32, #tpu.memory_space<hbm>> -> memref<1x4x128xf32, #tpu.memory_space<hbm>>
      %dma_wait3A_2257 = tpu.memref_squeeze %dma_wait3A_2256 : memref<1x4x128xf32, #tpu.memory_space<hbm>> -> memref<4x128xf32, #tpu.memory_space<hbm>>
      %dma_wait3A_2258 = arith.constant 0 : i32
      %dma_wait3A_2259 = arith.constant 0 : i32
      %dma_wait3A_2260 = tpu.memref_slice %arg5[%select_n3A, %dma_wait3A_2258, %dma_wait3A_2259] : memref<16x4x128xf32, #tpu.memory_space<hbm>> -> memref<1x4x128xf32, #tpu.memory_space<hbm>>
      %dma_wait3A_2261 = tpu.memref_squeeze %dma_wait3A_2260 : memref<1x4x128xf32, #tpu.memory_space<hbm>> -> memref<4x128xf32, #tpu.memory_space<hbm>>
      tpu.wait_dma2 semaphore(%run_scoped3A : memref<!tpu.dma_semaphore, #tpu.memory_space<semaphore_mem>>) src(%dma_wait3A_2261 : memref<4x128xf32, #tpu.memory_space<hbm>>) dst(%arg11 : memref<4x128xf32, #tpu.memory_space<vmem>>)
      tpu.yield
    }) : () -> ()
    %mul3A_17 = arith.constant 2 : i32
    %mul3A_18 = arith.muli %add3A, %mul3A_17 : i32
    %add3A_19 = arith.constant 0 : i32
    %add3A_20 = arith.addi %mul3A_18, %add3A_19 : i32
    %mul3A_21 = arith.constant 34 : i32
    %mul3A_22 = arith.muli %add3A_20, %mul3A_21 : i32
    %add3A_23 = arith.constant 17 : i32
    %add3A_24 = arith.addi %mul3A_22, %add3A_23 : i32
    %mul3A_25 = arith.constant 16384 : i32
    %mul3A_26 = arith.muli %add3A_24, %mul3A_25 : i32
    %get3A = arith.constant 0 : i32
    %get3A_27 = arith.index_cast %get3A : i32 to index
    %get3A_28 = arith.constant 0 : index
    %get3A_29 = tpu.vector_load %arg7[%get3A_27, %get3A_28] {strides = array<i32>} : memref<4x128xi32, #tpu.memory_space<vmem>>, vector<1x16xi32>,
    %get3A_30 = vector.shape_cast %get3A_29 : vector<1x16xi32> to vector<16xi32>
    %add3A_31 = vector.broadcast %mul3A_26 : i32 to vector<16xi32>
    %add3A_32 = arith.addi %get3A_30, %add3A_31 : vector<16xi32>
    %swap3A = arith.constant 0 : i32
    %swap3A_33 = arith.index_cast %swap3A : i32 to index
    %swap3A_34 = arith.constant 0 : index
    %swap3A_35 = tpu.vector_load %arg8[%swap3A_33, %swap3A_34] {strides = array<i32>} : memref<8x128xi32, #tpu.memory_space<vmem>>, vector<1x16xi32>,
    %swap3A_36 = vector.shape_cast %swap3A_35 : vector<1x16xi32> to vector<16xi32>
    %swap3A_37 = vector.shape_cast %add3A_32 : vector<16xi32> to vector<1x16xi32>
    tpu.vector_store %arg8[%swap3A_33, %swap3A_34], %swap3A_37 {strides = array<i32>} : memref<8x128xi32, #tpu.memory_space<vmem>>, vector<1x16xi32>,
    %get3A_38 = arith.constant 0 : i32
    %get3A_39 = arith.index_cast %get3A_38 : i32 to index
    %get3A_40 = arith.constant 16 : index
    %get3A_41 = tpu.vector_load %arg7[%get3A_39, %get3A_40] {strides = array<i32>} : memref<4x128xi32, #tpu.memory_space<vmem>>, vector<1x16xi32>,
    %get3A_42 = vector.shape_cast %get3A_41 : vector<1x16xi32> to vector<16xi32>
    %add3A_43 = vector.broadcast %mul3A_26 : i32 to vector<16xi32>
    %add3A_44 = arith.addi %get3A_42, %add3A_43 : vector<16xi32>
    %swap3A_45 = arith.constant 0 : i32
    %swap3A_46 = arith.index_cast %swap3A_45 : i32 to index
    %swap3A_47 = arith.constant 16 : index
    %swap3A_48 = tpu.vector_load %arg8[%swap3A_46, %swap3A_47] {strides = array<i32>} : memref<8x128xi32, #tpu.memory_space<vmem>>, vector<1x16xi32>,
    %swap3A_49 = vector.shape_cast %swap3A_48 : vector<1x16xi32> to vector<16xi32>
    %swap3A_50 = vector.shape_cast %add3A_44 : vector<16xi32> to vector<1x16xi32>
    tpu.vector_store %arg8[%swap3A_46, %swap3A_47], %swap3A_50 {strides = array<i32>} : memref<8x128xi32, #tpu.memory_space<vmem>>, vector<1x16xi32>,
    %get3A_51 = arith.constant 0 : i32
    %get3A_52 = arith.index_cast %get3A_51 : i32 to index
    %get3A_53 = arith.constant 32 : index
    %get3A_54 = tpu.vector_load %arg7[%get3A_52, %get3A_53] {strides = array<i32>} : memref<4x128xi32, #tpu.memory_space<vmem>>, vector<1x16xi32>,
    %get3A_55 = vector.shape_cast %get3A_54 : vector<1x16xi32> to vector<16xi32>
    %add3A_56 = vector.broadcast %mul3A_26 : i32 to vector<16xi32>
    %add3A_57 = arith.addi %get3A_55, %add3A_56 : vector<16xi32>
    %swap3A_58 = arith.constant 0 : i32
    %swap3A_59 = arith.index_cast %swap3A_58 : i32 to index
    %swap3A_60 = arith.constant 32 : index
    %swap3A_61 = tpu.vector_load %arg8[%swap3A_59, %swap3A_60] {strides = array<i32>} : memref<8x128xi32, #tpu.memory_space<vmem>>, vector<1x16xi32>,
    %swap3A_62 = vector.shape_cast %swap3A_61 : vector<1x16xi32> to vector<16xi32>
    %swap3A_63 = vector.shape_cast %add3A_57 : vector<16xi32> to vector<1x16xi32>
    tpu.vector_store %arg8[%swap3A_59, %swap3A_60], %swap3A_63 {strides = array<i32>} : memref<8x128xi32, #tpu.memory_space<vmem>>, vector<1x16xi32>,
    %get3A_64 = arith.constant 0 : i32
    %get3A_65 = arith.index_cast %get3A_64 : i32 to index
    %get3A_66 = arith.constant 48 : index
    %get3A_67 = tpu.vector_load %arg7[%get3A_65, %get3A_66] {strides = array<i32>} : memref<4x128xi32, #tpu.memory_space<vmem>>, vector<1x16xi32>,
    %get3A_68 = vector.shape_cast %get3A_67 : vector<1x16xi32> to vector<16xi32>
    %add3A_69 = vector.broadcast %mul3A_26 : i32 to vector<16xi32>
    %add3A_70 = arith.addi %get3A_68, %add3A_69 : vector<16xi32>
    %swap3A_71 = arith.constant 0 : i32
    %swap3A_72 = arith.index_cast %swap3A_71 : i32 to index
    %swap3A_73 = arith.constant 48 : index
    %swap3A_74 = tpu.vector_load %arg8[%swap3A_72, %swap3A_73] {strides = array<i32>} : memref<8x128xi32, #tpu.memory_space<vmem>>, vector<1x16xi32>,
    %swap3A_75 = vector.shape_cast %swap3A_74 : vector<1x16xi32> to vector<16xi32>
    %swap3A_76 = vector.shape_cast %add3A_70 : vector<16xi32> to vector<1x16xi32>
    tpu.vector_store %arg8[%swap3A_72, %swap3A_73], %swap3A_76 {strides = array<i32>} : memref<8x128xi32, #tpu.memory_space<vmem>>, vector<1x16xi32>,
    %get3A_77 = arith.constant 0 : i32
    %get3A_78 = arith.index_cast %get3A_77 : i32 to index
    %get3A_79 = arith.constant 64 : index
    %get3A_80 = tpu.vector_load %arg7[%get3A_78, %get3A_79] {strides = array<i32>} : memref<4x128xi32, #tpu.memory_space<vmem>>, vector<1x16xi32>,
    %get3A_81 = vector.shape_cast %get3A_80 : vector<1x16xi32> to vector<16xi32>
    %add3A_82 = vector.broadcast %mul3A_26 : i32 to vector<16xi32>
    %add3A_83 = arith.addi %get3A_81, %add3A_82 : vector<16xi32>
    %swap3A_84 = arith.constant 0 : i32
    %swap3A_85 = arith.index_cast %swap3A_84 : i32 to index
    %swap3A_86 = arith.constant 64 : index
    %swap3A_87 = tpu.vector_load %arg8[%swap3A_85, %swap3A_86] {strides = array<i32>} : memref<8x128xi32, #tpu.memory_space<vmem>>, vector<1x16xi32>,
    %swap3A_88 = vector.shape_cast %swap3A_87 : vector<1x16xi32> to vector<16xi32>
    %swap3A_89 = vector.shape_cast %add3A_83 : vector<16xi32> to vector<1x16xi32>
    tpu.vector_store %arg8[%swap3A_85, %swap3A_86], %swap3A_89 {strides = array<i32>} : memref<8x128xi32, #tpu.memory_space<vmem>>, vector<1x16xi32>,
    %get3A_90 = arith.constant 0 : i32
    %get3A_91 = arith.index_cast %get3A_90 : i32 to index
    %get3A_92 = arith.constant 80 : index
    %get3A_93 = tpu.vector_load %arg7[%get3A_91, %get3A_92] {strides = array<i32>} : memref<4x128xi32, #tpu.memory_space<vmem>>, vector<1x16xi32>,
    %get3A_94 = vector.shape_cast %get3A_93 : vector<1x16xi32> to vector<16xi32>
    %add3A_95 = vector.broadcast %mul3A_26 : i32 to vector<16xi32>
    %add3A_96 = arith.addi %get3A_94, %add3A_95 : vector<16xi32>
    %swap3A_97 = arith.constant 0 : i32
    %swap3A_98 = arith.index_cast %swap3A_97 : i32 to index
    %swap3A_99 = arith.constant 80 : index
    %swap3A_100 = tpu.vector_load %arg8[%swap3A_98, %swap3A_99] {strides = array<i32>} : memref<8x128xi32, #tpu.memory_space<vmem>>, vector<1x16xi32>,
    %swap3A_101 = vector.shape_cast %swap3A_100 : vector<1x16xi32> to vector<16xi32>
    %swap3A_102 = vector.shape_cast %add3A_96 : vector<16xi32> to vector<1x16xi32>
    tpu.vector_store %arg8[%swap3A_98, %swap3A_99], %swap3A_102 {strides = array<i32>} : memref<8x128xi32, #tpu.memory_space<vmem>>, vector<1x16xi32>,
    %get3A_103 = arith.constant 0 : i32
    %get3A_104 = arith.index_cast %get3A_103 : i32 to index
    %get3A_105 = arith.constant 96 : index
    %get3A_106 = tpu.vector_load %arg7[%get3A_104, %get3A_105] {strides = array<i32>} : memref<4x128xi32, #tpu.memory_space<vmem>>, vector<1x16xi32>,
    %get3A_107 = vector.shape_cast %get3A_106 : vector<1x16xi32> to vector<16xi32>
    %add3A_108 = vector.broadcast %mul3A_26 : i32 to vector<16xi32>
    %add3A_109 = arith.addi %get3A_107, %add3A_108 : vector<16xi32>
    %swap3A_110 = arith.constant 0 : i32
    %swap3A_111 = arith.index_cast %swap3A_110 : i32 to index
    %swap3A_112 = arith.constant 96 : index
    %swap3A_113 = tpu.vector_load %arg8[%swap3A_111, %swap3A_112] {strides = array<i32>} : memref<8x128xi32, #tpu.memory_space<vmem>>, vector<1x16xi32>,
    %swap3A_114 = vector.shape_cast %swap3A_113 : vector<1x16xi32> to vector<16xi32>
    %swap3A_115 = vector.shape_cast %add3A_109 : vector<16xi32> to vector<1x16xi32>
    tpu.vector_store %arg8[%swap3A_111, %swap3A_112], %swap3A_115 {strides = array<i32>} : memref<8x128xi32, #tpu.memory_space<vmem>>, vector<1x16xi32>,
    %get3A_116 = arith.constant 0 : i32
    %get3A_117 = arith.index_cast %get3A_116 : i32 to index
    %get3A_118 = arith.constant 112 : index
    %get3A_119 = tpu.vector_load %arg7[%get3A_117, %get3A_118] {strides = array<i32>} : memref<4x128xi32, #tpu.memory_space<vmem>>, vector<1x16xi32>,
    %get3A_120 = vector.shape_cast %get3A_119 : vector<1x16xi32> to vector<16xi32>
    %add3A_121 = vector.broadcast %mul3A_26 : i32 to vector<16xi32>
    %add3A_122 = arith.addi %get3A_120, %add3A_121 : vector<16xi32>
    %swap3A_123 = arith.constant 0 : i32
    %swap3A_124 = arith.index_cast %swap3A_123 : i32 to index
    %swap3A_125 = arith.constant 112 : index
    %swap3A_126 = tpu.vector_load %arg8[%swap3A_124, %swap3A_125] {strides = array<i32>} : memref<8x128xi32, #tpu.memory_space<vmem>>, vector<1x16xi32>,
    %swap3A_127 = vector.shape_cast %swap3A_126 : vector<1x16xi32> to vector<16xi32>
    %swap3A_128 = vector.shape_cast %add3A_122 : vector<16xi32> to vector<1x16xi32>
    tpu.vector_store %arg8[%swap3A_124, %swap3A_125], %swap3A_128 {strides = array<i32>} : memref<8x128xi32, #tpu.memory_space<vmem>>, vector<1x16xi32>,
    %get3A_129 = arith.constant 1 : i32
    %get3A_130 = arith.index_cast %get3A_129 : i32 to index
    %get3A_131 = arith.constant 0 : index
    %get3A_132 = tpu.vector_load %arg7[%get3A_130, %get3A_131] {strides = array<i32>} : memref<4x128xi32, #tpu.memory_space<vmem>>, vector<1x16xi32>,
    %get3A_133 = vector.shape_cast %get3A_132 : vector<1x16xi32> to vector<16xi32>
    %add3A_134 = vector.broadcast %mul3A_26 : i32 to vector<16xi32>
    %add3A_135 = arith.addi %get3A_133, %add3A_134 : vector<16xi32>
    %swap3A_136 = arith.constant 1 : i32
    %swap3A_137 = arith.index_cast %swap3A_136 : i32 to index
    %swap3A_138 = arith.constant 0 : index
    %swap3A_139 = tpu.vector_load %arg8[%swap3A_137, %swap3A_138] {strides = array<i32>} : memref<8x128xi32, #tpu.memory_space<vmem>>, vector<1x16xi32>,
    %swap3A_140 = vector.shape_cast %swap3A_139 : vector<1x16xi32> to vector<16xi32>
    %swap3A_141 = vector.shape_cast %add3A_135 : vector<16xi32> to vector<1x16xi32>
    tpu.vector_store %arg8[%swap3A_137, %swap3A_138], %swap3A_141 {strides = array<i32>} : memref<8x128xi32, #tpu.memory_space<vmem>>, vector<1x16xi32>,
    %get3A_142 = arith.constant 1 : i32
    %get3A_143 = arith.index_cast %get3A_142 : i32 to index
    %get3A_144 = arith.constant 16 : index
    %get3A_145 = tpu.vector_load %arg7[%get3A_143, %get3A_144] {strides = array<i32>} : memref<4x128xi32, #tpu.memory_space<vmem>>, vector<1x16xi32>,
    %get3A_146 = vector.shape_cast %get3A_145 : vector<1x16xi32> to vector<16xi32>
    %add3A_147 = vector.broadcast %mul3A_26 : i32 to vector<16xi32>
    %add3A_148 = arith.addi %get3A_146, %add3A_147 : vector<16xi32>
    %swap3A_149 = arith.constant 1 : i32
    %swap3A_150 = arith.index_cast %swap3A_149 : i32 to index
    %swap3A_151 = arith.constant 16 : index
    %swap3A_152 = tpu.vector_load %arg8[%swap3A_150, %swap3A_151] {strides = array<i32>} : memref<8x128xi32, #tpu.memory_space<vmem>>, vector<1x16xi32>,
    %swap3A_153 = vector.shape_cast %swap3A_152 : vector<1x16xi32> to vector<16xi32>
    %swap3A_154 = vector.shape_cast %add3A_148 : vector<16xi32> to vector<1x16xi32>
    tpu.vector_store %arg8[%swap3A_150, %swap3A_151], %swap3A_154 {strides = array<i32>} : memref<8x128xi32, #tpu.memory_space<vmem>>, vector<1x16xi32>,
    %get3A_155 = arith.constant 1 : i32
    %get3A_156 = arith.index_cast %get3A_155 : i32 to index
    %get3A_157 = arith.constant 32 : index
    %get3A_158 = tpu.vector_load %arg7[%get3A_156, %get3A_157] {strides = array<i32>} : memref<4x128xi32, #tpu.memory_space<vmem>>, vector<1x16xi32>,
    %get3A_159 = vector.shape_cast %get3A_158 : vector<1x16xi32> to vector<16xi32>
    %add3A_160 = vector.broadcast %mul3A_26 : i32 to vector<16xi32>
    %add3A_161 = arith.addi %get3A_159, %add3A_160 : vector<16xi32>
    %swap3A_162 = arith.constant 1 : i32
    %swap3A_163 = arith.index_cast %swap3A_162 : i32 to index
    %swap3A_164 = arith.constant 32 : index
    %swap3A_165 = tpu.vector_load %arg8[%swap3A_163, %swap3A_164] {strides = array<i32>} : memref<8x128xi32, #tpu.memory_space<vmem>>, vector<1x16xi32>,
    %swap3A_166 = vector.shape_cast %swap3A_165 : vector<1x16xi32> to vector<16xi32>
    %swap3A_167 = vector.shape_cast %add3A_161 : vector<16xi32> to vector<1x16xi32>
    tpu.vector_store %arg8[%swap3A_163, %swap3A_164], %swap3A_167 {strides = array<i32>} : memref<8x128xi32, #tpu.memory_space<vmem>>, vector<1x16xi32>,
    %get3A_168 = arith.constant 1 : i32
    %get3A_169 = arith.index_cast %get3A_168 : i32 to index
    %get3A_170 = arith.constant 48 : index
    %get3A_171 = tpu.vector_load %arg7[%get3A_169, %get3A_170] {strides = array<i32>} : memref<4x128xi32, #tpu.memory_space<vmem>>, vector<1x16xi32>,
    %get3A_172 = vector.shape_cast %get3A_171 : vector<1x16xi32> to vector<16xi32>
    %add3A_173 = vector.broadcast %mul3A_26 : i32 to vector<16xi32>
    %add3A_174 = arith.addi %get3A_172, %add3A_173 : vector<16xi32>
    %swap3A_175 = arith.constant 1 : i32
    %swap3A_176 = arith.index_cast %swap3A_175 : i32 to index
    %swap3A_177 = arith.constant 48 : index
    %swap3A_178 = tpu.vector_load %arg8[%swap3A_176, %swap3A_177] {strides = array<i32>} : memref<8x128xi32, #tpu.memory_space<vmem>>, vector<1x16xi32>,
    %swap3A_179 = vector.shape_cast %swap3A_178 : vector<1x16xi32> to vector<16xi32>
    %swap3A_180 = vector.shape_cast %add3A_174 : vector<16xi32> to vector<1x16xi32>
    tpu.vector_store %arg8[%swap3A_176, %swap3A_177], %swap3A_180 {strides = array<i32>} : memref<8x128xi32, #tpu.memory_space<vmem>>, vector<1x16xi32>,
    %get3A_181 = arith.constant 1 : i32
    %get3A_182 = arith.index_cast %get3A_181 : i32 to index
    %get3A_183 = arith.constant 64 : index
    %get3A_184 = tpu.vector_load %arg7[%get3A_182, %get3A_183] {strides = array<i32>} : memref<4x128xi32, #tpu.memory_space<vmem>>, vector<1x16xi32>,
    %get3A_185 = vector.shape_cast %get3A_184 : vector<1x16xi32> to vector<16xi32>
    %add3A_186 = vector.broadcast %mul3A_26 : i32 to vector<16xi32>
    %add3A_187 = arith.addi %get3A_185, %add3A_186 : vector<16xi32>
    %swap3A_188 = arith.constant 1 : i32
    %swap3A_189 = arith.index_cast %swap3A_188 : i32 to index
    %swap3A_190 = arith.constant 64 : index
    %swap3A_191 = tpu.vector_load %arg8[%swap3A_189, %swap3A_190] {strides = array<i32>} : memref<8x128xi32, #tpu.memory_space<vmem>>, vector<1x16xi32>,
    %swap3A_192 = vector.shape_cast %swap3A_191 : vector<1x16xi32> to vector<16xi32>
    %swap3A_193 = vector.shape_cast %add3A_187 : vector<16xi32> to vector<1x16xi32>
    tpu.vector_store %arg8[%swap3A_189, %swap3A_190], %swap3A_193 {strides = array<i32>} : memref<8x128xi32, #tpu.memory_space<vmem>>, vector<1x16xi32>,
    %get3A_194 = arith.constant 1 : i32
    %get3A_195 = arith.index_cast %get3A_194 : i32 to index
    %get3A_196 = arith.constant 80 : index
    %get3A_197 = tpu.vector_load %arg7[%get3A_195, %get3A_196] {strides = array<i32>} : memref<4x128xi32, #tpu.memory_space<vmem>>, vector<1x16xi32>,
    %get3A_198 = vector.shape_cast %get3A_197 : vector<1x16xi32> to vector<16xi32>
    %add3A_199 = vector.broadcast %mul3A_26 : i32 to vector<16xi32>
    %add3A_200 = arith.addi %get3A_198, %add3A_199 : vector<16xi32>
    %swap3A_201 = arith.constant 1 : i32
    %swap3A_202 = arith.index_cast %swap3A_201 : i32 to index
    %swap3A_203 = arith.constant 80 : index
    %swap3A_204 = tpu.vector_load %arg8[%swap3A_202, %swap3A_203] {strides = array<i32>} : memref<8x128xi32, #tpu.memory_space<vmem>>, vector<1x16xi32>,
    %swap3A_205 = vector.shape_cast %swap3A_204 : vector<1x16xi32> to vector<16xi32>
    %swap3A_206 = vector.shape_cast %add3A_200 : vector<16xi32> to vector<1x16xi32>
    tpu.vector_store %arg8[%swap3A_202, %swap3A_203], %swap3A_206 {strides = array<i32>} : memref<8x128xi32, #tpu.memory_space<vmem>>, vector<1x16xi32>,
    %get3A_207 = arith.constant 1 : i32
    %get3A_208 = arith.index_cast %get3A_207 : i32 to index
    %get3A_209 = arith.constant 96 : index
    %get3A_210 = tpu.vector_load %arg7[%get3A_208, %get3A_209] {strides = array<i32>} : memref<4x128xi32, #tpu.memory_space<vmem>>, vector<1x16xi32>,
    %get3A_211 = vector.shape_cast %get3A_210 : vector<1x16xi32> to vector<16xi32>
    %add3A_212 = vector.broadcast %mul3A_26 : i32 to vector<16xi32>
    %add3A_213 = arith.addi %get3A_211, %add3A_212 : vector<16xi32>
    %swap3A_214 = arith.constant 1 : i32
    %swap3A_215 = arith.index_cast %swap3A_214 : i32 to index
    %swap3A_216 = arith.constant 96 : index
    %swap3A_217 = tpu.vector_load %arg8[%swap3A_215, %swap3A_216] {strides = array<i32>} : memref<8x128xi32, #tpu.memory_space<vmem>>, vector<1x16xi32>,
    %swap3A_218 = vector.shape_cast %swap3A_217 : vector<1x16xi32> to vector<16xi32>
    %swap3A_219 = vector.shape_cast %add3A_213 : vector<16xi32> to vector<1x16xi32>
    tpu.vector_store %arg8[%swap3A_215, %swap3A_216], %swap3A_219 {strides = array<i32>} : memref<8x128xi32, #tpu.memory_space<vmem>>, vector<1x16xi32>,
    %get3A_220 = arith.constant 1 : i32
    %get3A_221 = arith.index_cast %get3A_220 : i32 to index
    %get3A_222 = arith.constant 112 : index
    %get3A_223 = tpu.vector_load %arg7[%get3A_221, %get3A_222] {strides = array<i32>} : memref<4x128xi32, #tpu.memory_space<vmem>>, vector<1x16xi32>,
    %get3A_224 = vector.shape_cast %get3A_223 : vector<1x16xi32> to vector<16xi32>
    %add3A_225 = vector.broadcast %mul3A_26 : i32 to vector<16xi32>
    %add3A_226 = arith.addi %get3A_224, %add3A_225 : vector<16xi32>
    %swap3A_227 = arith.constant 1 : i32
    %swap3A_228 = arith.index_cast %swap3A_227 : i32 to index
    %swap3A_229 = arith.constant 112 : index
    %swap3A_230 = tpu.vector_load %arg8[%swap3A_228, %swap3A_229] {strides = array<i32>} : memref<8x128xi32, #tpu.memory_space<vmem>>, vector<1x16xi32>,
    %swap3A_231 = vector.shape_cast %swap3A_230 : vector<1x16xi32> to vector<16xi32>
    %swap3A_232 = vector.shape_cast %add3A_226 : vector<16xi32> to vector<1x16xi32>
    tpu.vector_store %arg8[%swap3A_228, %swap3A_229], %swap3A_232 {strides = array<i32>} : memref<8x128xi32, #tpu.memory_space<vmem>>, vector<1x16xi32>,
    %get3A_233 = arith.constant 2 : i32
    %get3A_234 = arith.index_cast %get3A_233 : i32 to index
    %get3A_235 = arith.constant 0 : index
    %get3A_236 = tpu.vector_load %arg7[%get3A_234, %get3A_235] {strides = array<i32>} : memref<4x128xi32, #tpu.memory_space<vmem>>, vector<1x16xi32>,
    %get3A_237 = vector.shape_cast %get3A_236 : vector<1x16xi32> to vector<16xi32>
    %add3A_238 = vector.broadcast %mul3A_26 : i32 to vector<16xi32>
    %add3A_239 = arith.addi %get3A_237, %add3A_238 : vector<16xi32>
    %swap3A_240 = arith.constant 2 : i32
    %swap3A_241 = arith.index_cast %swap3A_240 : i32 to index
    %swap3A_242 = arith.constant 0 : index
    %swap3A_243 = tpu.vector_load %arg8[%swap3A_241, %swap3A_242] {strides = array<i32>} : memref<8x128xi32, #tpu.memory_space<vmem>>, vector<1x16xi32>,
    %swap3A_244 = vector.shape_cast %swap3A_243 : vector<1x16xi32> to vector<16xi32>
    %swap3A_245 = vector.shape_cast %add3A_239 : vector<16xi32> to vector<1x16xi32>
    tpu.vector_store %arg8[%swap3A_241, %swap3A_242], %swap3A_245 {strides = array<i32>} : memref<8x128xi32, #tpu.memory_space<vmem>>, vector<1x16xi32>,
    %get3A_246 = arith.constant 2 : i32
    %get3A_247 = arith.index_cast %get3A_246 : i32 to index
    %get3A_248 = arith.constant 16 : index
    %get3A_249 = tpu.vector_load %arg7[%get3A_247, %get3A_248] {strides = array<i32>} : memref<4x128xi32, #tpu.memory_space<vmem>>, vector<1x16xi32>,
    %get3A_250 = vector.shape_cast %get3A_249 : vector<1x16xi32> to vector<16xi32>
    %add3A_251 = vector.broadcast %mul3A_26 : i32 to vector<16xi32>
    %add3A_252 = arith.addi %get3A_250, %add3A_251 : vector<16xi32>
    %swap3A_253 = arith.constant 2 : i32
    %swap3A_254 = arith.index_cast %swap3A_253 : i32 to index
    %swap3A_255 = arith.constant 16 : index
    %swap3A_256 = tpu.vector_load %arg8[%swap3A_254, %swap3A_255] {strides = array<i32>} : memref<8x128xi32, #tpu.memory_space<vmem>>, vector<1x16xi32>,
    %swap3A_257 = vector.shape_cast %swap3A_256 : vector<1x16xi32> to vector<16xi32>
    %swap3A_258 = vector.shape_cast %add3A_252 : vector<16xi32> to vector<1x16xi32>
    tpu.vector_store %arg8[%swap3A_254, %swap3A_255], %swap3A_258 {strides = array<i32>} : memref<8x128xi32, #tpu.memory_space<vmem>>, vector<1x16xi32>,
    %get3A_259 = arith.constant 2 : i32
    %get3A_260 = arith.index_cast %get3A_259 : i32 to index
    %get3A_261 = arith.constant 32 : index
    %get3A_262 = tpu.vector_load %arg7[%get3A_260, %get3A_261] {strides = array<i32>} : memref<4x128xi32, #tpu.memory_space<vmem>>, vector<1x16xi32>,
    %get3A_263 = vector.shape_cast %get3A_262 : vector<1x16xi32> to vector<16xi32>
    %add3A_264 = vector.broadcast %mul3A_26 : i32 to vector<16xi32>
    %add3A_265 = arith.addi %get3A_263, %add3A_264 : vector<16xi32>
    %swap3A_266 = arith.constant 2 : i32
    %swap3A_267 = arith.index_cast %swap3A_266 : i32 to index
    %swap3A_268 = arith.constant 32 : index
    %swap3A_269 = tpu.vector_load %arg8[%swap3A_267, %swap3A_268] {strides = array<i32>} : memref<8x128xi32, #tpu.memory_space<vmem>>, vector<1x16xi32>,
    %swap3A_270 = vector.shape_cast %swap3A_269 : vector<1x16xi32> to vector<16xi32>
    %swap3A_271 = vector.shape_cast %add3A_265 : vector<16xi32> to vector<1x16xi32>
    tpu.vector_store %arg8[%swap3A_267, %swap3A_268], %swap3A_271 {strides = array<i32>} : memref<8x128xi32, #tpu.memory_space<vmem>>, vector<1x16xi32>,
    %get3A_272 = arith.constant 2 : i32
    %get3A_273 = arith.index_cast %get3A_272 : i32 to index
    %get3A_274 = arith.constant 48 : index
    %get3A_275 = tpu.vector_load %arg7[%get3A_273, %get3A_274] {strides = array<i32>} : memref<4x128xi32, #tpu.memory_space<vmem>>, vector<1x16xi32>,
    %get3A_276 = vector.shape_cast %get3A_275 : vector<1x16xi32> to vector<16xi32>
    %add3A_277 = vector.broadcast %mul3A_26 : i32 to vector<16xi32>
    %add3A_278 = arith.addi %get3A_276, %add3A_277 : vector<16xi32>
    %swap3A_279 = arith.constant 2 : i32
    %swap3A_280 = arith.index_cast %swap3A_279 : i32 to index
    %swap3A_281 = arith.constant 48 : index
    %swap3A_282 = tpu.vector_load %arg8[%swap3A_280, %swap3A_281] {strides = array<i32>} : memref<8x128xi32, #tpu.memory_space<vmem>>, vector<1x16xi32>,
    %swap3A_283 = vector.shape_cast %swap3A_282 : vector<1x16xi32> to vector<16xi32>
    %swap3A_284 = vector.shape_cast %add3A_278 : vector<16xi32> to vector<1x16xi32>
    tpu.vector_store %arg8[%swap3A_280, %swap3A_281], %swap3A_284 {strides = array<i32>} : memref<8x128xi32, #tpu.memory_space<vmem>>, vector<1x16xi32>,
    %get3A_285 = arith.constant 2 : i32
    %get3A_286 = arith.index_cast %get3A_285 : i32 to index
    %get3A_287 = arith.constant 64 : index
    %get3A_288 = tpu.vector_load %arg7[%get3A_286, %get3A_287] {strides = array<i32>} : memref<4x128xi32, #tpu.memory_space<vmem>>, vector<1x16xi32>,
    %get3A_289 = vector.shape_cast %get3A_288 : vector<1x16xi32> to vector<16xi32>
    %add3A_290 = vector.broadcast %mul3A_26 : i32 to vector<16xi32>
    %add3A_291 = arith.addi %get3A_289, %add3A_290 : vector<16xi32>
    %swap3A_292 = arith.constant 2 : i32
    %swap3A_293 = arith.index_cast %swap3A_292 : i32 to index
    %swap3A_294 = arith.constant 64 : index
    %swap3A_295 = tpu.vector_load %arg8[%swap3A_293, %swap3A_294] {strides = array<i32>} : memref<8x128xi32, #tpu.memory_space<vmem>>, vector<1x16xi32>,
    %swap3A_296 = vector.shape_cast %swap3A_295 : vector<1x16xi32> to vector<16xi32>
    %swap3A_297 = vector.shape_cast %add3A_291 : vector<16xi32> to vector<1x16xi32>
    tpu.vector_store %arg8[%swap3A_293, %swap3A_294], %swap3A_297 {strides = array<i32>} : memref<8x128xi32, #tpu.memory_space<vmem>>, vector<1x16xi32>,
    %get3A_298 = arith.constant 2 : i32
    %get3A_299 = arith.index_cast %get3A_298 : i32 to index
    %get3A_300 = arith.constant 80 : index
    %get3A_301 = tpu.vector_load %arg7[%get3A_299, %get3A_300] {strides = array<i32>} : memref<4x128xi32, #tpu.memory_space<vmem>>, vector<1x16xi32>,
    %get3A_302 = vector.shape_cast %get3A_301 : vector<1x16xi32> to vector<16xi32>
    %add3A_303 = vector.broadcast %mul3A_26 : i32 to vector<16xi32>
    %add3A_304 = arith.addi %get3A_302, %add3A_303 : vector<16xi32>
    %swap3A_305 = arith.constant 2 : i32
    %swap3A_306 = arith.index_cast %swap3A_305 : i32 to index
    %swap3A_307 = arith.constant 80 : index
    %swap3A_308 = tpu.vector_load %arg8[%swap3A_306, %swap3A_307] {strides = array<i32>} : memref<8x128xi32, #tpu.memory_space<vmem>>, vector<1x16xi32>,
    %swap3A_309 = vector.shape_cast %swap3A_308 : vector<1x16xi32> to vector<16xi32>
    %swap3A_310 = vector.shape_cast %add3A_304 : vector<16xi32> to vector<1x16xi32>
    tpu.vector_store %arg8[%swap3A_306, %swap3A_307], %swap3A_310 {strides = array<i32>} : memref<8x128xi32, #tpu.memory_space<vmem>>, vector<1x16xi32>,
    %get3A_311 = arith.constant 2 : i32
    %get3A_312 = arith.index_cast %get3A_311 : i32 to index
    %get3A_313 = arith.constant 96 : index
    %get3A_314 = tpu.vector_load %arg7[%get3A_312, %get3A_313] {strides = array<i32>} : memref<4x128xi32, #tpu.memory_space<vmem>>, vector<1x16xi32>,
    %get3A_315 = vector.shape_cast %get3A_314 : vector<1x16xi32> to vector<16xi32>
    %add3A_316 = vector.broadcast %mul3A_26 : i32 to vector<16xi32>
    %add3A_317 = arith.addi %get3A_315, %add3A_316 : vector<16xi32>
    %swap3A_318 = arith.constant 2 : i32
    %swap3A_319 = arith.index_cast %swap3A_318 : i32 to index
    %swap3A_320 = arith.constant 96 : index
    %swap3A_321 = tpu.vector_load %arg8[%swap3A_319, %swap3A_320] {strides = array<i32>} : memref<8x128xi32, #tpu.memory_space<vmem>>, vector<1x16xi32>,
    %swap3A_322 = vector.shape_cast %swap3A_321 : vector<1x16xi32> to vector<16xi32>
    %swap3A_323 = vector.shape_cast %add3A_317 : vector<16xi32> to vector<1x16xi32>
    tpu.vector_store %arg8[%swap3A_319, %swap3A_320], %swap3A_323 {strides = array<i32>} : memref<8x128xi32, #tpu.memory_space<vmem>>, vector<1x16xi32>,
    %get3A_324 = arith.constant 2 : i32
    %get3A_325 = arith.index_cast %get3A_324 : i32 to index
    %get3A_326 = arith.constant 112 : index
    %get3A_327 = tpu.vector_load %arg7[%get3A_325, %get3A_326] {strides = array<i32>} : memref<4x128xi32, #tpu.memory_space<vmem>>, vector<1x16xi32>,
    %get3A_328 = vector.shape_cast %get3A_327 : vector<1x16xi32> to vector<16xi32>
    %add3A_329 = vector.broadcast %mul3A_26 : i32 to vector<16xi32>
    %add3A_330 = arith.addi %get3A_328, %add3A_329 : vector<16xi32>
    %swap3A_331 = arith.constant 2 : i32
    %swap3A_332 = arith.index_cast %swap3A_331 : i32 to index
    %swap3A_333 = arith.constant 112 : index
    %swap3A_334 = tpu.vector_load %arg8[%swap3A_332, %swap3A_333] {strides = array<i32>} : memref<8x128xi32, #tpu.memory_space<vmem>>, vector<1x16xi32>,
    %swap3A_335 = vector.shape_cast %swap3A_334 : vector<1x16xi32> to vector<16xi32>
    %swap3A_336 = vector.shape_cast %add3A_330 : vector<16xi32> to vector<1x16xi32>
    tpu.vector_store %arg8[%swap3A_332, %swap3A_333], %swap3A_336 {strides = array<i32>} : memref<8x128xi32, #tpu.memory_space<vmem>>, vector<1x16xi32>,
    %get3A_337 = arith.constant 3 : i32
    %get3A_338 = arith.index_cast %get3A_337 : i32 to index
    %get3A_339 = arith.constant 0 : index
    %get3A_340 = tpu.vector_load %arg7[%get3A_338, %get3A_339] {strides = array<i32>} : memref<4x128xi32, #tpu.memory_space<vmem>>, vector<1x16xi32>,
    %get3A_341 = vector.shape_cast %get3A_340 : vector<1x16xi32> to vector<16xi32>
    %add3A_342 = vector.broadcast %mul3A_26 : i32 to vector<16xi32>
    %add3A_343 = arith.addi %get3A_341, %add3A_342 : vector<16xi32>
    %swap3A_344 = arith.constant 3 : i32
    %swap3A_345 = arith.index_cast %swap3A_344 : i32 to index
    %swap3A_346 = arith.constant 0 : index
    %swap3A_347 = tpu.vector_load %arg8[%swap3A_345, %swap3A_346] {strides = array<i32>} : memref<8x128xi32, #tpu.memory_space<vmem>>, vector<1x16xi32>,
    %swap3A_348 = vector.shape_cast %swap3A_347 : vector<1x16xi32> to vector<16xi32>
    %swap3A_349 = vector.shape_cast %add3A_343 : vector<16xi32> to vector<1x16xi32>
    tpu.vector_store %arg8[%swap3A_345, %swap3A_346], %swap3A_349 {strides = array<i32>} : memref<8x128xi32, #tpu.memory_space<vmem>>, vector<1x16xi32>,
    %get3A_350 = arith.constant 3 : i32
    %get3A_351 = arith.index_cast %get3A_350 : i32 to index
    %get3A_352 = arith.constant 16 : index
    %get3A_353 = tpu.vector_load %arg7[%get3A_351, %get3A_352] {strides = array<i32>} : memref<4x128xi32, #tpu.memory_space<vmem>>, vector<1x16xi32>,
    %get3A_354 = vector.shape_cast %get3A_353 : vector<1x16xi32> to vector<16xi32>
    %add3A_355 = vector.broadcast %mul3A_26 : i32 to vector<16xi32>
    %add3A_356 = arith.addi %get3A_354, %add3A_355 : vector<16xi32>
    %swap3A_357 = arith.constant 3 : i32
    %swap3A_358 = arith.index_cast %swap3A_357 : i32 to index
    %swap3A_359 = arith.constant 16 : index
    %swap3A_360 = tpu.vector_load %arg8[%swap3A_358, %swap3A_359] {strides = array<i32>} : memref<8x128xi32, #tpu.memory_space<vmem>>, vector<1x16xi32>,
    %swap3A_361 = vector.shape_cast %swap3A_360 : vector<1x16xi32> to vector<16xi32>
    %swap3A_362 = vector.shape_cast %add3A_356 : vector<16xi32> to vector<1x16xi32>
    tpu.vector_store %arg8[%swap3A_358, %swap3A_359], %swap3A_362 {strides = array<i32>} : memref<8x128xi32, #tpu.memory_space<vmem>>, vector<1x16xi32>,
    %get3A_363 = arith.constant 3 : i32
    %get3A_364 = arith.index_cast %get3A_363 : i32 to index
    %get3A_365 = arith.constant 32 : index
    %get3A_366 = tpu.vector_load %arg7[%get3A_364, %get3A_365] {strides = array<i32>} : memref<4x128xi32, #tpu.memory_space<vmem>>, vector<1x16xi32>,
    %get3A_367 = vector.shape_cast %get3A_366 : vector<1x16xi32> to vector<16xi32>
    %add3A_368 = vector.broadcast %mul3A_26 : i32 to vector<16xi32>
    %add3A_369 = arith.addi %get3A_367, %add3A_368 : vector<16xi32>
    %swap3A_370 = arith.constant 3 : i32
    %swap3A_371 = arith.index_cast %swap3A_370 : i32 to index
    %swap3A_372 = arith.constant 32 : index
    %swap3A_373 = tpu.vector_load %arg8[%swap3A_371, %swap3A_372] {strides = array<i32>} : memref<8x128xi32, #tpu.memory_space<vmem>>, vector<1x16xi32>,
    %swap3A_374 = vector.shape_cast %swap3A_373 : vector<1x16xi32> to vector<16xi32>
    %swap3A_375 = vector.shape_cast %add3A_369 : vector<16xi32> to vector<1x16xi32>
    tpu.vector_store %arg8[%swap3A_371, %swap3A_372], %swap3A_375 {strides = array<i32>} : memref<8x128xi32, #tpu.memory_space<vmem>>, vector<1x16xi32>,
    %get3A_376 = arith.constant 3 : i32
    %get3A_377 = arith.index_cast %get3A_376 : i32 to index
    %get3A_378 = arith.constant 48 : index
    %get3A_379 = tpu.vector_load %arg7[%get3A_377, %get3A_378] {strides = array<i32>} : memref<4x128xi32, #tpu.memory_space<vmem>>, vector<1x16xi32>,
    %get3A_380 = vector.shape_cast %get3A_379 : vector<1x16xi32> to vector<16xi32>
    %add3A_381 = vector.broadcast %mul3A_26 : i32 to vector<16xi32>
    %add3A_382 = arith.addi %get3A_380, %add3A_381 : vector<16xi32>
    %swap3A_383 = arith.constant 3 : i32
    %swap3A_384 = arith.index_cast %swap3A_383 : i32 to index
    %swap3A_385 = arith.constant 48 : index
    %swap3A_386 = tpu.vector_load %arg8[%swap3A_384, %swap3A_385] {strides = array<i32>} : memref<8x128xi32, #tpu.memory_space<vmem>>, vector<1x16xi32>,
    %swap3A_387 = vector.shape_cast %swap3A_386 : vector<1x16xi32> to vector<16xi32>
    %swap3A_388 = vector.shape_cast %add3A_382 : vector<16xi32> to vector<1x16xi32>
    tpu.vector_store %arg8[%swap3A_384, %swap3A_385], %swap3A_388 {strides = array<i32>} : memref<8x128xi32, #tpu.memory_space<vmem>>, vector<1x16xi32>,
    %get3A_389 = arith.constant 3 : i32
    %get3A_390 = arith.index_cast %get3A_389 : i32 to index
    %get3A_391 = arith.constant 64 : index
    %get3A_392 = tpu.vector_load %arg7[%get3A_390, %get3A_391] {strides = array<i32>} : memref<4x128xi32, #tpu.memory_space<vmem>>, vector<1x16xi32>,
    %get3A_393 = vector.shape_cast %get3A_392 : vector<1x16xi32> to vector<16xi32>
    %add3A_394 = vector.broadcast %mul3A_26 : i32 to vector<16xi32>
    %add3A_395 = arith.addi %get3A_393, %add3A_394 : vector<16xi32>
    %swap3A_396 = arith.constant 3 : i32
    %swap3A_397 = arith.index_cast %swap3A_396 : i32 to index
    %swap3A_398 = arith.constant 64 : index
    %swap3A_399 = tpu.vector_load %arg8[%swap3A_397, %swap3A_398] {strides = array<i32>} : memref<8x128xi32, #tpu.memory_space<vmem>>, vector<1x16xi32>,
    %swap3A_400 = vector.shape_cast %swap3A_399 : vector<1x16xi32> to vector<16xi32>
    %swap3A_401 = vector.shape_cast %add3A_395 : vector<16xi32> to vector<1x16xi32>
    tpu.vector_store %arg8[%swap3A_397, %swap3A_398], %swap3A_401 {strides = array<i32>} : memref<8x128xi32, #tpu.memory_space<vmem>>, vector<1x16xi32>,
    %get3A_402 = arith.constant 3 : i32
    %get3A_403 = arith.index_cast %get3A_402 : i32 to index
    %get3A_404 = arith.constant 80 : index
    %get3A_405 = tpu.vector_load %arg7[%get3A_403, %get3A_404] {strides = array<i32>} : memref<4x128xi32, #tpu.memory_space<vmem>>, vector<1x16xi32>,
    %get3A_406 = vector.shape_cast %get3A_405 : vector<1x16xi32> to vector<16xi32>
    %add3A_407 = vector.broadcast %mul3A_26 : i32 to vector<16xi32>
    %add3A_408 = arith.addi %get3A_406, %add3A_407 : vector<16xi32>
    %swap3A_409 = arith.constant 3 : i32
    %swap3A_410 = arith.index_cast %swap3A_409 : i32 to index
    %swap3A_411 = arith.constant 80 : index
    %swap3A_412 = tpu.vector_load %arg8[%swap3A_410, %swap3A_411] {strides = array<i32>} : memref<8x128xi32, #tpu.memory_space<vmem>>, vector<1x16xi32>,
    %swap3A_413 = vector.shape_cast %swap3A_412 : vector<1x16xi32> to vector<16xi32>
    %swap3A_414 = vector.shape_cast %add3A_408 : vector<16xi32> to vector<1x16xi32>
    tpu.vector_store %arg8[%swap3A_410, %swap3A_411], %swap3A_414 {strides = array<i32>} : memref<8x128xi32, #tpu.memory_space<vmem>>, vector<1x16xi32>,
    %get3A_415 = arith.constant 3 : i32
    %get3A_416 = arith.index_cast %get3A_415 : i32 to index
    %get3A_417 = arith.constant 96 : index
    %get3A_418 = tpu.vector_load %arg7[%get3A_416, %get3A_417] {strides = array<i32>} : memref<4x128xi32, #tpu.memory_space<vmem>>, vector<1x16xi32>,
    %get3A_419 = vector.shape_cast %get3A_418 : vector<1x16xi32> to vector<16xi32>
    %add3A_420 = vector.broadcast %mul3A_26 : i32 to vector<16xi32>
    %add3A_421 = arith.addi %get3A_419, %add3A_420 : vector<16xi32>
    %swap3A_422 = arith.constant 3 : i32
    %swap3A_423 = arith.index_cast %swap3A_422 : i32 to index
    %swap3A_424 = arith.constant 96 : index
    %swap3A_425 = tpu.vector_load %arg8[%swap3A_423, %swap3A_424] {strides = array<i32>} : memref<8x128xi32, #tpu.memory_space<vmem>>, vector<1x16xi32>,
    %swap3A_426 = vector.shape_cast %swap3A_425 : vector<1x16xi32> to vector<16xi32>
    %swap3A_427 = vector.shape_cast %add3A_421 : vector<16xi32> to vector<1x16xi32>
    tpu.vector_store %arg8[%swap3A_423, %swap3A_424], %swap3A_427 {strides = array<i32>} : memref<8x128xi32, #tpu.memory_space<vmem>>, vector<1x16xi32>,
    %get3A_428 = arith.constant 3 : i32
    %get3A_429 = arith.index_cast %get3A_428 : i32 to index
    %get3A_430 = arith.constant 112 : index
    %get3A_431 = tpu.vector_load %arg7[%get3A_429, %get3A_430] {strides = array<i32>} : memref<4x128xi32, #tpu.memory_space<vmem>>, vector<1x16xi32>,
    %get3A_432 = vector.shape_cast %get3A_431 : vector<1x16xi32> to vector<16xi32>
    %add3A_433 = vector.broadcast %mul3A_26 : i32 to vector<16xi32>
    %add3A_434 = arith.addi %get3A_432, %add3A_433 : vector<16xi32>
    %swap3A_435 = arith.constant 3 : i32
    %swap3A_436 = arith.index_cast %swap3A_435 : i32 to index
    %swap3A_437 = arith.constant 112 : index
    %swap3A_438 = tpu.vector_load %arg8[%swap3A_436, %swap3A_437] {strides = array<i32>} : memref<8x128xi32, #tpu.memory_space<vmem>>, vector<1x16xi32>,
    %swap3A_439 = vector.shape_cast %swap3A_438 : vector<1x16xi32> to vector<16xi32>
    %swap3A_440 = vector.shape_cast %add3A_434 : vector<16xi32> to vector<1x16xi32>
    tpu.vector_store %arg8[%swap3A_436, %swap3A_437], %swap3A_440 {strides = array<i32>} : memref<8x128xi32, #tpu.memory_space<vmem>>, vector<1x16xi32>,
    %mul3A_441 = arith.constant 2 : i32
    %mul3A_442 = arith.muli %add3A, %mul3A_441 : i32
    %add3A_443 = arith.constant 1 : i32
    %add3A_444 = arith.addi %mul3A_442, %add3A_443 : i32
    %mul3A_445 = arith.constant 34 : i32
    %mul3A_446 = arith.muli %add3A_444, %mul3A_445 : i32
    %add3A_447 = arith.constant 17 : i32
    %add3A_448 = arith.addi %mul3A_446, %add3A_447 : i32
    %mul3A_449 = arith.constant 16384 : i32
    %mul3A_450 = arith.muli %add3A_448, %mul3A_449 : i32
    %get3A_451 = arith.constant 0 : i32
    %get3A_452 = arith.index_cast %get3A_451 : i32 to index
    %get3A_453 = arith.constant 0 : index
    %get3A_454 = tpu.vector_load %arg7[%get3A_452, %get3A_453] {strides = array<i32>} : memref<4x128xi32, #tpu.memory_space<vmem>>, vector<1x16xi32>,
    %get3A_455 = vector.shape_cast %get3A_454 : vector<1x16xi32> to vector<16xi32>
    %add3A_456 = vector.broadcast %mul3A_450 : i32 to vector<16xi32>
    %add3A_457 = arith.addi %get3A_455, %add3A_456 : vector<16xi32>
    %swap3A_458 = arith.constant 4 : i32
    %swap3A_459 = arith.index_cast %swap3A_458 : i32 to index
    %swap3A_460 = arith.constant 0 : index
    %swap3A_461 = tpu.vector_load %arg8[%swap3A_459, %swap3A_460] {strides = array<i32>} : memref<8x128xi32, #tpu.memory_space<vmem>>, vector<1x16xi32>,
    %swap3A_462 = vector.shape_cast %swap3A_461 : vector<1x16xi32> to vector<16xi32>
    %swap3A_463 = vector.shape_cast %add3A_457 : vector<16xi32> to vector<1x16xi32>
    tpu.vector_store %arg8[%swap3A_459, %swap3A_460], %swap3A_463 {strides = array<i32>} : memref<8x128xi32, #tpu.memory_space<vmem>>, vector<1x16xi32>,
    %get3A_464 = arith.constant 0 : i32
    %get3A_465 = arith.index_cast %get3A_464 : i32 to index
    %get3A_466 = arith.constant 16 : index
    %get3A_467 = tpu.vector_load %arg7[%get3A_465, %get3A_466] {strides = array<i32>} : memref<4x128xi32, #tpu.memory_space<vmem>>, vector<1x16xi32>,
    %get3A_468 = vector.shape_cast %get3A_467 : vector<1x16xi32> to vector<16xi32>
    %add3A_469 = vector.broadcast %mul3A_450 : i32 to vector<16xi32>
    %add3A_470 = arith.addi %get3A_468, %add3A_469 : vector<16xi32>
    %swap3A_471 = arith.constant 4 : i32
    %swap3A_472 = arith.index_cast %swap3A_471 : i32 to index
    %swap3A_473 = arith.constant 16 : index
    %swap3A_474 = tpu.vector_load %arg8[%swap3A_472, %swap3A_473] {strides = array<i32>} : memref<8x128xi32, #tpu.memory_space<vmem>>, vector<1x16xi32>,
    %swap3A_475 = vector.shape_cast %swap3A_474 : vector<1x16xi32> to vector<16xi32>
    %swap3A_476 = vector.shape_cast %add3A_470 : vector<16xi32> to vector<1x16xi32>
    tpu.vector_store %arg8[%swap3A_472, %swap3A_473], %swap3A_476 {strides = array<i32>} : memref<8x128xi32, #tpu.memory_space<vmem>>, vector<1x16xi32>,
    %get3A_477 = arith.constant 0 : i32
    %get3A_478 = arith.index_cast %get3A_477 : i32 to index
    %get3A_479 = arith.constant 32 : index
    %get3A_480 = tpu.vector_load %arg7[%get3A_478, %get3A_479] {strides = array<i32>} : memref<4x128xi32, #tpu.memory_space<vmem>>, vector<1x16xi32>,
    %get3A_481 = vector.shape_cast %get3A_480 : vector<1x16xi32> to vector<16xi32>
    %add3A_482 = vector.broadcast %mul3A_450 : i32 to vector<16xi32>
    %add3A_483 = arith.addi %get3A_481, %add3A_482 : vector<16xi32>
    %swap3A_484 = arith.constant 4 : i32
    %swap3A_485 = arith.index_cast %swap3A_484 : i32 to index
    %swap3A_486 = arith.constant 32 : index
    %swap3A_487 = tpu.vector_load %arg8[%swap3A_485, %swap3A_486] {strides = array<i32>} : memref<8x128xi32, #tpu.memory_space<vmem>>, vector<1x16xi32>,
    %swap3A_488 = vector.shape_cast %swap3A_487 : vector<1x16xi32> to vector<16xi32>
    %swap3A_489 = vector.shape_cast %add3A_483 : vector<16xi32> to vector<1x16xi32>
    tpu.vector_store %arg8[%swap3A_485, %swap3A_486], %swap3A_489 {strides = array<i32>} : memref<8x128xi32, #tpu.memory_space<vmem>>, vector<1x16xi32>,
    %get3A_490 = arith.constant 0 : i32
    %get3A_491 = arith.index_cast %get3A_490 : i32 to index
    %get3A_492 = arith.constant 48 : index
    %get3A_493 = tpu.vector_load %arg7[%get3A_491, %get3A_492] {strides = array<i32>} : memref<4x128xi32, #tpu.memory_space<vmem>>, vector<1x16xi32>,
    %get3A_494 = vector.shape_cast %get3A_493 : vector<1x16xi32> to vector<16xi32>
    %add3A_495 = vector.broadcast %mul3A_450 : i32 to vector<16xi32>
    %add3A_496 = arith.addi %get3A_494, %add3A_495 : vector<16xi32>
    %swap3A_497 = arith.constant 4 : i32
    %swap3A_498 = arith.index_cast %swap3A_497 : i32 to index
    %swap3A_499 = arith.constant 48 : index
    %swap3A_500 = tpu.vector_load %arg8[%swap3A_498, %swap3A_499] {strides = array<i32>} : memref<8x128xi32, #tpu.memory_space<vmem>>, vector<1x16xi32>,
    %swap3A_501 = vector.shape_cast %swap3A_500 : vector<1x16xi32> to vector<16xi32>
    %swap3A_502 = vector.shape_cast %add3A_496 : vector<16xi32> to vector<1x16xi32>
    tpu.vector_store %arg8[%swap3A_498, %swap3A_499], %swap3A_502 {strides = array<i32>} : memref<8x128xi32, #tpu.memory_space<vmem>>, vector<1x16xi32>,
    %get3A_503 = arith.constant 0 : i32
    %get3A_504 = arith.index_cast %get3A_503 : i32 to index
    %get3A_505 = arith.constant 64 : index
    %get3A_506 = tpu.vector_load %arg7[%get3A_504, %get3A_505] {strides = array<i32>} : memref<4x128xi32, #tpu.memory_space<vmem>>, vector<1x16xi32>,
    %get3A_507 = vector.shape_cast %get3A_506 : vector<1x16xi32> to vector<16xi32>
    %add3A_508 = vector.broadcast %mul3A_450 : i32 to vector<16xi32>
    %add3A_509 = arith.addi %get3A_507, %add3A_508 : vector<16xi32>
    %swap3A_510 = arith.constant 4 : i32
    %swap3A_511 = arith.index_cast %swap3A_510 : i32 to index
    %swap3A_512 = arith.constant 64 : index
    %swap3A_513 = tpu.vector_load %arg8[%swap3A_511, %swap3A_512] {strides = array<i32>} : memref<8x128xi32, #tpu.memory_space<vmem>>, vector<1x16xi32>,
    %swap3A_514 = vector.shape_cast %swap3A_513 : vector<1x16xi32> to vector<16xi32>
    %swap3A_515 = vector.shape_cast %add3A_509 : vector<16xi32> to vector<1x16xi32>
    tpu.vector_store %arg8[%swap3A_511, %swap3A_512], %swap3A_515 {strides = array<i32>} : memref<8x128xi32, #tpu.memory_space<vmem>>, vector<1x16xi32>,
    %get3A_516 = arith.constant 0 : i32
    %get3A_517 = arith.index_cast %get3A_516 : i32 to index
    %get3A_518 = arith.constant 80 : index
    %get3A_519 = tpu.vector_load %arg7[%get3A_517, %get3A_518] {strides = array<i32>} : memref<4x128xi32, #tpu.memory_space<vmem>>, vector<1x16xi32>,
    %get3A_520 = vector.shape_cast %get3A_519 : vector<1x16xi32> to vector<16xi32>
    %add3A_521 = vector.broadcast %mul3A_450 : i32 to vector<16xi32>
    %add3A_522 = arith.addi %get3A_520, %add3A_521 : vector<16xi32>
    %swap3A_523 = arith.constant 4 : i32
    %swap3A_524 = arith.index_cast %swap3A_523 : i32 to index
    %swap3A_525 = arith.constant 80 : index
    %swap3A_526 = tpu.vector_load %arg8[%swap3A_524, %swap3A_525] {strides = array<i32>} : memref<8x128xi32, #tpu.memory_space<vmem>>, vector<1x16xi32>,
    %swap3A_527 = vector.shape_cast %swap3A_526 : vector<1x16xi32> to vector<16xi32>
    %swap3A_528 = vector.shape_cast %add3A_522 : vector<16xi32> to vector<1x16xi32>
    tpu.vector_store %arg8[%swap3A_524, %swap3A_525], %swap3A_528 {strides = array<i32>} : memref<8x128xi32, #tpu.memory_space<vmem>>, vector<1x16xi32>,
    %get3A_529 = arith.constant 0 : i32
    %get3A_530 = arith.index_cast %get3A_529 : i32 to index
    %get3A_531 = arith.constant 96 : index
    %get3A_532 = tpu.vector_load %arg7[%get3A_530, %get3A_531] {strides = array<i32>} : memref<4x128xi32, #tpu.memory_space<vmem>>, vector<1x16xi32>,
    %get3A_533 = vector.shape_cast %get3A_532 : vector<1x16xi32> to vector<16xi32>
    %add3A_534 = vector.broadcast %mul3A_450 : i32 to vector<16xi32>
    %add3A_535 = arith.addi %get3A_533, %add3A_534 : vector<16xi32>
    %swap3A_536 = arith.constant 4 : i32
    %swap3A_537 = arith.index_cast %swap3A_536 : i32 to index
    %swap3A_538 = arith.constant 96 : index
    %swap3A_539 = tpu.vector_load %arg8[%swap3A_537, %swap3A_538] {strides = array<i32>} : memref<8x128xi32, #tpu.memory_space<vmem>>, vector<1x16xi32>,
    %swap3A_540 = vector.shape_cast %swap3A_539 : vector<1x16xi32> to vector<16xi32>
    %swap3A_541 = vector.shape_cast %add3A_535 : vector<16xi32> to vector<1x16xi32>
    tpu.vector_store %arg8[%swap3A_537, %swap3A_538], %swap3A_541 {strides = array<i32>} : memref<8x128xi32, #tpu.memory_space<vmem>>, vector<1x16xi32>,
    %get3A_542 = arith.constant 0 : i32
    %get3A_543 = arith.index_cast %get3A_542 : i32 to index
    %get3A_544 = arith.constant 112 : index
    %get3A_545 = tpu.vector_load %arg7[%get3A_543, %get3A_544] {strides = array<i32>} : memref<4x128xi32, #tpu.memory_space<vmem>>, vector<1x16xi32>,
    %get3A_546 = vector.shape_cast %get3A_545 : vector<1x16xi32> to vector<16xi32>
    %add3A_547 = vector.broadcast %mul3A_450 : i32 to vector<16xi32>
    %add3A_548 = arith.addi %get3A_546, %add3A_547 : vector<16xi32>
    %swap3A_549 = arith.constant 4 : i32
    %swap3A_550 = arith.index_cast %swap3A_549 : i32 to index
    %swap3A_551 = arith.constant 112 : index
    %swap3A_552 = tpu.vector_load %arg8[%swap3A_550, %swap3A_551] {strides = array<i32>} : memref<8x128xi32, #tpu.memory_space<vmem>>, vector<1x16xi32>,
    %swap3A_553 = vector.shape_cast %swap3A_552 : vector<1x16xi32> to vector<16xi32>
    %swap3A_554 = vector.shape_cast %add3A_548 : vector<16xi32> to vector<1x16xi32>
    tpu.vector_store %arg8[%swap3A_550, %swap3A_551], %swap3A_554 {strides = array<i32>} : memref<8x128xi32, #tpu.memory_space<vmem>>, vector<1x16xi32>,
    %get3A_555 = arith.constant 1 : i32
    %get3A_556 = arith.index_cast %get3A_555 : i32 to index
    %get3A_557 = arith.constant 0 : index
    %get3A_558 = tpu.vector_load %arg7[%get3A_556, %get3A_557] {strides = array<i32>} : memref<4x128xi32, #tpu.memory_space<vmem>>, vector<1x16xi32>,
    %get3A_559 = vector.shape_cast %get3A_558 : vector<1x16xi32> to vector<16xi32>
    %add3A_560 = vector.broadcast %mul3A_450 : i32 to vector<16xi32>
    %add3A_561 = arith.addi %get3A_559, %add3A_560 : vector<16xi32>
    %swap3A_562 = arith.constant 5 : i32
    %swap3A_563 = arith.index_cast %swap3A_562 : i32 to index
    %swap3A_564 = arith.constant 0 : index
    %swap3A_565 = tpu.vector_load %arg8[%swap3A_563, %swap3A_564] {strides = array<i32>} : memref<8x128xi32, #tpu.memory_space<vmem>>, vector<1x16xi32>,
    %swap3A_566 = vector.shape_cast %swap3A_565 : vector<1x16xi32> to vector<16xi32>
    %swap3A_567 = vector.shape_cast %add3A_561 : vector<16xi32> to vector<1x16xi32>
    tpu.vector_store %arg8[%swap3A_563, %swap3A_564], %swap3A_567 {strides = array<i32>} : memref<8x128xi32, #tpu.memory_space<vmem>>, vector<1x16xi32>,
    %get3A_568 = arith.constant 1 : i32
    %get3A_569 = arith.index_cast %get3A_568 : i32 to index
    %get3A_570 = arith.constant 16 : index
    %get3A_571 = tpu.vector_load %arg7[%get3A_569, %get3A_570] {strides = array<i32>} : memref<4x128xi32, #tpu.memory_space<vmem>>, vector<1x16xi32>,
    %get3A_572 = vector.shape_cast %get3A_571 : vector<1x16xi32> to vector<16xi32>
    %add3A_573 = vector.broadcast %mul3A_450 : i32 to vector<16xi32>
    %add3A_574 = arith.addi %get3A_572, %add3A_573 : vector<16xi32>
    %swap3A_575 = arith.constant 5 : i32
    %swap3A_576 = arith.index_cast %swap3A_575 : i32 to index
    %swap3A_577 = arith.constant 16 : index
    %swap3A_578 = tpu.vector_load %arg8[%swap3A_576, %swap3A_577] {strides = array<i32>} : memref<8x128xi32, #tpu.memory_space<vmem>>, vector<1x16xi32>,
    %swap3A_579 = vector.shape_cast %swap3A_578 : vector<1x16xi32> to vector<16xi32>
    %swap3A_580 = vector.shape_cast %add3A_574 : vector<16xi32> to vector<1x16xi32>
    tpu.vector_store %arg8[%swap3A_576, %swap3A_577], %swap3A_580 {strides = array<i32>} : memref<8x128xi32, #tpu.memory_space<vmem>>, vector<1x16xi32>,
    %get3A_581 = arith.constant 1 : i32
    %get3A_582 = arith.index_cast %get3A_581 : i32 to index
    %get3A_583 = arith.constant 32 : index
    %get3A_584 = tpu.vector_load %arg7[%get3A_582, %get3A_583] {strides = array<i32>} : memref<4x128xi32, #tpu.memory_space<vmem>>, vector<1x16xi32>,
    %get3A_585 = vector.shape_cast %get3A_584 : vector<1x16xi32> to vector<16xi32>
    %add3A_586 = vector.broadcast %mul3A_450 : i32 to vector<16xi32>
    %add3A_587 = arith.addi %get3A_585, %add3A_586 : vector<16xi32>
    %swap3A_588 = arith.constant 5 : i32
    %swap3A_589 = arith.index_cast %swap3A_588 : i32 to index
    %swap3A_590 = arith.constant 32 : index
    %swap3A_591 = tpu.vector_load %arg8[%swap3A_589, %swap3A_590] {strides = array<i32>} : memref<8x128xi32, #tpu.memory_space<vmem>>, vector<1x16xi32>,
    %swap3A_592 = vector.shape_cast %swap3A_591 : vector<1x16xi32> to vector<16xi32>
    %swap3A_593 = vector.shape_cast %add3A_587 : vector<16xi32> to vector<1x16xi32>
    tpu.vector_store %arg8[%swap3A_589, %swap3A_590], %swap3A_593 {strides = array<i32>} : memref<8x128xi32, #tpu.memory_space<vmem>>, vector<1x16xi32>,
    %get3A_594 = arith.constant 1 : i32
    %get3A_595 = arith.index_cast %get3A_594 : i32 to index
    %get3A_596 = arith.constant 48 : index
    %get3A_597 = tpu.vector_load %arg7[%get3A_595, %get3A_596] {strides = array<i32>} : memref<4x128xi32, #tpu.memory_space<vmem>>, vector<1x16xi32>,
    %get3A_598 = vector.shape_cast %get3A_597 : vector<1x16xi32> to vector<16xi32>
    %add3A_599 = vector.broadcast %mul3A_450 : i32 to vector<16xi32>
    %add3A_600 = arith.addi %get3A_598, %add3A_599 : vector<16xi32>
    %swap3A_601 = arith.constant 5 : i32
    %swap3A_602 = arith.index_cast %swap3A_601 : i32 to index
    %swap3A_603 = arith.constant 48 : index
    %swap3A_604 = tpu.vector_load %arg8[%swap3A_602, %swap3A_603] {strides = array<i32>} : memref<8x128xi32, #tpu.memory_space<vmem>>, vector<1x16xi32>,
    %swap3A_605 = vector.shape_cast %swap3A_604 : vector<1x16xi32> to vector<16xi32>
    %swap3A_606 = vector.shape_cast %add3A_600 : vector<16xi32> to vector<1x16xi32>
    tpu.vector_store %arg8[%swap3A_602, %swap3A_603], %swap3A_606 {strides = array<i32>} : memref<8x128xi32, #tpu.memory_space<vmem>>, vector<1x16xi32>,
    %get3A_607 = arith.constant 1 : i32
    %get3A_608 = arith.index_cast %get3A_607 : i32 to index
    %get3A_609 = arith.constant 64 : index
    %get3A_610 = tpu.vector_load %arg7[%get3A_608, %get3A_609] {strides = array<i32>} : memref<4x128xi32, #tpu.memory_space<vmem>>, vector<1x16xi32>,
    %get3A_611 = vector.shape_cast %get3A_610 : vector<1x16xi32> to vector<16xi32>
    %add3A_612 = vector.broadcast %mul3A_450 : i32 to vector<16xi32>
    %add3A_613 = arith.addi %get3A_611, %add3A_612 : vector<16xi32>
    %swap3A_614 = arith.constant 5 : i32
    %swap3A_615 = arith.index_cast %swap3A_614 : i32 to index
    %swap3A_616 = arith.constant 64 : index
    %swap3A_617 = tpu.vector_load %arg8[%swap3A_615, %swap3A_616] {strides = array<i32>} : memref<8x128xi32, #tpu.memory_space<vmem>>, vector<1x16xi32>,
    %swap3A_618 = vector.shape_cast %swap3A_617 : vector<1x16xi32> to vector<16xi32>
    %swap3A_619 = vector.shape_cast %add3A_613 : vector<16xi32> to vector<1x16xi32>
    tpu.vector_store %arg8[%swap3A_615, %swap3A_616], %swap3A_619 {strides = array<i32>} : memref<8x128xi32, #tpu.memory_space<vmem>>, vector<1x16xi32>,
    %get3A_620 = arith.constant 1 : i32
    %get3A_621 = arith.index_cast %get3A_620 : i32 to index
    %get3A_622 = arith.constant 80 : index
    %get3A_623 = tpu.vector_load %arg7[%get3A_621, %get3A_622] {strides = array<i32>} : memref<4x128xi32, #tpu.memory_space<vmem>>, vector<1x16xi32>,
    %get3A_624 = vector.shape_cast %get3A_623 : vector<1x16xi32> to vector<16xi32>
    %add3A_625 = vector.broadcast %mul3A_450 : i32 to vector<16xi32>
    %add3A_626 = arith.addi %get3A_624, %add3A_625 : vector<16xi32>
    %swap3A_627 = arith.constant 5 : i32
    %swap3A_628 = arith.index_cast %swap3A_627 : i32 to index
    %swap3A_629 = arith.constant 80 : index
    %swap3A_630 = tpu.vector_load %arg8[%swap3A_628, %swap3A_629] {strides = array<i32>} : memref<8x128xi32, #tpu.memory_space<vmem>>, vector<1x16xi32>,
    %swap3A_631 = vector.shape_cast %swap3A_630 : vector<1x16xi32> to vector<16xi32>
    %swap3A_632 = vector.shape_cast %add3A_626 : vector<16xi32> to vector<1x16xi32>
    tpu.vector_store %arg8[%swap3A_628, %swap3A_629], %swap3A_632 {strides = array<i32>} : memref<8x128xi32, #tpu.memory_space<vmem>>, vector<1x16xi32>,
    %get3A_633 = arith.constant 1 : i32
    %get3A_634 = arith.index_cast %get3A_633 : i32 to index
    %get3A_635 = arith.constant 96 : index
    %get3A_636 = tpu.vector_load %arg7[%get3A_634, %get3A_635] {strides = array<i32>} : memref<4x128xi32, #tpu.memory_space<vmem>>, vector<1x16xi32>,
    %get3A_637 = vector.shape_cast %get3A_636 : vector<1x16xi32> to vector<16xi32>
    %add3A_638 = vector.broadcast %mul3A_450 : i32 to vector<16xi32>
    %add3A_639 = arith.addi %get3A_637, %add3A_638 : vector<16xi32>
    %swap3A_640 = arith.constant 5 : i32
    %swap3A_641 = arith.index_cast %swap3A_640 : i32 to index
    %swap3A_642 = arith.constant 96 : index
    %swap3A_643 = tpu.vector_load %arg8[%swap3A_641, %swap3A_642] {strides = array<i32>} : memref<8x128xi32, #tpu.memory_space<vmem>>, vector<1x16xi32>,
    %swap3A_644 = vector.shape_cast %swap3A_643 : vector<1x16xi32> to vector<16xi32>
    %swap3A_645 = vector.shape_cast %add3A_639 : vector<16xi32> to vector<1x16xi32>
    tpu.vector_store %arg8[%swap3A_641, %swap3A_642], %swap3A_645 {strides = array<i32>} : memref<8x128xi32, #tpu.memory_space<vmem>>, vector<1x16xi32>,
    %get3A_646 = arith.constant 1 : i32
    %get3A_647 = arith.index_cast %get3A_646 : i32 to index
    %get3A_648 = arith.constant 112 : index
    %get3A_649 = tpu.vector_load %arg7[%get3A_647, %get3A_648] {strides = array<i32>} : memref<4x128xi32, #tpu.memory_space<vmem>>, vector<1x16xi32>,
    %get3A_650 = vector.shape_cast %get3A_649 : vector<1x16xi32> to vector<16xi32>
    %add3A_651 = vector.broadcast %mul3A_450 : i32 to vector<16xi32>
    %add3A_652 = arith.addi %get3A_650, %add3A_651 : vector<16xi32>
    %swap3A_653 = arith.constant 5 : i32
    %swap3A_654 = arith.index_cast %swap3A_653 : i32 to index
    %swap3A_655 = arith.constant 112 : index
    %swap3A_656 = tpu.vector_load %arg8[%swap3A_654, %swap3A_655] {strides = array<i32>} : memref<8x128xi32, #tpu.memory_space<vmem>>, vector<1x16xi32>,
    %swap3A_657 = vector.shape_cast %swap3A_656 : vector<1x16xi32> to vector<16xi32>
    %swap3A_658 = vector.shape_cast %add3A_652 : vector<16xi32> to vector<1x16xi32>
    tpu.vector_store %arg8[%swap3A_654, %swap3A_655], %swap3A_658 {strides = array<i32>} : memref<8x128xi32, #tpu.memory_space<vmem>>, vector<1x16xi32>,
    %get3A_659 = arith.constant 2 : i32
    %get3A_660 = arith.index_cast %get3A_659 : i32 to index
    %get3A_661 = arith.constant 0 : index
    %get3A_662 = tpu.vector_load %arg7[%get3A_660, %get3A_661] {strides = array<i32>} : memref<4x128xi32, #tpu.memory_space<vmem>>, vector<1x16xi32>,
    %get3A_663 = vector.shape_cast %get3A_662 : vector<1x16xi32> to vector<16xi32>
    %add3A_664 = vector.broadcast %mul3A_450 : i32 to vector<16xi32>
    %add3A_665 = arith.addi %get3A_663, %add3A_664 : vector<16xi32>
    %swap3A_666 = arith.constant 6 : i32
    %swap3A_667 = arith.index_cast %swap3A_666 : i32 to index
    %swap3A_668 = arith.constant 0 : index
    %swap3A_669 = tpu.vector_load %arg8[%swap3A_667, %swap3A_668] {strides = array<i32>} : memref<8x128xi32, #tpu.memory_space<vmem>>, vector<1x16xi32>,
    %swap3A_670 = vector.shape_cast %swap3A_669 : vector<1x16xi32> to vector<16xi32>
    %swap3A_671 = vector.shape_cast %add3A_665 : vector<16xi32> to vector<1x16xi32>
    tpu.vector_store %arg8[%swap3A_667, %swap3A_668], %swap3A_671 {strides = array<i32>} : memref<8x128xi32, #tpu.memory_space<vmem>>, vector<1x16xi32>,
    %get3A_672 = arith.constant 2 : i32
    %get3A_673 = arith.index_cast %get3A_672 : i32 to index
    %get3A_674 = arith.constant 16 : index
    %get3A_675 = tpu.vector_load %arg7[%get3A_673, %get3A_674] {strides = array<i32>} : memref<4x128xi32, #tpu.memory_space<vmem>>, vector<1x16xi32>,
    %get3A_676 = vector.shape_cast %get3A_675 : vector<1x16xi32> to vector<16xi32>
    %add3A_677 = vector.broadcast %mul3A_450 : i32 to vector<16xi32>
    %add3A_678 = arith.addi %get3A_676, %add3A_677 : vector<16xi32>
    %swap3A_679 = arith.constant 6 : i32
    %swap3A_680 = arith.index_cast %swap3A_679 : i32 to index
    %swap3A_681 = arith.constant 16 : index
    %swap3A_682 = tpu.vector_load %arg8[%swap3A_680, %swap3A_681] {strides = array<i32>} : memref<8x128xi32, #tpu.memory_space<vmem>>, vector<1x16xi32>,
    %swap3A_683 = vector.shape_cast %swap3A_682 : vector<1x16xi32> to vector<16xi32>
    %swap3A_684 = vector.shape_cast %add3A_678 : vector<16xi32> to vector<1x16xi32>
    tpu.vector_store %arg8[%swap3A_680, %swap3A_681], %swap3A_684 {strides = array<i32>} : memref<8x128xi32, #tpu.memory_space<vmem>>, vector<1x16xi32>,
    %get3A_685 = arith.constant 2 : i32
    %get3A_686 = arith.index_cast %get3A_685 : i32 to index
    %get3A_687 = arith.constant 32 : index
    %get3A_688 = tpu.vector_load %arg7[%get3A_686, %get3A_687] {strides = array<i32>} : memref<4x128xi32, #tpu.memory_space<vmem>>, vector<1x16xi32>,
    %get3A_689 = vector.shape_cast %get3A_688 : vector<1x16xi32> to vector<16xi32>
    %add3A_690 = vector.broadcast %mul3A_450 : i32 to vector<16xi32>
    %add3A_691 = arith.addi %get3A_689, %add3A_690 : vector<16xi32>
    %swap3A_692 = arith.constant 6 : i32
    %swap3A_693 = arith.index_cast %swap3A_692 : i32 to index
    %swap3A_694 = arith.constant 32 : index
    %swap3A_695 = tpu.vector_load %arg8[%swap3A_693, %swap3A_694] {strides = array<i32>} : memref<8x128xi32, #tpu.memory_space<vmem>>, vector<1x16xi32>,
    %swap3A_696 = vector.shape_cast %swap3A_695 : vector<1x16xi32> to vector<16xi32>
    %swap3A_697 = vector.shape_cast %add3A_691 : vector<16xi32> to vector<1x16xi32>
    tpu.vector_store %arg8[%swap3A_693, %swap3A_694], %swap3A_697 {strides = array<i32>} : memref<8x128xi32, #tpu.memory_space<vmem>>, vector<1x16xi32>,
    %get3A_698 = arith.constant 2 : i32
    %get3A_699 = arith.index_cast %get3A_698 : i32 to index
    %get3A_700 = arith.constant 48 : index
    %get3A_701 = tpu.vector_load %arg7[%get3A_699, %get3A_700] {strides = array<i32>} : memref<4x128xi32, #tpu.memory_space<vmem>>, vector<1x16xi32>,
    %get3A_702 = vector.shape_cast %get3A_701 : vector<1x16xi32> to vector<16xi32>
    %add3A_703 = vector.broadcast %mul3A_450 : i32 to vector<16xi32>
    %add3A_704 = arith.addi %get3A_702, %add3A_703 : vector<16xi32>
    %swap3A_705 = arith.constant 6 : i32
    %swap3A_706 = arith.index_cast %swap3A_705 : i32 to index
    %swap3A_707 = arith.constant 48 : index
    %swap3A_708 = tpu.vector_load %arg8[%swap3A_706, %swap3A_707] {strides = array<i32>} : memref<8x128xi32, #tpu.memory_space<vmem>>, vector<1x16xi32>,
    %swap3A_709 = vector.shape_cast %swap3A_708 : vector<1x16xi32> to vector<16xi32>
    %swap3A_710 = vector.shape_cast %add3A_704 : vector<16xi32> to vector<1x16xi32>
    tpu.vector_store %arg8[%swap3A_706, %swap3A_707], %swap3A_710 {strides = array<i32>} : memref<8x128xi32, #tpu.memory_space<vmem>>, vector<1x16xi32>,
    %get3A_711 = arith.constant 2 : i32
    %get3A_712 = arith.index_cast %get3A_711 : i32 to index
    %get3A_713 = arith.constant 64 : index
    %get3A_714 = tpu.vector_load %arg7[%get3A_712, %get3A_713] {strides = array<i32>} : memref<4x128xi32, #tpu.memory_space<vmem>>, vector<1x16xi32>,
    %get3A_715 = vector.shape_cast %get3A_714 : vector<1x16xi32> to vector<16xi32>
    %add3A_716 = vector.broadcast %mul3A_450 : i32 to vector<16xi32>
    %add3A_717 = arith.addi %get3A_715, %add3A_716 : vector<16xi32>
    %swap3A_718 = arith.constant 6 : i32
    %swap3A_719 = arith.index_cast %swap3A_718 : i32 to index
    %swap3A_720 = arith.constant 64 : index
    %swap3A_721 = tpu.vector_load %arg8[%swap3A_719, %swap3A_720] {strides = array<i32>} : memref<8x128xi32, #tpu.memory_space<vmem>>, vector<1x16xi32>,
    %swap3A_722 = vector.shape_cast %swap3A_721 : vector<1x16xi32> to vector<16xi32>
    %swap3A_723 = vector.shape_cast %add3A_717 : vector<16xi32> to vector<1x16xi32>
    tpu.vector_store %arg8[%swap3A_719, %swap3A_720], %swap3A_723 {strides = array<i32>} : memref<8x128xi32, #tpu.memory_space<vmem>>, vector<1x16xi32>,
    %get3A_724 = arith.constant 2 : i32
    %get3A_725 = arith.index_cast %get3A_724 : i32 to index
    %get3A_726 = arith.constant 80 : index
    %get3A_727 = tpu.vector_load %arg7[%get3A_725, %get3A_726] {strides = array<i32>} : memref<4x128xi32, #tpu.memory_space<vmem>>, vector<1x16xi32>,
    %get3A_728 = vector.shape_cast %get3A_727 : vector<1x16xi32> to vector<16xi32>
    %add3A_729 = vector.broadcast %mul3A_450 : i32 to vector<16xi32>
    %add3A_730 = arith.addi %get3A_728, %add3A_729 : vector<16xi32>
    %swap3A_731 = arith.constant 6 : i32
    %swap3A_732 = arith.index_cast %swap3A_731 : i32 to index
    %swap3A_733 = arith.constant 80 : index
    %swap3A_734 = tpu.vector_load %arg8[%swap3A_732, %swap3A_733] {strides = array<i32>} : memref<8x128xi32, #tpu.memory_space<vmem>>, vector<1x16xi32>,
    %swap3A_735 = vector.shape_cast %swap3A_734 : vector<1x16xi32> to vector<16xi32>
    %swap3A_736 = vector.shape_cast %add3A_730 : vector<16xi32> to vector<1x16xi32>
    tpu.vector_store %arg8[%swap3A_732, %swap3A_733], %swap3A_736 {strides = array<i32>} : memref<8x128xi32, #tpu.memory_space<vmem>>, vector<1x16xi32>,
    %get3A_737 = arith.constant 2 : i32
    %get3A_738 = arith.index_cast %get3A_737 : i32 to index
    %get3A_739 = arith.constant 96 : index
    %get3A_740 = tpu.vector_load %arg7[%get3A_738, %get3A_739] {strides = array<i32>} : memref<4x128xi32, #tpu.memory_space<vmem>>, vector<1x16xi32>,
    %get3A_741 = vector.shape_cast %get3A_740 : vector<1x16xi32> to vector<16xi32>
    %add3A_742 = vector.broadcast %mul3A_450 : i32 to vector<16xi32>
    %add3A_743 = arith.addi %get3A_741, %add3A_742 : vector<16xi32>
    %swap3A_744 = arith.constant 6 : i32
    %swap3A_745 = arith.index_cast %swap3A_744 : i32 to index
    %swap3A_746 = arith.constant 96 : index
    %swap3A_747 = tpu.vector_load %arg8[%swap3A_745, %swap3A_746] {strides = array<i32>} : memref<8x128xi32, #tpu.memory_space<vmem>>, vector<1x16xi32>,
    %swap3A_748 = vector.shape_cast %swap3A_747 : vector<1x16xi32> to vector<16xi32>
    %swap3A_749 = vector.shape_cast %add3A_743 : vector<16xi32> to vector<1x16xi32>
    tpu.vector_store %arg8[%swap3A_745, %swap3A_746], %swap3A_749 {strides = array<i32>} : memref<8x128xi32, #tpu.memory_space<vmem>>, vector<1x16xi32>,
    %get3A_750 = arith.constant 2 : i32
    %get3A_751 = arith.index_cast %get3A_750 : i32 to index
    %get3A_752 = arith.constant 112 : index
    %get3A_753 = tpu.vector_load %arg7[%get3A_751, %get3A_752] {strides = array<i32>} : memref<4x128xi32, #tpu.memory_space<vmem>>, vector<1x16xi32>,
    %get3A_754 = vector.shape_cast %get3A_753 : vector<1x16xi32> to vector<16xi32>
    %add3A_755 = vector.broadcast %mul3A_450 : i32 to vector<16xi32>
    %add3A_756 = arith.addi %get3A_754, %add3A_755 : vector<16xi32>
    %swap3A_757 = arith.constant 6 : i32
    %swap3A_758 = arith.index_cast %swap3A_757 : i32 to index
    %swap3A_759 = arith.constant 112 : index
    %swap3A_760 = tpu.vector_load %arg8[%swap3A_758, %swap3A_759] {strides = array<i32>} : memref<8x128xi32, #tpu.memory_space<vmem>>, vector<1x16xi32>,
    %swap3A_761 = vector.shape_cast %swap3A_760 : vector<1x16xi32> to vector<16xi32>
    %swap3A_762 = vector.shape_cast %add3A_756 : vector<16xi32> to vector<1x16xi32>
    tpu.vector_store %arg8[%swap3A_758, %swap3A_759], %swap3A_762 {strides = array<i32>} : memref<8x128xi32, #tpu.memory_space<vmem>>, vector<1x16xi32>,
    %get3A_763 = arith.constant 3 : i32
    %get3A_764 = arith.index_cast %get3A_763 : i32 to index
    %get3A_765 = arith.constant 0 : index
    %get3A_766 = tpu.vector_load %arg7[%get3A_764, %get3A_765] {strides = array<i32>} : memref<4x128xi32, #tpu.memory_space<vmem>>, vector<1x16xi32>,
    %get3A_767 = vector.shape_cast %get3A_766 : vector<1x16xi32> to vector<16xi32>
    %add3A_768 = vector.broadcast %mul3A_450 : i32 to vector<16xi32>
    %add3A_769 = arith.addi %get3A_767, %add3A_768 : vector<16xi32>
    %swap3A_770 = arith.constant 7 : i32
    %swap3A_771 = arith.index_cast %swap3A_770 : i32 to index
    %swap3A_772 = arith.constant 0 : index
    %swap3A_773 = tpu.vector_load %arg8[%swap3A_771, %swap3A_772] {strides = array<i32>} : memref<8x128xi32, #tpu.memory_space<vmem>>, vector<1x16xi32>,
    %swap3A_774 = vector.shape_cast %swap3A_773 : vector<1x16xi32> to vector<16xi32>
    %swap3A_775 = vector.shape_cast %add3A_769 : vector<16xi32> to vector<1x16xi32>
    tpu.vector_store %arg8[%swap3A_771, %swap3A_772], %swap3A_775 {strides = array<i32>} : memref<8x128xi32, #tpu.memory_space<vmem>>, vector<1x16xi32>,
    %get3A_776 = arith.constant 3 : i32
    %get3A_777 = arith.index_cast %get3A_776 : i32 to index
    %get3A_778 = arith.constant 16 : index
    %get3A_779 = tpu.vector_load %arg7[%get3A_777, %get3A_778] {strides = array<i32>} : memref<4x128xi32, #tpu.memory_space<vmem>>, vector<1x16xi32>,
    %get3A_780 = vector.shape_cast %get3A_779 : vector<1x16xi32> to vector<16xi32>
    %add3A_781 = vector.broadcast %mul3A_450 : i32 to vector<16xi32>
    %add3A_782 = arith.addi %get3A_780, %add3A_781 : vector<16xi32>
    %swap3A_783 = arith.constant 7 : i32
    %swap3A_784 = arith.index_cast %swap3A_783 : i32 to index
    %swap3A_785 = arith.constant 16 : index
    %swap3A_786 = tpu.vector_load %arg8[%swap3A_784, %swap3A_785] {strides = array<i32>} : memref<8x128xi32, #tpu.memory_space<vmem>>, vector<1x16xi32>,
    %swap3A_787 = vector.shape_cast %swap3A_786 : vector<1x16xi32> to vector<16xi32>
    %swap3A_788 = vector.shape_cast %add3A_782 : vector<16xi32> to vector<1x16xi32>
    tpu.vector_store %arg8[%swap3A_784, %swap3A_785], %swap3A_788 {strides = array<i32>} : memref<8x128xi32, #tpu.memory_space<vmem>>, vector<1x16xi32>,
    %get3A_789 = arith.constant 3 : i32
    %get3A_790 = arith.index_cast %get3A_789 : i32 to index
    %get3A_791 = arith.constant 32 : index
    %get3A_792 = tpu.vector_load %arg7[%get3A_790, %get3A_791] {strides = array<i32>} : memref<4x128xi32, #tpu.memory_space<vmem>>, vector<1x16xi32>,
    %get3A_793 = vector.shape_cast %get3A_792 : vector<1x16xi32> to vector<16xi32>
    %add3A_794 = vector.broadcast %mul3A_450 : i32 to vector<16xi32>
    %add3A_795 = arith.addi %get3A_793, %add3A_794 : vector<16xi32>
    %swap3A_796 = arith.constant 7 : i32
    %swap3A_797 = arith.index_cast %swap3A_796 : i32 to index
    %swap3A_798 = arith.constant 32 : index
    %swap3A_799 = tpu.vector_load %arg8[%swap3A_797, %swap3A_798] {strides = array<i32>} : memref<8x128xi32, #tpu.memory_space<vmem>>, vector<1x16xi32>,
    %swap3A_800 = vector.shape_cast %swap3A_799 : vector<1x16xi32> to vector<16xi32>
    %swap3A_801 = vector.shape_cast %add3A_795 : vector<16xi32> to vector<1x16xi32>
    tpu.vector_store %arg8[%swap3A_797, %swap3A_798], %swap3A_801 {strides = array<i32>} : memref<8x128xi32, #tpu.memory_space<vmem>>, vector<1x16xi32>,
    %get3A_802 = arith.constant 3 : i32
    %get3A_803 = arith.index_cast %get3A_802 : i32 to index
    %get3A_804 = arith.constant 48 : index
    %get3A_805 = tpu.vector_load %arg7[%get3A_803, %get3A_804] {strides = array<i32>} : memref<4x128xi32, #tpu.memory_space<vmem>>, vector<1x16xi32>,
    %get3A_806 = vector.shape_cast %get3A_805 : vector<1x16xi32> to vector<16xi32>
    %add3A_807 = vector.broadcast %mul3A_450 : i32 to vector<16xi32>
    %add3A_808 = arith.addi %get3A_806, %add3A_807 : vector<16xi32>
    %swap3A_809 = arith.constant 7 : i32
    %swap3A_810 = arith.index_cast %swap3A_809 : i32 to index
    %swap3A_811 = arith.constant 48 : index
    %swap3A_812 = tpu.vector_load %arg8[%swap3A_810, %swap3A_811] {strides = array<i32>} : memref<8x128xi32, #tpu.memory_space<vmem>>, vector<1x16xi32>,
    %swap3A_813 = vector.shape_cast %swap3A_812 : vector<1x16xi32> to vector<16xi32>
    %swap3A_814 = vector.shape_cast %add3A_808 : vector<16xi32> to vector<1x16xi32>
    tpu.vector_store %arg8[%swap3A_810, %swap3A_811], %swap3A_814 {strides = array<i32>} : memref<8x128xi32, #tpu.memory_space<vmem>>, vector<1x16xi32>,
    %get3A_815 = arith.constant 3 : i32
    %get3A_816 = arith.index_cast %get3A_815 : i32 to index
    %get3A_817 = arith.constant 64 : index
    %get3A_818 = tpu.vector_load %arg7[%get3A_816, %get3A_817] {strides = array<i32>} : memref<4x128xi32, #tpu.memory_space<vmem>>, vector<1x16xi32>,
    %get3A_819 = vector.shape_cast %get3A_818 : vector<1x16xi32> to vector<16xi32>
    %add3A_820 = vector.broadcast %mul3A_450 : i32 to vector<16xi32>
    %add3A_821 = arith.addi %get3A_819, %add3A_820 : vector<16xi32>
    %swap3A_822 = arith.constant 7 : i32
    %swap3A_823 = arith.index_cast %swap3A_822 : i32 to index
    %swap3A_824 = arith.constant 64 : index
    %swap3A_825 = tpu.vector_load %arg8[%swap3A_823, %swap3A_824] {strides = array<i32>} : memref<8x128xi32, #tpu.memory_space<vmem>>, vector<1x16xi32>,
    %swap3A_826 = vector.shape_cast %swap3A_825 : vector<1x16xi32> to vector<16xi32>
    %swap3A_827 = vector.shape_cast %add3A_821 : vector<16xi32> to vector<1x16xi32>
    tpu.vector_store %arg8[%swap3A_823, %swap3A_824], %swap3A_827 {strides = array<i32>} : memref<8x128xi32, #tpu.memory_space<vmem>>, vector<1x16xi32>,
    %get3A_828 = arith.constant 3 : i32
    %get3A_829 = arith.index_cast %get3A_828 : i32 to index
    %get3A_830 = arith.constant 80 : index
    %get3A_831 = tpu.vector_load %arg7[%get3A_829, %get3A_830] {strides = array<i32>} : memref<4x128xi32, #tpu.memory_space<vmem>>, vector<1x16xi32>,
    %get3A_832 = vector.shape_cast %get3A_831 : vector<1x16xi32> to vector<16xi32>
    %add3A_833 = vector.broadcast %mul3A_450 : i32 to vector<16xi32>
    %add3A_834 = arith.addi %get3A_832, %add3A_833 : vector<16xi32>
    %swap3A_835 = arith.constant 7 : i32
    %swap3A_836 = arith.index_cast %swap3A_835 : i32 to index
    %swap3A_837 = arith.constant 80 : index
    %swap3A_838 = tpu.vector_load %arg8[%swap3A_836, %swap3A_837] {strides = array<i32>} : memref<8x128xi32, #tpu.memory_space<vmem>>, vector<1x16xi32>,
    %swap3A_839 = vector.shape_cast %swap3A_838 : vector<1x16xi32> to vector<16xi32>
    %swap3A_840 = vector.shape_cast %add3A_834 : vector<16xi32> to vector<1x16xi32>
    tpu.vector_store %arg8[%swap3A_836, %swap3A_837], %swap3A_840 {strides = array<i32>} : memref<8x128xi32, #tpu.memory_space<vmem>>, vector<1x16xi32>,
    %get3A_841 = arith.constant 3 : i32
    %get3A_842 = arith.index_cast %get3A_841 : i32 to index
    %get3A_843 = arith.constant 96 : index
    %get3A_844 = tpu.vector_load %arg7[%get3A_842, %get3A_843] {strides = array<i32>} : memref<4x128xi32, #tpu.memory_space<vmem>>, vector<1x16xi32>,
    %get3A_845 = vector.shape_cast %get3A_844 : vector<1x16xi32> to vector<16xi32>
    %add3A_846 = vector.broadcast %mul3A_450 : i32 to vector<16xi32>
    %add3A_847 = arith.addi %get3A_845, %add3A_846 : vector<16xi32>
    %swap3A_848 = arith.constant 7 : i32
    %swap3A_849 = arith.index_cast %swap3A_848 : i32 to index
    %swap3A_850 = arith.constant 96 : index
    %swap3A_851 = tpu.vector_load %arg8[%swap3A_849, %swap3A_850] {strides = array<i32>} : memref<8x128xi32, #tpu.memory_space<vmem>>, vector<1x16xi32>,
    %swap3A_852 = vector.shape_cast %swap3A_851 : vector<1x16xi32> to vector<16xi32>
    %swap3A_853 = vector.shape_cast %add3A_847 : vector<16xi32> to vector<1x16xi32>
    tpu.vector_store %arg8[%swap3A_849, %swap3A_850], %swap3A_853 {strides = array<i32>} : memref<8x128xi32, #tpu.memory_space<vmem>>, vector<1x16xi32>,
    %get3A_854 = arith.constant 3 : i32
    %get3A_855 = arith.index_cast %get3A_854 : i32 to index
    %get3A_856 = arith.constant 112 : index
    %get3A_857 = tpu.vector_load %arg7[%get3A_855, %get3A_856] {strides = array<i32>} : memref<4x128xi32, #tpu.memory_space<vmem>>, vector<1x16xi32>,
    %get3A_858 = vector.shape_cast %get3A_857 : vector<1x16xi32> to vector<16xi32>
    %add3A_859 = vector.broadcast %mul3A_450 : i32 to vector<16xi32>
    %add3A_860 = arith.addi %get3A_858, %add3A_859 : vector<16xi32>
    %swap3A_861 = arith.constant 7 : i32
    %swap3A_862 = arith.index_cast %swap3A_861 : i32 to index
    %swap3A_863 = arith.constant 112 : index
    %swap3A_864 = tpu.vector_load %arg8[%swap3A_862, %swap3A_863] {strides = array<i32>} : memref<8x128xi32, #tpu.memory_space<vmem>>, vector<1x16xi32>,
    %swap3A_865 = vector.shape_cast %swap3A_864 : vector<1x16xi32> to vector<16xi32>
    %swap3A_866 = vector.shape_cast %add3A_860 : vector<16xi32> to vector<1x16xi32>
    tpu.vector_store %arg8[%swap3A_862, %swap3A_863], %swap3A_866 {strides = array<i32>} : memref<8x128xi32, #tpu.memory_space<vmem>>, vector<1x16xi32>,
    %dma_start3A = arith.constant 0 : i32
    %dma_start3A_867 = arith.constant 0 : i32
    %dma_start3A_868 = arith.constant 0 : i32
    %dma_start3A_869 = tpu.memref_slice %arg9[%dma_start3A_867, %dma_start3A_868] : memref<8x128xf32, #tpu.memory_space<vmem>> -> memref<1x128xf32, #tpu.memory_space<vmem>>
    %dma_start3A_870 = tpu.memref_squeeze %dma_start3A_869 : memref<1x128xf32, #tpu.memory_space<vmem>> -> memref<128xf32, #tpu.memory_space<vmem>>
    %dma_start3A_871 = arith.constant 0 : i32
    %dma_start3A_872 = tpu.memref_slice %arg8[%dma_start3A, %dma_start3A_871] : memref<8x128xi32, #tpu.memory_space<vmem>> -> memref<1x128xi32, #tpu.memory_space<vmem>>
    %dma_start3A_873 = tpu.memref_squeeze %dma_start3A_872 : memref<1x128xi32, #tpu.memory_space<vmem>> -> memref<128xi32, #tpu.memory_space<vmem>>
    %dma_start3A_874 = arith.constant 0 : i32
    %dma_start3A_875 = tpu.memref_slice %arg2[%dma_start3A_874] : memref<35651584xf32, #tpu.memory_space<hbm>> -> memref<35651584xf32, #tpu.memory_space<hbm>>
    tpu.enqueue_indirect_dma source(%dma_start3A_875 : memref<35651584xf32, #tpu.memory_space<hbm>>) target(%dma_start3A_870 : memref<128xf32, #tpu.memory_space<vmem>>) offsets(%dma_start3A_873 : memref<128xi32, #tpu.memory_space<vmem>>) semaphore(%arg13 : memref<!tpu.dma_semaphore, #tpu.memory_space<semaphore_mem>>)
    %dma_start3A_876 = arith.constant 1 : i32
    %dma_start3A_877 = arith.constant 1 : i32
    %dma_start3A_878 = arith.constant 0 : i32
    %dma_start3A_879 = tpu.memref_slice %arg9[%dma_start3A_877, %dma_start3A_878] : memref<8x128xf32, #tpu.memory_space<vmem>> -> memref<1x128xf32, #tpu.memory_space<vmem>>
    %dma_start3A_880 = tpu.memref_squeeze %dma_start3A_879 : memref<1x128xf32, #tpu.memory_space<vmem>> -> memref<128xf32, #tpu.memory_space<vmem>>
    %dma_start3A_881 = arith.constant 0 : i32
    %dma_start3A_882 = tpu.memref_slice %arg8[%dma_start3A_876, %dma_start3A_881] : memref<8x128xi32, #tpu.memory_space<vmem>> -> memref<1x128xi32, #tpu.memory_space<vmem>>
    %dma_start3A_883 = tpu.memref_squeeze %dma_start3A_882 : memref<1x128xi32, #tpu.memory_space<vmem>> -> memref<128xi32, #tpu.memory_space<vmem>>
    %dma_start3A_884 = arith.constant 0 : i32
    %dma_start3A_885 = tpu.memref_slice %arg2[%dma_start3A_884] : memref<35651584xf32, #tpu.memory_space<hbm>> -> memref<35651584xf32, #tpu.memory_space<hbm>>
    tpu.enqueue_indirect_dma source(%dma_start3A_885 : memref<35651584xf32, #tpu.memory_space<hbm>>) target(%dma_start3A_880 : memref<128xf32, #tpu.memory_space<vmem>>) offsets(%dma_start3A_883 : memref<128xi32, #tpu.memory_space<vmem>>) semaphore(%arg13 : memref<!tpu.dma_semaphore, #tpu.memory_space<semaphore_mem>>)
    %dma_start3A_886 = arith.constant 2 : i32
    %dma_start3A_887 = arith.constant 2 : i32
    %dma_start3A_888 = arith.constant 0 : i32
    %dma_start3A_889 = tpu.memref_slice %arg9[%dma_start3A_887, %dma_start3A_888] : memref<8x128xf32, #tpu.memory_space<vmem>> -> memref<1x128xf32, #tpu.memory_space<vmem>>
    %dma_start3A_890 = tpu.memref_squeeze %dma_start3A_889 : memref<1x128xf32, #tpu.memory_space<vmem>> -> memref<128xf32, #tpu.memory_space<vmem>>
    %dma_start3A_891 = arith.constant 0 : i32
    %dma_start3A_892 = tpu.memref_slice %arg8[%dma_start3A_886, %dma_start3A_891] : memref<8x128xi32, #tpu.memory_space<vmem>> -> memref<1x128xi32, #tpu.memory_space<vmem>>
    %dma_start3A_893 = tpu.memref_squeeze %dma_start3A_892 : memref<1x128xi32, #tpu.memory_space<vmem>> -> memref<128xi32, #tpu.memory_space<vmem>>
    %dma_start3A_894 = arith.constant 0 : i32
    %dma_start3A_895 = tpu.memref_slice %arg2[%dma_start3A_894] : memref<35651584xf32, #tpu.memory_space<hbm>> -> memref<35651584xf32, #tpu.memory_space<hbm>>
    tpu.enqueue_indirect_dma source(%dma_start3A_895 : memref<35651584xf32, #tpu.memory_space<hbm>>) target(%dma_start3A_890 : memref<128xf32, #tpu.memory_space<vmem>>) offsets(%dma_start3A_893 : memref<128xi32, #tpu.memory_space<vmem>>) semaphore(%arg13 : memref<!tpu.dma_semaphore, #tpu.memory_space<semaphore_mem>>)
    %dma_start3A_896 = arith.constant 3 : i32
    %dma_start3A_897 = arith.constant 3 : i32
    %dma_start3A_898 = arith.constant 0 : i32
    %dma_start3A_899 = tpu.memref_slice %arg9[%dma_start3A_897, %dma_start3A_898] : memref<8x128xf32, #tpu.memory_space<vmem>> -> memref<1x128xf32, #tpu.memory_space<vmem>>
    %dma_start3A_900 = tpu.memref_squeeze %dma_start3A_899 : memref<1x128xf32, #tpu.memory_space<vmem>> -> memref<128xf32, #tpu.memory_space<vmem>>
    %dma_start3A_901 = arith.constant 0 : i32
    %dma_start3A_902 = tpu.memref_slice %arg8[%dma_start3A_896, %dma_start3A_901] : memref<8x128xi32, #tpu.memory_space<vmem>> -> memref<1x128xi32, #tpu.memory_space<vmem>>
    %dma_start3A_903 = tpu.memref_squeeze %dma_start3A_902 : memref<1x128xi32, #tpu.memory_space<vmem>> -> memref<128xi32, #tpu.memory_space<vmem>>
    %dma_start3A_904 = arith.constant 0 : i32
    %dma_start3A_905 = tpu.memref_slice %arg2[%dma_start3A_904] : memref<35651584xf32, #tpu.memory_space<hbm>> -> memref<35651584xf32, #tpu.memory_space<hbm>>
    tpu.enqueue_indirect_dma source(%dma_start3A_905 : memref<35651584xf32, #tpu.memory_space<hbm>>) target(%dma_start3A_900 : memref<128xf32, #tpu.memory_space<vmem>>) offsets(%dma_start3A_903 : memref<128xi32, #tpu.memory_space<vmem>>) semaphore(%arg13 : memref<!tpu.dma_semaphore, #tpu.memory_space<semaphore_mem>>)
    %dma_start3A_906 = arith.constant 4 : i32
    %dma_start3A_907 = arith.constant 4 : i32
    %dma_start3A_908 = arith.constant 0 : i32
    %dma_start3A_909 = tpu.memref_slice %arg9[%dma_start3A_907, %dma_start3A_908] : memref<8x128xf32, #tpu.memory_space<vmem>> -> memref<1x128xf32, #tpu.memory_space<vmem>>
    %dma_start3A_910 = tpu.memref_squeeze %dma_start3A_909 : memref<1x128xf32, #tpu.memory_space<vmem>> -> memref<128xf32, #tpu.memory_space<vmem>>
    %dma_start3A_911 = arith.constant 0 : i32
    %dma_start3A_912 = tpu.memref_slice %arg8[%dma_start3A_906, %dma_start3A_911] : memref<8x128xi32, #tpu.memory_space<vmem>> -> memref<1x128xi32, #tpu.memory_space<vmem>>
    %dma_start3A_913 = tpu.memref_squeeze %dma_start3A_912 : memref<1x128xi32, #tpu.memory_space<vmem>> -> memref<128xi32, #tpu.memory_space<vmem>>
    %dma_start3A_914 = arith.constant 0 : i32
    %dma_start3A_915 = tpu.memref_slice %arg2[%dma_start3A_914] : memref<35651584xf32, #tpu.memory_space<hbm>> -> memref<35651584xf32, #tpu.memory_space<hbm>>
    tpu.enqueue_indirect_dma source(%dma_start3A_915 : memref<35651584xf32, #tpu.memory_space<hbm>>) target(%dma_start3A_910 : memref<128xf32, #tpu.memory_space<vmem>>) offsets(%dma_start3A_913 : memref<128xi32, #tpu.memory_space<vmem>>) semaphore(%arg13 : memref<!tpu.dma_semaphore, #tpu.memory_space<semaphore_mem>>)
    %dma_start3A_916 = arith.constant 5 : i32
    %dma_start3A_917 = arith.constant 5 : i32
    %dma_start3A_918 = arith.constant 0 : i32
    %dma_start3A_919 = tpu.memref_slice %arg9[%dma_start3A_917, %dma_start3A_918] : memref<8x128xf32, #tpu.memory_space<vmem>> -> memref<1x128xf32, #tpu.memory_space<vmem>>
    %dma_start3A_920 = tpu.memref_squeeze %dma_start3A_919 : memref<1x128xf32, #tpu.memory_space<vmem>> -> memref<128xf32, #tpu.memory_space<vmem>>
    %dma_start3A_921 = arith.constant 0 : i32
    %dma_start3A_922 = tpu.memref_slice %arg8[%dma_start3A_916, %dma_start3A_921] : memref<8x128xi32, #tpu.memory_space<vmem>> -> memref<1x128xi32, #tpu.memory_space<vmem>>
    %dma_start3A_923 = tpu.memref_squeeze %dma_start3A_922 : memref<1x128xi32, #tpu.memory_space<vmem>> -> memref<128xi32, #tpu.memory_space<vmem>>
    %dma_start3A_924 = arith.constant 0 : i32
    %dma_start3A_925 = tpu.memref_slice %arg2[%dma_start3A_924] : memref<35651584xf32, #tpu.memory_space<hbm>> -> memref<35651584xf32, #tpu.memory_space<hbm>>
    tpu.enqueue_indirect_dma source(%dma_start3A_925 : memref<35651584xf32, #tpu.memory_space<hbm>>) target(%dma_start3A_920 : memref<128xf32, #tpu.memory_space<vmem>>) offsets(%dma_start3A_923 : memref<128xi32, #tpu.memory_space<vmem>>) semaphore(%arg13 : memref<!tpu.dma_semaphore, #tpu.memory_space<semaphore_mem>>)
    %dma_start3A_926 = arith.constant 6 : i32
    %dma_start3A_927 = arith.constant 6 : i32
    %dma_start3A_928 = arith.constant 0 : i32
    %dma_start3A_929 = tpu.memref_slice %arg9[%dma_start3A_927, %dma_start3A_928] : memref<8x128xf32, #tpu.memory_space<vmem>> -> memref<1x128xf32, #tpu.memory_space<vmem>>
    %dma_start3A_930 = tpu.memref_squeeze %dma_start3A_929 : memref<1x128xf32, #tpu.memory_space<vmem>> -> memref<128xf32, #tpu.memory_space<vmem>>
    %dma_start3A_931 = arith.constant 0 : i32
    %dma_start3A_932 = tpu.memref_slice %arg8[%dma_start3A_926, %dma_start3A_931] : memref<8x128xi32, #tpu.memory_space<vmem>> -> memref<1x128xi32, #tpu.memory_space<vmem>>
    %dma_start3A_933 = tpu.memref_squeeze %dma_start3A_932 : memref<1x128xi32, #tpu.memory_space<vmem>> -> memref<128xi32, #tpu.memory_space<vmem>>
    %dma_start3A_934 = arith.constant 0 : i32
    %dma_start3A_935 = tpu.memref_slice %arg2[%dma_start3A_934] : memref<35651584xf32, #tpu.memory_space<hbm>> -> memref<35651584xf32, #tpu.memory_space<hbm>>
    tpu.enqueue_indirect_dma source(%dma_start3A_935 : memref<35651584xf32, #tpu.memory_space<hbm>>) target(%dma_start3A_930 : memref<128xf32, #tpu.memory_space<vmem>>) offsets(%dma_start3A_933 : memref<128xi32, #tpu.memory_space<vmem>>) semaphore(%arg13 : memref<!tpu.dma_semaphore, #tpu.memory_space<semaphore_mem>>)
    %dma_start3A_936 = arith.constant 7 : i32
    %dma_start3A_937 = arith.constant 7 : i32
    %dma_start3A_938 = arith.constant 0 : i32
    %dma_start3A_939 = tpu.memref_slice %arg9[%dma_start3A_937, %dma_start3A_938] : memref<8x128xf32, #tpu.memory_space<vmem>> -> memref<1x128xf32, #tpu.memory_space<vmem>>
    %dma_start3A_940 = tpu.memref_squeeze %dma_start3A_939 : memref<1x128xf32, #tpu.memory_space<vmem>> -> memref<128xf32, #tpu.memory_space<vmem>>
    %dma_start3A_941 = arith.constant 0 : i32
    %dma_start3A_942 = tpu.memref_slice %arg8[%dma_start3A_936, %dma_start3A_941] : memref<8x128xi32, #tpu.memory_space<vmem>> -> memref<1x128xi32, #tpu.memory_space<vmem>>
    %dma_start3A_943 = tpu.memref_squeeze %dma_start3A_942 : memref<1x128xi32, #tpu.memory_space<vmem>> -> memref<128xi32, #tpu.memory_space<vmem>>
    %dma_start3A_944 = arith.constant 0 : i32
    %dma_start3A_945 = tpu.memref_slice %arg2[%dma_start3A_944] : memref<35651584xf32, #tpu.memory_space<hbm>> -> memref<35651584xf32, #tpu.memory_space<hbm>>
    tpu.enqueue_indirect_dma source(%dma_start3A_945 : memref<35651584xf32, #tpu.memory_space<hbm>>) target(%dma_start3A_940 : memref<128xf32, #tpu.memory_space<vmem>>) offsets(%dma_start3A_943 : memref<128xi32, #tpu.memory_space<vmem>>) semaphore(%arg13 : memref<!tpu.dma_semaphore, #tpu.memory_space<semaphore_mem>>)
    %dma_wait3A = arith.constant 0 : i32
    %dma_wait3A_946 = arith.constant 0 : i32
    %dma_wait3A_947 = arith.constant 0 : i32
    %dma_wait3A_948 = tpu.memref_slice %arg9[%dma_wait3A_946, %dma_wait3A_947] : memref<8x128xf32, #tpu.memory_space<vmem>> -> memref<1x128xf32, #tpu.memory_space<vmem>>
    %dma_wait3A_949 = tpu.memref_squeeze %dma_wait3A_948 : memref<1x128xf32, #tpu.memory_space<vmem>> -> memref<128xf32, #tpu.memory_space<vmem>>
    %dma_wait3A_950 = arith.constant 0 : i32
    %dma_wait3A_951 = tpu.memref_slice %arg8[%dma_wait3A, %dma_wait3A_950] : memref<8x128xi32, #tpu.memory_space<vmem>> -> memref<1x128xi32, #tpu.memory_space<vmem>>
    %dma_wait3A_952 = tpu.memref_squeeze %dma_wait3A_951 : memref<1x128xi32, #tpu.memory_space<vmem>> -> memref<128xi32, #tpu.memory_space<vmem>>
    %dma_wait3A_953 = arith.constant 0 : i32
    %dma_wait3A_954 = tpu.memref_slice %arg2[%dma_wait3A_953] : memref<35651584xf32, #tpu.memory_space<hbm>> -> memref<35651584xf32, #tpu.memory_space<hbm>>
    tpu.wait_indirect_dma semaphore(%arg13 : memref<!tpu.dma_semaphore, #tpu.memory_space<semaphore_mem>>) src(%dma_wait3A_954 : memref<35651584xf32, #tpu.memory_space<hbm>>) dst(%dma_wait3A_949 : memref<128xf32, #tpu.memory_space<vmem>>)
    %dma_wait3A_955 = arith.constant 1 : i32
    %dma_wait3A_956 = arith.constant 1 : i32
    %dma_wait3A_957 = arith.constant 0 : i32
    %dma_wait3A_958 = tpu.memref_slice %arg9[%dma_wait3A_956, %dma_wait3A_957] : memref<8x128xf32, #tpu.memory_space<vmem>> -> memref<1x128xf32, #tpu.memory_space<vmem>>
    %dma_wait3A_959 = tpu.memref_squeeze %dma_wait3A_958 : memref<1x128xf32, #tpu.memory_space<vmem>> -> memref<128xf32, #tpu.memory_space<vmem>>
    %dma_wait3A_960 = arith.constant 0 : i32
    %dma_wait3A_961 = tpu.memref_slice %arg8[%dma_wait3A_955, %dma_wait3A_960] : memref<8x128xi32, #tpu.memory_space<vmem>> -> memref<1x128xi32, #tpu.memory_space<vmem>>
    %dma_wait3A_962 = tpu.memref_squeeze %dma_wait3A_961 : memref<1x128xi32, #tpu.memory_space<vmem>> -> memref<128xi32, #tpu.memory_space<vmem>>
    %dma_wait3A_963 = arith.constant 0 : i32
    %dma_wait3A_964 = tpu.memref_slice %arg2[%dma_wait3A_963] : memref<35651584xf32, #tpu.memory_space<hbm>> -> memref<35651584xf32, #tpu.memory_space<hbm>>
    tpu.wait_indirect_dma semaphore(%arg13 : memref<!tpu.dma_semaphore, #tpu.memory_space<semaphore_mem>>) src(%dma_wait3A_964 : memref<35651584xf32, #tpu.memory_space<hbm>>) dst(%dma_wait3A_959 : memref<128xf32, #tpu.memory_space<vmem>>)
    %dma_wait3A_965 = arith.constant 2 : i32
    %dma_wait3A_966 = arith.constant 2 : i32
    %dma_wait3A_967 = arith.constant 0 : i32
    %dma_wait3A_968 = tpu.memref_slice %arg9[%dma_wait3A_966, %dma_wait3A_967] : memref<8x128xf32, #tpu.memory_space<vmem>> -> memref<1x128xf32, #tpu.memory_space<vmem>>
    %dma_wait3A_969 = tpu.memref_squeeze %dma_wait3A_968 : memref<1x128xf32, #tpu.memory_space<vmem>> -> memref<128xf32, #tpu.memory_space<vmem>>
    %dma_wait3A_970 = arith.constant 0 : i32
    %dma_wait3A_971 = tpu.memref_slice %arg8[%dma_wait3A_965, %dma_wait3A_970] : memref<8x128xi32, #tpu.memory_space<vmem>> -> memref<1x128xi32, #tpu.memory_space<vmem>>
    %dma_wait3A_972 = tpu.memref_squeeze %dma_wait3A_971 : memref<1x128xi32, #tpu.memory_space<vmem>> -> memref<128xi32, #tpu.memory_space<vmem>>
    %dma_wait3A_973 = arith.constant 0 : i32
    %dma_wait3A_974 = tpu.memref_slice %arg2[%dma_wait3A_973] : memref<35651584xf32, #tpu.memory_space<hbm>> -> memref<35651584xf32, #tpu.memory_space<hbm>>
    tpu.wait_indirect_dma semaphore(%arg13 : memref<!tpu.dma_semaphore, #tpu.memory_space<semaphore_mem>>) src(%dma_wait3A_974 : memref<35651584xf32, #tpu.memory_space<hbm>>) dst(%dma_wait3A_969 : memref<128xf32, #tpu.memory_space<vmem>>)
    %dma_wait3A_975 = arith.constant 3 : i32
    %dma_wait3A_976 = arith.constant 3 : i32
    %dma_wait3A_977 = arith.constant 0 : i32
    %dma_wait3A_978 = tpu.memref_slice %arg9[%dma_wait3A_976, %dma_wait3A_977] : memref<8x128xf32, #tpu.memory_space<vmem>> -> memref<1x128xf32, #tpu.memory_space<vmem>>
    %dma_wait3A_979 = tpu.memref_squeeze %dma_wait3A_978 : memref<1x128xf32, #tpu.memory_space<vmem>> -> memref<128xf32, #tpu.memory_space<vmem>>
    %dma_wait3A_980 = arith.constant 0 : i32
    %dma_wait3A_981 = tpu.memref_slice %arg8[%dma_wait3A_975, %dma_wait3A_980] : memref<8x128xi32, #tpu.memory_space<vmem>> -> memref<1x128xi32, #tpu.memory_space<vmem>>
    %dma_wait3A_982 = tpu.memref_squeeze %dma_wait3A_981 : memref<1x128xi32, #tpu.memory_space<vmem>> -> memref<128xi32, #tpu.memory_space<vmem>>
    %dma_wait3A_983 = arith.constant 0 : i32
    %dma_wait3A_984 = tpu.memref_slice %arg2[%dma_wait3A_983] : memref<35651584xf32, #tpu.memory_space<hbm>> -> memref<35651584xf32, #tpu.memory_space<hbm>>
    tpu.wait_indirect_dma semaphore(%arg13 : memref<!tpu.dma_semaphore, #tpu.memory_space<semaphore_mem>>) src(%dma_wait3A_984 : memref<35651584xf32, #tpu.memory_space<hbm>>) dst(%dma_wait3A_979 : memref<128xf32, #tpu.memory_space<vmem>>)
    %dma_wait3A_985 = arith.constant 4 : i32
    %dma_wait3A_986 = arith.constant 4 : i32
    %dma_wait3A_987 = arith.constant 0 : i32
    %dma_wait3A_988 = tpu.memref_slice %arg9[%dma_wait3A_986, %dma_wait3A_987] : memref<8x128xf32, #tpu.memory_space<vmem>> -> memref<1x128xf32, #tpu.memory_space<vmem>>
    %dma_wait3A_989 = tpu.memref_squeeze %dma_wait3A_988 : memref<1x128xf32, #tpu.memory_space<vmem>> -> memref<128xf32, #tpu.memory_space<vmem>>
    %dma_wait3A_990 = arith.constant 0 : i32
    %dma_wait3A_991 = tpu.memref_slice %arg8[%dma_wait3A_985, %dma_wait3A_990] : memref<8x128xi32, #tpu.memory_space<vmem>> -> memref<1x128xi32, #tpu.memory_space<vmem>>
    %dma_wait3A_992 = tpu.memref_squeeze %dma_wait3A_991 : memref<1x128xi32, #tpu.memory_space<vmem>> -> memref<128xi32, #tpu.memory_space<vmem>>
    %dma_wait3A_993 = arith.constant 0 : i32
    %dma_wait3A_994 = tpu.memref_slice %arg2[%dma_wait3A_993] : memref<35651584xf32, #tpu.memory_space<hbm>> -> memref<35651584xf32, #tpu.memory_space<hbm>>
    tpu.wait_indirect_dma semaphore(%arg13 : memref<!tpu.dma_semaphore, #tpu.memory_space<semaphore_mem>>) src(%dma_wait3A_994 : memref<35651584xf32, #tpu.memory_space<hbm>>) dst(%dma_wait3A_989 : memref<128xf32, #tpu.memory_space<vmem>>)
    %dma_wait3A_995 = arith.constant 5 : i32
    %dma_wait3A_996 = arith.constant 5 : i32
    %dma_wait3A_997 = arith.constant 0 : i32
    %dma_wait3A_998 = tpu.memref_slice %arg9[%dma_wait3A_996, %dma_wait3A_997] : memref<8x128xf32, #tpu.memory_space<vmem>> -> memref<1x128xf32, #tpu.memory_space<vmem>>
    %dma_wait3A_999 = tpu.memref_squeeze %dma_wait3A_998 : memref<1x128xf32, #tpu.memory_space<vmem>> -> memref<128xf32, #tpu.memory_space<vmem>>
    %dma_wait3A_1000 = arith.constant 0 : i32
    %dma_wait3A_1001 = tpu.memref_slice %arg8[%dma_wait3A_995, %dma_wait3A_1000] : memref<8x128xi32, #tpu.memory_space<vmem>> -> memref<1x128xi32, #tpu.memory_space<vmem>>
    %dma_wait3A_1002 = tpu.memref_squeeze %dma_wait3A_1001 : memref<1x128xi32, #tpu.memory_space<vmem>> -> memref<128xi32, #tpu.memory_space<vmem>>
    %dma_wait3A_1003 = arith.constant 0 : i32
    %dma_wait3A_1004 = tpu.memref_slice %arg2[%dma_wait3A_1003] : memref<35651584xf32, #tpu.memory_space<hbm>> -> memref<35651584xf32, #tpu.memory_space<hbm>>
    tpu.wait_indirect_dma semaphore(%arg13 : memref<!tpu.dma_semaphore, #tpu.memory_space<semaphore_mem>>) src(%dma_wait3A_1004 : memref<35651584xf32, #tpu.memory_space<hbm>>) dst(%dma_wait3A_999 : memref<128xf32, #tpu.memory_space<vmem>>)
    %dma_wait3A_1005 = arith.constant 6 : i32
    %dma_wait3A_1006 = arith.constant 6 : i32
    %dma_wait3A_1007 = arith.constant 0 : i32
    %dma_wait3A_1008 = tpu.memref_slice %arg9[%dma_wait3A_1006, %dma_wait3A_1007] : memref<8x128xf32, #tpu.memory_space<vmem>> -> memref<1x128xf32, #tpu.memory_space<vmem>>
    %dma_wait3A_1009 = tpu.memref_squeeze %dma_wait3A_1008 : memref<1x128xf32, #tpu.memory_space<vmem>> -> memref<128xf32, #tpu.memory_space<vmem>>
    %dma_wait3A_1010 = arith.constant 0 : i32
    %dma_wait3A_1011 = tpu.memref_slice %arg8[%dma_wait3A_1005, %dma_wait3A_1010] : memref<8x128xi32, #tpu.memory_space<vmem>> -> memref<1x128xi32, #tpu.memory_space<vmem>>
    %dma_wait3A_1012 = tpu.memref_squeeze %dma_wait3A_1011 : memref<1x128xi32, #tpu.memory_space<vmem>> -> memref<128xi32, #tpu.memory_space<vmem>>
    %dma_wait3A_1013 = arith.constant 0 : i32
    %dma_wait3A_1014 = tpu.memref_slice %arg2[%dma_wait3A_1013] : memref<35651584xf32, #tpu.memory_space<hbm>> -> memref<35651584xf32, #tpu.memory_space<hbm>>
    tpu.wait_indirect_dma semaphore(%arg13 : memref<!tpu.dma_semaphore, #tpu.memory_space<semaphore_mem>>) src(%dma_wait3A_1014 : memref<35651584xf32, #tpu.memory_space<hbm>>) dst(%dma_wait3A_1009 : memref<128xf32, #tpu.memory_space<vmem>>)
    %dma_wait3A_1015 = arith.constant 7 : i32
    %dma_wait3A_1016 = arith.constant 7 : i32
    %dma_wait3A_1017 = arith.constant 0 : i32
    %dma_wait3A_1018 = tpu.memref_slice %arg9[%dma_wait3A_1016, %dma_wait3A_1017] : memref<8x128xf32, #tpu.memory_space<vmem>> -> memref<1x128xf32, #tpu.memory_space<vmem>>
    %dma_wait3A_1019 = tpu.memref_squeeze %dma_wait3A_1018 : memref<1x128xf32, #tpu.memory_space<vmem>> -> memref<128xf32, #tpu.memory_space<vmem>>
    %dma_wait3A_1020 = arith.constant 0 : i32
    %dma_wait3A_1021 = tpu.memref_slice %arg8[%dma_wait3A_1015, %dma_wait3A_1020] : memref<8x128xi32, #tpu.memory_space<vmem>> -> memref<1x128xi32, #tpu.memory_space<vmem>>
    %dma_wait3A_1022 = tpu.memref_squeeze %dma_wait3A_1021 : memref<1x128xi32, #tpu.memory_space<vmem>> -> memref<128xi32, #tpu.memory_space<vmem>>
    %dma_wait3A_1023 = arith.constant 0 : i32
    %dma_wait3A_1024 = tpu.memref_slice %arg2[%dma_wait3A_1023] : memref<35651584xf32, #tpu.memory_space<hbm>> -> memref<35651584xf32, #tpu.memory_space<hbm>>
    tpu.wait_indirect_dma semaphore(%arg13 : memref<!tpu.dma_semaphore, #tpu.memory_space<semaphore_mem>>) src(%dma_wait3A_1024 : memref<35651584xf32, #tpu.memory_space<hbm>>) dst(%dma_wait3A_1019 : memref<128xf32, #tpu.memory_space<vmem>>)
    %broadcast_in_dim3A = arith.constant 0.000000e+00 : f32
    %broadcast_in_dim3A_1025 = vector.broadcast %broadcast_in_dim3A : f32 to vector<16xf32>
    %get3A_1026 = arith.constant 0 : i32
    %get3A_1027 = arith.index_cast %get3A_1026 : i32 to index
    %get3A_1028 = arith.constant 0 : index
    %get3A_1029 = tpu.vector_load %arg9[%get3A_1027, %get3A_1028] {strides = array<i32>} : memref<8x128xf32, #tpu.memory_space<vmem>>, vector<1x16xf32>,
    %get3A_1030 = vector.shape_cast %get3A_1029 : vector<1x16xf32> to vector<16xf32>
    %get3A_1031 = arith.constant 0 : i32
    %get3A_1032 = arith.index_cast %get3A_1031 : i32 to index
    %get3A_1033 = arith.constant 0 : index
    %get3A_1034 = tpu.vector_load %arg10[%get3A_1032, %get3A_1033] {strides = array<i32>} : memref<4x128xf32, #tpu.memory_space<vmem>>, vector<1x16xf32>,
    %get3A_1035 = vector.shape_cast %get3A_1034 : vector<1x16xf32> to vector<16xf32>
    %sub3A_1036 = arith.subf %get3A_1030, %get3A_1035 : vector<16xf32>
    %mul3A_1037 = arith.mulf %sub3A_1036, %sub3A_1036 : vector<16xf32>
    %get3A_1038 = arith.constant 0 : i32
    %get3A_1039 = arith.index_cast %get3A_1038 : i32 to index
    %get3A_1040 = arith.constant 0 : index
    %get3A_1041 = tpu.vector_load %arg11[%get3A_1039, %get3A_1040] {strides = array<i32>} : memref<4x128xf32, #tpu.memory_space<vmem>>, vector<1x16xf32>,
    %get3A_1042 = vector.shape_cast %get3A_1041 : vector<1x16xf32> to vector<16xf32>
    %mul3A_1043 = arith.mulf %mul3A_1037, %get3A_1042 : vector<16xf32>
    %add3A_1044 = arith.addf %broadcast_in_dim3A_1025, %mul3A_1043 : vector<16xf32>
    %get3A_1045 = arith.constant 0 : i32
    %get3A_1046 = arith.index_cast %get3A_1045 : i32 to index
    %get3A_1047 = arith.constant 16 : index
    %get3A_1048 = tpu.vector_load %arg9[%get3A_1046, %get3A_1047] {strides = array<i32>} : memref<8x128xf32, #tpu.memory_space<vmem>>, vector<1x16xf32>,
    %get3A_1049 = vector.shape_cast %get3A_1048 : vector<1x16xf32> to vector<16xf32>
    %get3A_1050 = arith.constant 0 : i32
    %get3A_1051 = arith.index_cast %get3A_1050 : i32 to index
    %get3A_1052 = arith.constant 16 : index
    %get3A_1053 = tpu.vector_load %arg10[%get3A_1051, %get3A_1052] {strides = array<i32>} : memref<4x128xf32, #tpu.memory_space<vmem>>, vector<1x16xf32>,
    %get3A_1054 = vector.shape_cast %get3A_1053 : vector<1x16xf32> to vector<16xf32>
    %sub3A_1055 = arith.subf %get3A_1049, %get3A_1054 : vector<16xf32>
    %mul3A_1056 = arith.mulf %sub3A_1055, %sub3A_1055 : vector<16xf32>
    %get3A_1057 = arith.constant 0 : i32
    %get3A_1058 = arith.index_cast %get3A_1057 : i32 to index
    %get3A_1059 = arith.constant 16 : index
    %get3A_1060 = tpu.vector_load %arg11[%get3A_1058, %get3A_1059] {strides = array<i32>} : memref<4x128xf32, #tpu.memory_space<vmem>>, vector<1x16xf32>,
    %get3A_1061 = vector.shape_cast %get3A_1060 : vector<1x16xf32> to vector<16xf32>
    %mul3A_1062 = arith.mulf %mul3A_1056, %get3A_1061 : vector<16xf32>
    %add3A_1063 = arith.addf %add3A_1044, %mul3A_1062 : vector<16xf32>
    %get3A_1064 = arith.constant 0 : i32
    %get3A_1065 = arith.index_cast %get3A_1064 : i32 to index
    %get3A_1066 = arith.constant 32 : index
    %get3A_1067 = tpu.vector_load %arg9[%get3A_1065, %get3A_1066] {strides = array<i32>} : memref<8x128xf32, #tpu.memory_space<vmem>>, vector<1x16xf32>,
    %get3A_1068 = vector.shape_cast %get3A_1067 : vector<1x16xf32> to vector<16xf32>
    %get3A_1069 = arith.constant 0 : i32
    %get3A_1070 = arith.index_cast %get3A_1069 : i32 to index
    %get3A_1071 = arith.constant 32 : index
    %get3A_1072 = tpu.vector_load %arg10[%get3A_1070, %get3A_1071] {strides = array<i32>} : memref<4x128xf32, #tpu.memory_space<vmem>>, vector<1x16xf32>,
    %get3A_1073 = vector.shape_cast %get3A_1072 : vector<1x16xf32> to vector<16xf32>
    %sub3A_1074 = arith.subf %get3A_1068, %get3A_1073 : vector<16xf32>
    %mul3A_1075 = arith.mulf %sub3A_1074, %sub3A_1074 : vector<16xf32>
    %get3A_1076 = arith.constant 0 : i32
    %get3A_1077 = arith.index_cast %get3A_1076 : i32 to index
    %get3A_1078 = arith.constant 32 : index
    %get3A_1079 = tpu.vector_load %arg11[%get3A_1077, %get3A_1078] {strides = array<i32>} : memref<4x128xf32, #tpu.memory_space<vmem>>, vector<1x16xf32>,
    %get3A_1080 = vector.shape_cast %get3A_1079 : vector<1x16xf32> to vector<16xf32>
    %mul3A_1081 = arith.mulf %mul3A_1075, %get3A_1080 : vector<16xf32>
    %add3A_1082 = arith.addf %add3A_1063, %mul3A_1081 : vector<16xf32>
    %get3A_1083 = arith.constant 0 : i32
    %get3A_1084 = arith.index_cast %get3A_1083 : i32 to index
    %get3A_1085 = arith.constant 48 : index
    %get3A_1086 = tpu.vector_load %arg9[%get3A_1084, %get3A_1085] {strides = array<i32>} : memref<8x128xf32, #tpu.memory_space<vmem>>, vector<1x16xf32>,
    %get3A_1087 = vector.shape_cast %get3A_1086 : vector<1x16xf32> to vector<16xf32>
    %get3A_1088 = arith.constant 0 : i32
    %get3A_1089 = arith.index_cast %get3A_1088 : i32 to index
    %get3A_1090 = arith.constant 48 : index
    %get3A_1091 = tpu.vector_load %arg10[%get3A_1089, %get3A_1090] {strides = array<i32>} : memref<4x128xf32, #tpu.memory_space<vmem>>, vector<1x16xf32>,
    %get3A_1092 = vector.shape_cast %get3A_1091 : vector<1x16xf32> to vector<16xf32>
    %sub3A_1093 = arith.subf %get3A_1087, %get3A_1092 : vector<16xf32>
    %mul3A_1094 = arith.mulf %sub3A_1093, %sub3A_1093 : vector<16xf32>
    %get3A_1095 = arith.constant 0 : i32
    %get3A_1096 = arith.index_cast %get3A_1095 : i32 to index
    %get3A_1097 = arith.constant 48 : index
    %get3A_1098 = tpu.vector_load %arg11[%get3A_1096, %get3A_1097] {strides = array<i32>} : memref<4x128xf32, #tpu.memory_space<vmem>>, vector<1x16xf32>,
    %get3A_1099 = vector.shape_cast %get3A_1098 : vector<1x16xf32> to vector<16xf32>
    %mul3A_1100 = arith.mulf %mul3A_1094, %get3A_1099 : vector<16xf32>
    %add3A_1101 = arith.addf %add3A_1082, %mul3A_1100 : vector<16xf32>
    %get3A_1102 = arith.constant 0 : i32
    %get3A_1103 = arith.index_cast %get3A_1102 : i32 to index
    %get3A_1104 = arith.constant 64 : index
    %get3A_1105 = tpu.vector_load %arg9[%get3A_1103, %get3A_1104] {strides = array<i32>} : memref<8x128xf32, #tpu.memory_space<vmem>>, vector<1x16xf32>,
    %get3A_1106 = vector.shape_cast %get3A_1105 : vector<1x16xf32> to vector<16xf32>
    %get3A_1107 = arith.constant 0 : i32
    %get3A_1108 = arith.index_cast %get3A_1107 : i32 to index
    %get3A_1109 = arith.constant 64 : index
    %get3A_1110 = tpu.vector_load %arg10[%get3A_1108, %get3A_1109] {strides = array<i32>} : memref<4x128xf32, #tpu.memory_space<vmem>>, vector<1x16xf32>,
    %get3A_1111 = vector.shape_cast %get3A_1110 : vector<1x16xf32> to vector<16xf32>
    %sub3A_1112 = arith.subf %get3A_1106, %get3A_1111 : vector<16xf32>
    %mul3A_1113 = arith.mulf %sub3A_1112, %sub3A_1112 : vector<16xf32>
    %get3A_1114 = arith.constant 0 : i32
    %get3A_1115 = arith.index_cast %get3A_1114 : i32 to index
    %get3A_1116 = arith.constant 64 : index
    %get3A_1117 = tpu.vector_load %arg11[%get3A_1115, %get3A_1116] {strides = array<i32>} : memref<4x128xf32, #tpu.memory_space<vmem>>, vector<1x16xf32>,
    %get3A_1118 = vector.shape_cast %get3A_1117 : vector<1x16xf32> to vector<16xf32>
    %mul3A_1119 = arith.mulf %mul3A_1113, %get3A_1118 : vector<16xf32>
    %add3A_1120 = arith.addf %add3A_1101, %mul3A_1119 : vector<16xf32>
    %get3A_1121 = arith.constant 0 : i32
    %get3A_1122 = arith.index_cast %get3A_1121 : i32 to index
    %get3A_1123 = arith.constant 80 : index
    %get3A_1124 = tpu.vector_load %arg9[%get3A_1122, %get3A_1123] {strides = array<i32>} : memref<8x128xf32, #tpu.memory_space<vmem>>, vector<1x16xf32>,
    %get3A_1125 = vector.shape_cast %get3A_1124 : vector<1x16xf32> to vector<16xf32>
    %get3A_1126 = arith.constant 0 : i32
    %get3A_1127 = arith.index_cast %get3A_1126 : i32 to index
    %get3A_1128 = arith.constant 80 : index
    %get3A_1129 = tpu.vector_load %arg10[%get3A_1127, %get3A_1128] {strides = array<i32>} : memref<4x128xf32, #tpu.memory_space<vmem>>, vector<1x16xf32>,
    %get3A_1130 = vector.shape_cast %get3A_1129 : vector<1x16xf32> to vector<16xf32>
    %sub3A_1131 = arith.subf %get3A_1125, %get3A_1130 : vector<16xf32>
    %mul3A_1132 = arith.mulf %sub3A_1131, %sub3A_1131 : vector<16xf32>
    %get3A_1133 = arith.constant 0 : i32
    %get3A_1134 = arith.index_cast %get3A_1133 : i32 to index
    %get3A_1135 = arith.constant 80 : index
    %get3A_1136 = tpu.vector_load %arg11[%get3A_1134, %get3A_1135] {strides = array<i32>} : memref<4x128xf32, #tpu.memory_space<vmem>>, vector<1x16xf32>,
    %get3A_1137 = vector.shape_cast %get3A_1136 : vector<1x16xf32> to vector<16xf32>
    %mul3A_1138 = arith.mulf %mul3A_1132, %get3A_1137 : vector<16xf32>
    %add3A_1139 = arith.addf %add3A_1120, %mul3A_1138 : vector<16xf32>
    %get3A_1140 = arith.constant 0 : i32
    %get3A_1141 = arith.index_cast %get3A_1140 : i32 to index
    %get3A_1142 = arith.constant 96 : index
    %get3A_1143 = tpu.vector_load %arg9[%get3A_1141, %get3A_1142] {strides = array<i32>} : memref<8x128xf32, #tpu.memory_space<vmem>>, vector<1x16xf32>,
    %get3A_1144 = vector.shape_cast %get3A_1143 : vector<1x16xf32> to vector<16xf32>
    %get3A_1145 = arith.constant 0 : i32
    %get3A_1146 = arith.index_cast %get3A_1145 : i32 to index
    %get3A_1147 = arith.constant 96 : index
    %get3A_1148 = tpu.vector_load %arg10[%get3A_1146, %get3A_1147] {strides = array<i32>} : memref<4x128xf32, #tpu.memory_space<vmem>>, vector<1x16xf32>,
    %get3A_1149 = vector.shape_cast %get3A_1148 : vector<1x16xf32> to vector<16xf32>
    %sub3A_1150 = arith.subf %get3A_1144, %get3A_1149 : vector<16xf32>
    %mul3A_1151 = arith.mulf %sub3A_1150, %sub3A_1150 : vector<16xf32>
    %get3A_1152 = arith.constant 0 : i32
    %get3A_1153 = arith.index_cast %get3A_1152 : i32 to index
    %get3A_1154 = arith.constant 96 : index
    %get3A_1155 = tpu.vector_load %arg11[%get3A_1153, %get3A_1154] {strides = array<i32>} : memref<4x128xf32, #tpu.memory_space<vmem>>, vector<1x16xf32>,
    %get3A_1156 = vector.shape_cast %get3A_1155 : vector<1x16xf32> to vector<16xf32>
    %mul3A_1157 = arith.mulf %mul3A_1151, %get3A_1156 : vector<16xf32>
    %add3A_1158 = arith.addf %add3A_1139, %mul3A_1157 : vector<16xf32>
    %get3A_1159 = arith.constant 0 : i32
    %get3A_1160 = arith.index_cast %get3A_1159 : i32 to index
    %get3A_1161 = arith.constant 112 : index
    %get3A_1162 = tpu.vector_load %arg9[%get3A_1160, %get3A_1161] {strides = array<i32>} : memref<8x128xf32, #tpu.memory_space<vmem>>, vector<1x16xf32>,
    %get3A_1163 = vector.shape_cast %get3A_1162 : vector<1x16xf32> to vector<16xf32>
    %get3A_1164 = arith.constant 0 : i32
    %get3A_1165 = arith.index_cast %get3A_1164 : i32 to index
    %get3A_1166 = arith.constant 112 : index
    %get3A_1167 = tpu.vector_load %arg10[%get3A_1165, %get3A_1166] {strides = array<i32>} : memref<4x128xf32, #tpu.memory_space<vmem>>, vector<1x16xf32>,
    %get3A_1168 = vector.shape_cast %get3A_1167 : vector<1x16xf32> to vector<16xf32>
    %sub3A_1169 = arith.subf %get3A_1163, %get3A_1168 : vector<16xf32>
    %mul3A_1170 = arith.mulf %sub3A_1169, %sub3A_1169 : vector<16xf32>
    %get3A_1171 = arith.constant 0 : i32
    %get3A_1172 = arith.index_cast %get3A_1171 : i32 to index
    %get3A_1173 = arith.constant 112 : index
    %get3A_1174 = tpu.vector_load %arg11[%get3A_1172, %get3A_1173] {strides = array<i32>} : memref<4x128xf32, #tpu.memory_space<vmem>>, vector<1x16xf32>,
    %get3A_1175 = vector.shape_cast %get3A_1174 : vector<1x16xf32> to vector<16xf32>
    %mul3A_1176 = arith.mulf %mul3A_1170, %get3A_1175 : vector<16xf32>
    %add3A_1177 = arith.addf %add3A_1158, %mul3A_1176 : vector<16xf32>
    %get3A_1178 = arith.constant 1 : i32
    %get3A_1179 = arith.index_cast %get3A_1178 : i32 to index
    %get3A_1180 = arith.constant 0 : index
    %get3A_1181 = tpu.vector_load %arg9[%get3A_1179, %get3A_1180] {strides = array<i32>} : memref<8x128xf32, #tpu.memory_space<vmem>>, vector<1x16xf32>,
    %get3A_1182 = vector.shape_cast %get3A_1181 : vector<1x16xf32> to vector<16xf32>
    %get3A_1183 = arith.constant 1 : i32
    %get3A_1184 = arith.index_cast %get3A_1183 : i32 to index
    %get3A_1185 = arith.constant 0 : index
    %get3A_1186 = tpu.vector_load %arg10[%get3A_1184, %get3A_1185] {strides = array<i32>} : memref<4x128xf32, #tpu.memory_space<vmem>>, vector<1x16xf32>,
    %get3A_1187 = vector.shape_cast %get3A_1186 : vector<1x16xf32> to vector<16xf32>
    %sub3A_1188 = arith.subf %get3A_1182, %get3A_1187 : vector<16xf32>
    %mul3A_1189 = arith.mulf %sub3A_1188, %sub3A_1188 : vector<16xf32>
    %get3A_1190 = arith.constant 1 : i32
    %get3A_1191 = arith.index_cast %get3A_1190 : i32 to index
    %get3A_1192 = arith.constant 0 : index
    %get3A_1193 = tpu.vector_load %arg11[%get3A_1191, %get3A_1192] {strides = array<i32>} : memref<4x128xf32, #tpu.memory_space<vmem>>, vector<1x16xf32>,
    %get3A_1194 = vector.shape_cast %get3A_1193 : vector<1x16xf32> to vector<16xf32>
    %mul3A_1195 = arith.mulf %mul3A_1189, %get3A_1194 : vector<16xf32>
    %add3A_1196 = arith.addf %add3A_1177, %mul3A_1195 : vector<16xf32>
    %get3A_1197 = arith.constant 1 : i32
    %get3A_1198 = arith.index_cast %get3A_1197 : i32 to index
    %get3A_1199 = arith.constant 16 : index
    %get3A_1200 = tpu.vector_load %arg9[%get3A_1198, %get3A_1199] {strides = array<i32>} : memref<8x128xf32, #tpu.memory_space<vmem>>, vector<1x16xf32>,
    %get3A_1201 = vector.shape_cast %get3A_1200 : vector<1x16xf32> to vector<16xf32>
    %get3A_1202 = arith.constant 1 : i32
    %get3A_1203 = arith.index_cast %get3A_1202 : i32 to index
    %get3A_1204 = arith.constant 16 : index
    %get3A_1205 = tpu.vector_load %arg10[%get3A_1203, %get3A_1204] {strides = array<i32>} : memref<4x128xf32, #tpu.memory_space<vmem>>, vector<1x16xf32>,
    %get3A_1206 = vector.shape_cast %get3A_1205 : vector<1x16xf32> to vector<16xf32>
    %sub3A_1207 = arith.subf %get3A_1201, %get3A_1206 : vector<16xf32>
    %mul3A_1208 = arith.mulf %sub3A_1207, %sub3A_1207 : vector<16xf32>
    %get3A_1209 = arith.constant 1 : i32
    %get3A_1210 = arith.index_cast %get3A_1209 : i32 to index
    %get3A_1211 = arith.constant 16 : index
    %get3A_1212 = tpu.vector_load %arg11[%get3A_1210, %get3A_1211] {strides = array<i32>} : memref<4x128xf32, #tpu.memory_space<vmem>>, vector<1x16xf32>,
    %get3A_1213 = vector.shape_cast %get3A_1212 : vector<1x16xf32> to vector<16xf32>
    %mul3A_1214 = arith.mulf %mul3A_1208, %get3A_1213 : vector<16xf32>
    %add3A_1215 = arith.addf %add3A_1196, %mul3A_1214 : vector<16xf32>
    %get3A_1216 = arith.constant 1 : i32
    %get3A_1217 = arith.index_cast %get3A_1216 : i32 to index
    %get3A_1218 = arith.constant 32 : index
    %get3A_1219 = tpu.vector_load %arg9[%get3A_1217, %get3A_1218] {strides = array<i32>} : memref<8x128xf32, #tpu.memory_space<vmem>>, vector<1x16xf32>,
    %get3A_1220 = vector.shape_cast %get3A_1219 : vector<1x16xf32> to vector<16xf32>
    %get3A_1221 = arith.constant 1 : i32
    %get3A_1222 = arith.index_cast %get3A_1221 : i32 to index
    %get3A_1223 = arith.constant 32 : index
    %get3A_1224 = tpu.vector_load %arg10[%get3A_1222, %get3A_1223] {strides = array<i32>} : memref<4x128xf32, #tpu.memory_space<vmem>>, vector<1x16xf32>,
    %get3A_1225 = vector.shape_cast %get3A_1224 : vector<1x16xf32> to vector<16xf32>
    %sub3A_1226 = arith.subf %get3A_1220, %get3A_1225 : vector<16xf32>
    %mul3A_1227 = arith.mulf %sub3A_1226, %sub3A_1226 : vector<16xf32>
    %get3A_1228 = arith.constant 1 : i32
    %get3A_1229 = arith.index_cast %get3A_1228 : i32 to index
    %get3A_1230 = arith.constant 32 : index
    %get3A_1231 = tpu.vector_load %arg11[%get3A_1229, %get3A_1230] {strides = array<i32>} : memref<4x128xf32, #tpu.memory_space<vmem>>, vector<1x16xf32>,
    %get3A_1232 = vector.shape_cast %get3A_1231 : vector<1x16xf32> to vector<16xf32>
    %mul3A_1233 = arith.mulf %mul3A_1227, %get3A_1232 : vector<16xf32>
    %add3A_1234 = arith.addf %add3A_1215, %mul3A_1233 : vector<16xf32>
    %get3A_1235 = arith.constant 1 : i32
    %get3A_1236 = arith.index_cast %get3A_1235 : i32 to index
    %get3A_1237 = arith.constant 48 : index
    %get3A_1238 = tpu.vector_load %arg9[%get3A_1236, %get3A_1237] {strides = array<i32>} : memref<8x128xf32, #tpu.memory_space<vmem>>, vector<1x16xf32>,
    %get3A_1239 = vector.shape_cast %get3A_1238 : vector<1x16xf32> to vector<16xf32>
    %get3A_1240 = arith.constant 1 : i32
    %get3A_1241 = arith.index_cast %get3A_1240 : i32 to index
    %get3A_1242 = arith.constant 48 : index
    %get3A_1243 = tpu.vector_load %arg10[%get3A_1241, %get3A_1242] {strides = array<i32>} : memref<4x128xf32, #tpu.memory_space<vmem>>, vector<1x16xf32>,
    %get3A_1244 = vector.shape_cast %get3A_1243 : vector<1x16xf32> to vector<16xf32>
    %sub3A_1245 = arith.subf %get3A_1239, %get3A_1244 : vector<16xf32>
    %mul3A_1246 = arith.mulf %sub3A_1245, %sub3A_1245 : vector<16xf32>
    %get3A_1247 = arith.constant 1 : i32
    %get3A_1248 = arith.index_cast %get3A_1247 : i32 to index
    %get3A_1249 = arith.constant 48 : index
    %get3A_1250 = tpu.vector_load %arg11[%get3A_1248, %get3A_1249] {strides = array<i32>} : memref<4x128xf32, #tpu.memory_space<vmem>>, vector<1x16xf32>,
    %get3A_1251 = vector.shape_cast %get3A_1250 : vector<1x16xf32> to vector<16xf32>
    %mul3A_1252 = arith.mulf %mul3A_1246, %get3A_1251 : vector<16xf32>
    %add3A_1253 = arith.addf %add3A_1234, %mul3A_1252 : vector<16xf32>
    %get3A_1254 = arith.constant 1 : i32
    %get3A_1255 = arith.index_cast %get3A_1254 : i32 to index
    %get3A_1256 = arith.constant 64 : index
    %get3A_1257 = tpu.vector_load %arg9[%get3A_1255, %get3A_1256] {strides = array<i32>} : memref<8x128xf32, #tpu.memory_space<vmem>>, vector<1x16xf32>,
    %get3A_1258 = vector.shape_cast %get3A_1257 : vector<1x16xf32> to vector<16xf32>
    %get3A_1259 = arith.constant 1 : i32
    %get3A_1260 = arith.index_cast %get3A_1259 : i32 to index
    %get3A_1261 = arith.constant 64 : index
    %get3A_1262 = tpu.vector_load %arg10[%get3A_1260, %get3A_1261] {strides = array<i32>} : memref<4x128xf32, #tpu.memory_space<vmem>>, vector<1x16xf32>,
    %get3A_1263 = vector.shape_cast %get3A_1262 : vector<1x16xf32> to vector<16xf32>
    %sub3A_1264 = arith.subf %get3A_1258, %get3A_1263 : vector<16xf32>
    %mul3A_1265 = arith.mulf %sub3A_1264, %sub3A_1264 : vector<16xf32>
    %get3A_1266 = arith.constant 1 : i32
    %get3A_1267 = arith.index_cast %get3A_1266 : i32 to index
    %get3A_1268 = arith.constant 64 : index
    %get3A_1269 = tpu.vector_load %arg11[%get3A_1267, %get3A_1268] {strides = array<i32>} : memref<4x128xf32, #tpu.memory_space<vmem>>, vector<1x16xf32>,
    %get3A_1270 = vector.shape_cast %get3A_1269 : vector<1x16xf32> to vector<16xf32>
    %mul3A_1271 = arith.mulf %mul3A_1265, %get3A_1270 : vector<16xf32>
    %add3A_1272 = arith.addf %add3A_1253, %mul3A_1271 : vector<16xf32>
    %get3A_1273 = arith.constant 1 : i32
    %get3A_1274 = arith.index_cast %get3A_1273 : i32 to index
    %get3A_1275 = arith.constant 80 : index
    %get3A_1276 = tpu.vector_load %arg9[%get3A_1274, %get3A_1275] {strides = array<i32>} : memref<8x128xf32, #tpu.memory_space<vmem>>, vector<1x16xf32>,
    %get3A_1277 = vector.shape_cast %get3A_1276 : vector<1x16xf32> to vector<16xf32>
    %get3A_1278 = arith.constant 1 : i32
    %get3A_1279 = arith.index_cast %get3A_1278 : i32 to index
    %get3A_1280 = arith.constant 80 : index
    %get3A_1281 = tpu.vector_load %arg10[%get3A_1279, %get3A_1280] {strides = array<i32>} : memref<4x128xf32, #tpu.memory_space<vmem>>, vector<1x16xf32>,
    %get3A_1282 = vector.shape_cast %get3A_1281 : vector<1x16xf32> to vector<16xf32>
    %sub3A_1283 = arith.subf %get3A_1277, %get3A_1282 : vector<16xf32>
    %mul3A_1284 = arith.mulf %sub3A_1283, %sub3A_1283 : vector<16xf32>
    %get3A_1285 = arith.constant 1 : i32
    %get3A_1286 = arith.index_cast %get3A_1285 : i32 to index
    %get3A_1287 = arith.constant 80 : index
    %get3A_1288 = tpu.vector_load %arg11[%get3A_1286, %get3A_1287] {strides = array<i32>} : memref<4x128xf32, #tpu.memory_space<vmem>>, vector<1x16xf32>,
    %get3A_1289 = vector.shape_cast %get3A_1288 : vector<1x16xf32> to vector<16xf32>
    %mul3A_1290 = arith.mulf %mul3A_1284, %get3A_1289 : vector<16xf32>
    %add3A_1291 = arith.addf %add3A_1272, %mul3A_1290 : vector<16xf32>
    %get3A_1292 = arith.constant 1 : i32
    %get3A_1293 = arith.index_cast %get3A_1292 : i32 to index
    %get3A_1294 = arith.constant 96 : index
    %get3A_1295 = tpu.vector_load %arg9[%get3A_1293, %get3A_1294] {strides = array<i32>} : memref<8x128xf32, #tpu.memory_space<vmem>>, vector<1x16xf32>,
    %get3A_1296 = vector.shape_cast %get3A_1295 : vector<1x16xf32> to vector<16xf32>
    %get3A_1297 = arith.constant 1 : i32
    %get3A_1298 = arith.index_cast %get3A_1297 : i32 to index
    %get3A_1299 = arith.constant 96 : index
    %get3A_1300 = tpu.vector_load %arg10[%get3A_1298, %get3A_1299] {strides = array<i32>} : memref<4x128xf32, #tpu.memory_space<vmem>>, vector<1x16xf32>,
    %get3A_1301 = vector.shape_cast %get3A_1300 : vector<1x16xf32> to vector<16xf32>
    %sub3A_1302 = arith.subf %get3A_1296, %get3A_1301 : vector<16xf32>
    %mul3A_1303 = arith.mulf %sub3A_1302, %sub3A_1302 : vector<16xf32>
    %get3A_1304 = arith.constant 1 : i32
    %get3A_1305 = arith.index_cast %get3A_1304 : i32 to index
    %get3A_1306 = arith.constant 96 : index
    %get3A_1307 = tpu.vector_load %arg11[%get3A_1305, %get3A_1306] {strides = array<i32>} : memref<4x128xf32, #tpu.memory_space<vmem>>, vector<1x16xf32>,
    %get3A_1308 = vector.shape_cast %get3A_1307 : vector<1x16xf32> to vector<16xf32>
    %mul3A_1309 = arith.mulf %mul3A_1303, %get3A_1308 : vector<16xf32>
    %add3A_1310 = arith.addf %add3A_1291, %mul3A_1309 : vector<16xf32>
    %get3A_1311 = arith.constant 1 : i32
    %get3A_1312 = arith.index_cast %get3A_1311 : i32 to index
    %get3A_1313 = arith.constant 112 : index
    %get3A_1314 = tpu.vector_load %arg9[%get3A_1312, %get3A_1313] {strides = array<i32>} : memref<8x128xf32, #tpu.memory_space<vmem>>, vector<1x16xf32>,
    %get3A_1315 = vector.shape_cast %get3A_1314 : vector<1x16xf32> to vector<16xf32>
    %get3A_1316 = arith.constant 1 : i32
    %get3A_1317 = arith.index_cast %get3A_1316 : i32 to index
    %get3A_1318 = arith.constant 112 : index
    %get3A_1319 = tpu.vector_load %arg10[%get3A_1317, %get3A_1318] {strides = array<i32>} : memref<4x128xf32, #tpu.memory_space<vmem>>, vector<1x16xf32>,
    %get3A_1320 = vector.shape_cast %get3A_1319 : vector<1x16xf32> to vector<16xf32>
    %sub3A_1321 = arith.subf %get3A_1315, %get3A_1320 : vector<16xf32>
    %mul3A_1322 = arith.mulf %sub3A_1321, %sub3A_1321 : vector<16xf32>
    %get3A_1323 = arith.constant 1 : i32
    %get3A_1324 = arith.index_cast %get3A_1323 : i32 to index
    %get3A_1325 = arith.constant 112 : index
    %get3A_1326 = tpu.vector_load %arg11[%get3A_1324, %get3A_1325] {strides = array<i32>} : memref<4x128xf32, #tpu.memory_space<vmem>>, vector<1x16xf32>,
    %get3A_1327 = vector.shape_cast %get3A_1326 : vector<1x16xf32> to vector<16xf32>
    %mul3A_1328 = arith.mulf %mul3A_1322, %get3A_1327 : vector<16xf32>
    %add3A_1329 = arith.addf %add3A_1310, %mul3A_1328 : vector<16xf32>
    %get3A_1330 = arith.constant 2 : i32
    %get3A_1331 = arith.index_cast %get3A_1330 : i32 to index
    %get3A_1332 = arith.constant 0 : index
    %get3A_1333 = tpu.vector_load %arg9[%get3A_1331, %get3A_1332] {strides = array<i32>} : memref<8x128xf32, #tpu.memory_space<vmem>>, vector<1x16xf32>,
    %get3A_1334 = vector.shape_cast %get3A_1333 : vector<1x16xf32> to vector<16xf32>
    %get3A_1335 = arith.constant 2 : i32
    %get3A_1336 = arith.index_cast %get3A_1335 : i32 to index
    %get3A_1337 = arith.constant 0 : index
    %get3A_1338 = tpu.vector_load %arg10[%get3A_1336, %get3A_1337] {strides = array<i32>} : memref<4x128xf32, #tpu.memory_space<vmem>>, vector<1x16xf32>,
    %get3A_1339 = vector.shape_cast %get3A_1338 : vector<1x16xf32> to vector<16xf32>
    %sub3A_1340 = arith.subf %get3A_1334, %get3A_1339 : vector<16xf32>
    %mul3A_1341 = arith.mulf %sub3A_1340, %sub3A_1340 : vector<16xf32>
    %get3A_1342 = arith.constant 2 : i32
    %get3A_1343 = arith.index_cast %get3A_1342 : i32 to index
    %get3A_1344 = arith.constant 0 : index
    %get3A_1345 = tpu.vector_load %arg11[%get3A_1343, %get3A_1344] {strides = array<i32>} : memref<4x128xf32, #tpu.memory_space<vmem>>, vector<1x16xf32>,
    %get3A_1346 = vector.shape_cast %get3A_1345 : vector<1x16xf32> to vector<16xf32>
    %mul3A_1347 = arith.mulf %mul3A_1341, %get3A_1346 : vector<16xf32>
    %add3A_1348 = arith.addf %add3A_1329, %mul3A_1347 : vector<16xf32>
    %get3A_1349 = arith.constant 2 : i32
    %get3A_1350 = arith.index_cast %get3A_1349 : i32 to index
    %get3A_1351 = arith.constant 16 : index
    %get3A_1352 = tpu.vector_load %arg9[%get3A_1350, %get3A_1351] {strides = array<i32>} : memref<8x128xf32, #tpu.memory_space<vmem>>, vector<1x16xf32>,
    %get3A_1353 = vector.shape_cast %get3A_1352 : vector<1x16xf32> to vector<16xf32>
    %get3A_1354 = arith.constant 2 : i32
    %get3A_1355 = arith.index_cast %get3A_1354 : i32 to index
    %get3A_1356 = arith.constant 16 : index
    %get3A_1357 = tpu.vector_load %arg10[%get3A_1355, %get3A_1356] {strides = array<i32>} : memref<4x128xf32, #tpu.memory_space<vmem>>, vector<1x16xf32>,
    %get3A_1358 = vector.shape_cast %get3A_1357 : vector<1x16xf32> to vector<16xf32>
    %sub3A_1359 = arith.subf %get3A_1353, %get3A_1358 : vector<16xf32>
    %mul3A_1360 = arith.mulf %sub3A_1359, %sub3A_1359 : vector<16xf32>
    %get3A_1361 = arith.constant 2 : i32
    %get3A_1362 = arith.index_cast %get3A_1361 : i32 to index
    %get3A_1363 = arith.constant 16 : index
    %get3A_1364 = tpu.vector_load %arg11[%get3A_1362, %get3A_1363] {strides = array<i32>} : memref<4x128xf32, #tpu.memory_space<vmem>>, vector<1x16xf32>,
    %get3A_1365 = vector.shape_cast %get3A_1364 : vector<1x16xf32> to vector<16xf32>
    %mul3A_1366 = arith.mulf %mul3A_1360, %get3A_1365 : vector<16xf32>
    %add3A_1367 = arith.addf %add3A_1348, %mul3A_1366 : vector<16xf32>
    %get3A_1368 = arith.constant 2 : i32
    %get3A_1369 = arith.index_cast %get3A_1368 : i32 to index
    %get3A_1370 = arith.constant 32 : index
    %get3A_1371 = tpu.vector_load %arg9[%get3A_1369, %get3A_1370] {strides = array<i32>} : memref<8x128xf32, #tpu.memory_space<vmem>>, vector<1x16xf32>,
    %get3A_1372 = vector.shape_cast %get3A_1371 : vector<1x16xf32> to vector<16xf32>
    %get3A_1373 = arith.constant 2 : i32
    %get3A_1374 = arith.index_cast %get3A_1373 : i32 to index
    %get3A_1375 = arith.constant 32 : index
    %get3A_1376 = tpu.vector_load %arg10[%get3A_1374, %get3A_1375] {strides = array<i32>} : memref<4x128xf32, #tpu.memory_space<vmem>>, vector<1x16xf32>,
    %get3A_1377 = vector.shape_cast %get3A_1376 : vector<1x16xf32> to vector<16xf32>
    %sub3A_1378 = arith.subf %get3A_1372, %get3A_1377 : vector<16xf32>
    %mul3A_1379 = arith.mulf %sub3A_1378, %sub3A_1378 : vector<16xf32>
    %get3A_1380 = arith.constant 2 : i32
    %get3A_1381 = arith.index_cast %get3A_1380 : i32 to index
    %get3A_1382 = arith.constant 32 : index
    %get3A_1383 = tpu.vector_load %arg11[%get3A_1381, %get3A_1382] {strides = array<i32>} : memref<4x128xf32, #tpu.memory_space<vmem>>, vector<1x16xf32>,
    %get3A_1384 = vector.shape_cast %get3A_1383 : vector<1x16xf32> to vector<16xf32>
    %mul3A_1385 = arith.mulf %mul3A_1379, %get3A_1384 : vector<16xf32>
    %add3A_1386 = arith.addf %add3A_1367, %mul3A_1385 : vector<16xf32>
    %get3A_1387 = arith.constant 2 : i32
    %get3A_1388 = arith.index_cast %get3A_1387 : i32 to index
    %get3A_1389 = arith.constant 48 : index
    %get3A_1390 = tpu.vector_load %arg9[%get3A_1388, %get3A_1389] {strides = array<i32>} : memref<8x128xf32, #tpu.memory_space<vmem>>, vector<1x16xf32>,
    %get3A_1391 = vector.shape_cast %get3A_1390 : vector<1x16xf32> to vector<16xf32>
    %get3A_1392 = arith.constant 2 : i32
    %get3A_1393 = arith.index_cast %get3A_1392 : i32 to index
    %get3A_1394 = arith.constant 48 : index
    %get3A_1395 = tpu.vector_load %arg10[%get3A_1393, %get3A_1394] {strides = array<i32>} : memref<4x128xf32, #tpu.memory_space<vmem>>, vector<1x16xf32>,
    %get3A_1396 = vector.shape_cast %get3A_1395 : vector<1x16xf32> to vector<16xf32>
    %sub3A_1397 = arith.subf %get3A_1391, %get3A_1396 : vector<16xf32>
    %mul3A_1398 = arith.mulf %sub3A_1397, %sub3A_1397 : vector<16xf32>
    %get3A_1399 = arith.constant 2 : i32
    %get3A_1400 = arith.index_cast %get3A_1399 : i32 to index
    %get3A_1401 = arith.constant 48 : index
    %get3A_1402 = tpu.vector_load %arg11[%get3A_1400, %get3A_1401] {strides = array<i32>} : memref<4x128xf32, #tpu.memory_space<vmem>>, vector<1x16xf32>,
    %get3A_1403 = vector.shape_cast %get3A_1402 : vector<1x16xf32> to vector<16xf32>
    %mul3A_1404 = arith.mulf %mul3A_1398, %get3A_1403 : vector<16xf32>
    %add3A_1405 = arith.addf %add3A_1386, %mul3A_1404 : vector<16xf32>
    %get3A_1406 = arith.constant 2 : i32
    %get3A_1407 = arith.index_cast %get3A_1406 : i32 to index
    %get3A_1408 = arith.constant 64 : index
    %get3A_1409 = tpu.vector_load %arg9[%get3A_1407, %get3A_1408] {strides = array<i32>} : memref<8x128xf32, #tpu.memory_space<vmem>>, vector<1x16xf32>,
    %get3A_1410 = vector.shape_cast %get3A_1409 : vector<1x16xf32> to vector<16xf32>
    %get3A_1411 = arith.constant 2 : i32
    %get3A_1412 = arith.index_cast %get3A_1411 : i32 to index
    %get3A_1413 = arith.constant 64 : index
    %get3A_1414 = tpu.vector_load %arg10[%get3A_1412, %get3A_1413] {strides = array<i32>} : memref<4x128xf32, #tpu.memory_space<vmem>>, vector<1x16xf32>,
    %get3A_1415 = vector.shape_cast %get3A_1414 : vector<1x16xf32> to vector<16xf32>
    %sub3A_1416 = arith.subf %get3A_1410, %get3A_1415 : vector<16xf32>
    %mul3A_1417 = arith.mulf %sub3A_1416, %sub3A_1416 : vector<16xf32>
    %get3A_1418 = arith.constant 2 : i32
    %get3A_1419 = arith.index_cast %get3A_1418 : i32 to index
    %get3A_1420 = arith.constant 64 : index
    %get3A_1421 = tpu.vector_load %arg11[%get3A_1419, %get3A_1420] {strides = array<i32>} : memref<4x128xf32, #tpu.memory_space<vmem>>, vector<1x16xf32>,
    %get3A_1422 = vector.shape_cast %get3A_1421 : vector<1x16xf32> to vector<16xf32>
    %mul3A_1423 = arith.mulf %mul3A_1417, %get3A_1422 : vector<16xf32>
    %add3A_1424 = arith.addf %add3A_1405, %mul3A_1423 : vector<16xf32>
    %get3A_1425 = arith.constant 2 : i32
    %get3A_1426 = arith.index_cast %get3A_1425 : i32 to index
    %get3A_1427 = arith.constant 80 : index
    %get3A_1428 = tpu.vector_load %arg9[%get3A_1426, %get3A_1427] {strides = array<i32>} : memref<8x128xf32, #tpu.memory_space<vmem>>, vector<1x16xf32>,
    %get3A_1429 = vector.shape_cast %get3A_1428 : vector<1x16xf32> to vector<16xf32>
    %get3A_1430 = arith.constant 2 : i32
    %get3A_1431 = arith.index_cast %get3A_1430 : i32 to index
    %get3A_1432 = arith.constant 80 : index
    %get3A_1433 = tpu.vector_load %arg10[%get3A_1431, %get3A_1432] {strides = array<i32>} : memref<4x128xf32, #tpu.memory_space<vmem>>, vector<1x16xf32>,
    %get3A_1434 = vector.shape_cast %get3A_1433 : vector<1x16xf32> to vector<16xf32>
    %sub3A_1435 = arith.subf %get3A_1429, %get3A_1434 : vector<16xf32>
    %mul3A_1436 = arith.mulf %sub3A_1435, %sub3A_1435 : vector<16xf32>
    %get3A_1437 = arith.constant 2 : i32
    %get3A_1438 = arith.index_cast %get3A_1437 : i32 to index
    %get3A_1439 = arith.constant 80 : index
    %get3A_1440 = tpu.vector_load %arg11[%get3A_1438, %get3A_1439] {strides = array<i32>} : memref<4x128xf32, #tpu.memory_space<vmem>>, vector<1x16xf32>,
    %get3A_1441 = vector.shape_cast %get3A_1440 : vector<1x16xf32> to vector<16xf32>
    %mul3A_1442 = arith.mulf %mul3A_1436, %get3A_1441 : vector<16xf32>
    %add3A_1443 = arith.addf %add3A_1424, %mul3A_1442 : vector<16xf32>
    %get3A_1444 = arith.constant 2 : i32
    %get3A_1445 = arith.index_cast %get3A_1444 : i32 to index
    %get3A_1446 = arith.constant 96 : index
    %get3A_1447 = tpu.vector_load %arg9[%get3A_1445, %get3A_1446] {strides = array<i32>} : memref<8x128xf32, #tpu.memory_space<vmem>>, vector<1x16xf32>,
    %get3A_1448 = vector.shape_cast %get3A_1447 : vector<1x16xf32> to vector<16xf32>
    %get3A_1449 = arith.constant 2 : i32
    %get3A_1450 = arith.index_cast %get3A_1449 : i32 to index
    %get3A_1451 = arith.constant 96 : index
    %get3A_1452 = tpu.vector_load %arg10[%get3A_1450, %get3A_1451] {strides = array<i32>} : memref<4x128xf32, #tpu.memory_space<vmem>>, vector<1x16xf32>,
    %get3A_1453 = vector.shape_cast %get3A_1452 : vector<1x16xf32> to vector<16xf32>
    %sub3A_1454 = arith.subf %get3A_1448, %get3A_1453 : vector<16xf32>
    %mul3A_1455 = arith.mulf %sub3A_1454, %sub3A_1454 : vector<16xf32>
    %get3A_1456 = arith.constant 2 : i32
    %get3A_1457 = arith.index_cast %get3A_1456 : i32 to index
    %get3A_1458 = arith.constant 96 : index
    %get3A_1459 = tpu.vector_load %arg11[%get3A_1457, %get3A_1458] {strides = array<i32>} : memref<4x128xf32, #tpu.memory_space<vmem>>, vector<1x16xf32>,
    %get3A_1460 = vector.shape_cast %get3A_1459 : vector<1x16xf32> to vector<16xf32>
    %mul3A_1461 = arith.mulf %mul3A_1455, %get3A_1460 : vector<16xf32>
    %add3A_1462 = arith.addf %add3A_1443, %mul3A_1461 : vector<16xf32>
    %get3A_1463 = arith.constant 2 : i32
    %get3A_1464 = arith.index_cast %get3A_1463 : i32 to index
    %get3A_1465 = arith.constant 112 : index
    %get3A_1466 = tpu.vector_load %arg9[%get3A_1464, %get3A_1465] {strides = array<i32>} : memref<8x128xf32, #tpu.memory_space<vmem>>, vector<1x16xf32>,
    %get3A_1467 = vector.shape_cast %get3A_1466 : vector<1x16xf32> to vector<16xf32>
    %get3A_1468 = arith.constant 2 : i32
    %get3A_1469 = arith.index_cast %get3A_1468 : i32 to index
    %get3A_1470 = arith.constant 112 : index
    %get3A_1471 = tpu.vector_load %arg10[%get3A_1469, %get3A_1470] {strides = array<i32>} : memref<4x128xf32, #tpu.memory_space<vmem>>, vector<1x16xf32>,
    %get3A_1472 = vector.shape_cast %get3A_1471 : vector<1x16xf32> to vector<16xf32>
    %sub3A_1473 = arith.subf %get3A_1467, %get3A_1472 : vector<16xf32>
    %mul3A_1474 = arith.mulf %sub3A_1473, %sub3A_1473 : vector<16xf32>
    %get3A_1475 = arith.constant 2 : i32
    %get3A_1476 = arith.index_cast %get3A_1475 : i32 to index
    %get3A_1477 = arith.constant 112 : index
    %get3A_1478 = tpu.vector_load %arg11[%get3A_1476, %get3A_1477] {strides = array<i32>} : memref<4x128xf32, #tpu.memory_space<vmem>>, vector<1x16xf32>,
    %get3A_1479 = vector.shape_cast %get3A_1478 : vector<1x16xf32> to vector<16xf32>
    %mul3A_1480 = arith.mulf %mul3A_1474, %get3A_1479 : vector<16xf32>
    %add3A_1481 = arith.addf %add3A_1462, %mul3A_1480 : vector<16xf32>
    %get3A_1482 = arith.constant 3 : i32
    %get3A_1483 = arith.index_cast %get3A_1482 : i32 to index
    %get3A_1484 = arith.constant 0 : index
    %get3A_1485 = tpu.vector_load %arg9[%get3A_1483, %get3A_1484] {strides = array<i32>} : memref<8x128xf32, #tpu.memory_space<vmem>>, vector<1x16xf32>,
    %get3A_1486 = vector.shape_cast %get3A_1485 : vector<1x16xf32> to vector<16xf32>
    %get3A_1487 = arith.constant 3 : i32
    %get3A_1488 = arith.index_cast %get3A_1487 : i32 to index
    %get3A_1489 = arith.constant 0 : index
    %get3A_1490 = tpu.vector_load %arg10[%get3A_1488, %get3A_1489] {strides = array<i32>} : memref<4x128xf32, #tpu.memory_space<vmem>>, vector<1x16xf32>,
    %get3A_1491 = vector.shape_cast %get3A_1490 : vector<1x16xf32> to vector<16xf32>
    %sub3A_1492 = arith.subf %get3A_1486, %get3A_1491 : vector<16xf32>
    %mul3A_1493 = arith.mulf %sub3A_1492, %sub3A_1492 : vector<16xf32>
    %get3A_1494 = arith.constant 3 : i32
    %get3A_1495 = arith.index_cast %get3A_1494 : i32 to index
    %get3A_1496 = arith.constant 0 : index
    %get3A_1497 = tpu.vector_load %arg11[%get3A_1495, %get3A_1496] {strides = array<i32>} : memref<4x128xf32, #tpu.memory_space<vmem>>, vector<1x16xf32>,
    %get3A_1498 = vector.shape_cast %get3A_1497 : vector<1x16xf32> to vector<16xf32>
    %mul3A_1499 = arith.mulf %mul3A_1493, %get3A_1498 : vector<16xf32>
    %add3A_1500 = arith.addf %add3A_1481, %mul3A_1499 : vector<16xf32>
    %get3A_1501 = arith.constant 3 : i32
    %get3A_1502 = arith.index_cast %get3A_1501 : i32 to index
    %get3A_1503 = arith.constant 16 : index
    %get3A_1504 = tpu.vector_load %arg9[%get3A_1502, %get3A_1503] {strides = array<i32>} : memref<8x128xf32, #tpu.memory_space<vmem>>, vector<1x16xf32>,
    %get3A_1505 = vector.shape_cast %get3A_1504 : vector<1x16xf32> to vector<16xf32>
    %get3A_1506 = arith.constant 3 : i32
    %get3A_1507 = arith.index_cast %get3A_1506 : i32 to index
    %get3A_1508 = arith.constant 16 : index
    %get3A_1509 = tpu.vector_load %arg10[%get3A_1507, %get3A_1508] {strides = array<i32>} : memref<4x128xf32, #tpu.memory_space<vmem>>, vector<1x16xf32>,
    %get3A_1510 = vector.shape_cast %get3A_1509 : vector<1x16xf32> to vector<16xf32>
    %sub3A_1511 = arith.subf %get3A_1505, %get3A_1510 : vector<16xf32>
    %mul3A_1512 = arith.mulf %sub3A_1511, %sub3A_1511 : vector<16xf32>
    %get3A_1513 = arith.constant 3 : i32
    %get3A_1514 = arith.index_cast %get3A_1513 : i32 to index
    %get3A_1515 = arith.constant 16 : index
    %get3A_1516 = tpu.vector_load %arg11[%get3A_1514, %get3A_1515] {strides = array<i32>} : memref<4x128xf32, #tpu.memory_space<vmem>>, vector<1x16xf32>,
    %get3A_1517 = vector.shape_cast %get3A_1516 : vector<1x16xf32> to vector<16xf32>
    %mul3A_1518 = arith.mulf %mul3A_1512, %get3A_1517 : vector<16xf32>
    %add3A_1519 = arith.addf %add3A_1500, %mul3A_1518 : vector<16xf32>
    %get3A_1520 = arith.constant 3 : i32
    %get3A_1521 = arith.index_cast %get3A_1520 : i32 to index
    %get3A_1522 = arith.constant 32 : index
    %get3A_1523 = tpu.vector_load %arg9[%get3A_1521, %get3A_1522] {strides = array<i32>} : memref<8x128xf32, #tpu.memory_space<vmem>>, vector<1x16xf32>,
    %get3A_1524 = vector.shape_cast %get3A_1523 : vector<1x16xf32> to vector<16xf32>
    %get3A_1525 = arith.constant 3 : i32
    %get3A_1526 = arith.index_cast %get3A_1525 : i32 to index
    %get3A_1527 = arith.constant 32 : index
    %get3A_1528 = tpu.vector_load %arg10[%get3A_1526, %get3A_1527] {strides = array<i32>} : memref<4x128xf32, #tpu.memory_space<vmem>>, vector<1x16xf32>,
    %get3A_1529 = vector.shape_cast %get3A_1528 : vector<1x16xf32> to vector<16xf32>
    %sub3A_1530 = arith.subf %get3A_1524, %get3A_1529 : vector<16xf32>
    %mul3A_1531 = arith.mulf %sub3A_1530, %sub3A_1530 : vector<16xf32>
    %get3A_1532 = arith.constant 3 : i32
    %get3A_1533 = arith.index_cast %get3A_1532 : i32 to index
    %get3A_1534 = arith.constant 32 : index
    %get3A_1535 = tpu.vector_load %arg11[%get3A_1533, %get3A_1534] {strides = array<i32>} : memref<4x128xf32, #tpu.memory_space<vmem>>, vector<1x16xf32>,
    %get3A_1536 = vector.shape_cast %get3A_1535 : vector<1x16xf32> to vector<16xf32>
    %mul3A_1537 = arith.mulf %mul3A_1531, %get3A_1536 : vector<16xf32>
    %add3A_1538 = arith.addf %add3A_1519, %mul3A_1537 : vector<16xf32>
    %get3A_1539 = arith.constant 3 : i32
    %get3A_1540 = arith.index_cast %get3A_1539 : i32 to index
    %get3A_1541 = arith.constant 48 : index
    %get3A_1542 = tpu.vector_load %arg9[%get3A_1540, %get3A_1541] {strides = array<i32>} : memref<8x128xf32, #tpu.memory_space<vmem>>, vector<1x16xf32>,
    %get3A_1543 = vector.shape_cast %get3A_1542 : vector<1x16xf32> to vector<16xf32>
    %get3A_1544 = arith.constant 3 : i32
    %get3A_1545 = arith.index_cast %get3A_1544 : i32 to index
    %get3A_1546 = arith.constant 48 : index
    %get3A_1547 = tpu.vector_load %arg10[%get3A_1545, %get3A_1546] {strides = array<i32>} : memref<4x128xf32, #tpu.memory_space<vmem>>, vector<1x16xf32>,
    %get3A_1548 = vector.shape_cast %get3A_1547 : vector<1x16xf32> to vector<16xf32>
    %sub3A_1549 = arith.subf %get3A_1543, %get3A_1548 : vector<16xf32>
    %mul3A_1550 = arith.mulf %sub3A_1549, %sub3A_1549 : vector<16xf32>
    %get3A_1551 = arith.constant 3 : i32
    %get3A_1552 = arith.index_cast %get3A_1551 : i32 to index
    %get3A_1553 = arith.constant 48 : index
    %get3A_1554 = tpu.vector_load %arg11[%get3A_1552, %get3A_1553] {strides = array<i32>} : memref<4x128xf32, #tpu.memory_space<vmem>>, vector<1x16xf32>,
    %get3A_1555 = vector.shape_cast %get3A_1554 : vector<1x16xf32> to vector<16xf32>
    %mul3A_1556 = arith.mulf %mul3A_1550, %get3A_1555 : vector<16xf32>
    %add3A_1557 = arith.addf %add3A_1538, %mul3A_1556 : vector<16xf32>
    %get3A_1558 = arith.constant 3 : i32
    %get3A_1559 = arith.index_cast %get3A_1558 : i32 to index
    %get3A_1560 = arith.constant 64 : index
    %get3A_1561 = tpu.vector_load %arg9[%get3A_1559, %get3A_1560] {strides = array<i32>} : memref<8x128xf32, #tpu.memory_space<vmem>>, vector<1x16xf32>,
    %get3A_1562 = vector.shape_cast %get3A_1561 : vector<1x16xf32> to vector<16xf32>
    %get3A_1563 = arith.constant 3 : i32
    %get3A_1564 = arith.index_cast %get3A_1563 : i32 to index
    %get3A_1565 = arith.constant 64 : index
    %get3A_1566 = tpu.vector_load %arg10[%get3A_1564, %get3A_1565] {strides = array<i32>} : memref<4x128xf32, #tpu.memory_space<vmem>>, vector<1x16xf32>,
    %get3A_1567 = vector.shape_cast %get3A_1566 : vector<1x16xf32> to vector<16xf32>
    %sub3A_1568 = arith.subf %get3A_1562, %get3A_1567 : vector<16xf32>
    %mul3A_1569 = arith.mulf %sub3A_1568, %sub3A_1568 : vector<16xf32>
    %get3A_1570 = arith.constant 3 : i32
    %get3A_1571 = arith.index_cast %get3A_1570 : i32 to index
    %get3A_1572 = arith.constant 64 : index
    %get3A_1573 = tpu.vector_load %arg11[%get3A_1571, %get3A_1572] {strides = array<i32>} : memref<4x128xf32, #tpu.memory_space<vmem>>, vector<1x16xf32>,
    %get3A_1574 = vector.shape_cast %get3A_1573 : vector<1x16xf32> to vector<16xf32>
    %mul3A_1575 = arith.mulf %mul3A_1569, %get3A_1574 : vector<16xf32>
    %add3A_1576 = arith.addf %add3A_1557, %mul3A_1575 : vector<16xf32>
    %get3A_1577 = arith.constant 3 : i32
    %get3A_1578 = arith.index_cast %get3A_1577 : i32 to index
    %get3A_1579 = arith.constant 80 : index
    %get3A_1580 = tpu.vector_load %arg9[%get3A_1578, %get3A_1579] {strides = array<i32>} : memref<8x128xf32, #tpu.memory_space<vmem>>, vector<1x16xf32>,
    %get3A_1581 = vector.shape_cast %get3A_1580 : vector<1x16xf32> to vector<16xf32>
    %get3A_1582 = arith.constant 3 : i32
    %get3A_1583 = arith.index_cast %get3A_1582 : i32 to index
    %get3A_1584 = arith.constant 80 : index
    %get3A_1585 = tpu.vector_load %arg10[%get3A_1583, %get3A_1584] {strides = array<i32>} : memref<4x128xf32, #tpu.memory_space<vmem>>, vector<1x16xf32>,
    %get3A_1586 = vector.shape_cast %get3A_1585 : vector<1x16xf32> to vector<16xf32>
    %sub3A_1587 = arith.subf %get3A_1581, %get3A_1586 : vector<16xf32>
    %mul3A_1588 = arith.mulf %sub3A_1587, %sub3A_1587 : vector<16xf32>
    %get3A_1589 = arith.constant 3 : i32
    %get3A_1590 = arith.index_cast %get3A_1589 : i32 to index
    %get3A_1591 = arith.constant 80 : index
    %get3A_1592 = tpu.vector_load %arg11[%get3A_1590, %get3A_1591] {strides = array<i32>} : memref<4x128xf32, #tpu.memory_space<vmem>>, vector<1x16xf32>,
    %get3A_1593 = vector.shape_cast %get3A_1592 : vector<1x16xf32> to vector<16xf32>
    %mul3A_1594 = arith.mulf %mul3A_1588, %get3A_1593 : vector<16xf32>
    %add3A_1595 = arith.addf %add3A_1576, %mul3A_1594 : vector<16xf32>
    %get3A_1596 = arith.constant 3 : i32
    %get3A_1597 = arith.index_cast %get3A_1596 : i32 to index
    %get3A_1598 = arith.constant 96 : index
    %get3A_1599 = tpu.vector_load %arg9[%get3A_1597, %get3A_1598] {strides = array<i32>} : memref<8x128xf32, #tpu.memory_space<vmem>>, vector<1x16xf32>,
    %get3A_1600 = vector.shape_cast %get3A_1599 : vector<1x16xf32> to vector<16xf32>
    %get3A_1601 = arith.constant 3 : i32
    %get3A_1602 = arith.index_cast %get3A_1601 : i32 to index
    %get3A_1603 = arith.constant 96 : index
    %get3A_1604 = tpu.vector_load %arg10[%get3A_1602, %get3A_1603] {strides = array<i32>} : memref<4x128xf32, #tpu.memory_space<vmem>>, vector<1x16xf32>,
    %get3A_1605 = vector.shape_cast %get3A_1604 : vector<1x16xf32> to vector<16xf32>
    %sub3A_1606 = arith.subf %get3A_1600, %get3A_1605 : vector<16xf32>
    %mul3A_1607 = arith.mulf %sub3A_1606, %sub3A_1606 : vector<16xf32>
    %get3A_1608 = arith.constant 3 : i32
    %get3A_1609 = arith.index_cast %get3A_1608 : i32 to index
    %get3A_1610 = arith.constant 96 : index
    %get3A_1611 = tpu.vector_load %arg11[%get3A_1609, %get3A_1610] {strides = array<i32>} : memref<4x128xf32, #tpu.memory_space<vmem>>, vector<1x16xf32>,
    %get3A_1612 = vector.shape_cast %get3A_1611 : vector<1x16xf32> to vector<16xf32>
    %mul3A_1613 = arith.mulf %mul3A_1607, %get3A_1612 : vector<16xf32>
    %add3A_1614 = arith.addf %add3A_1595, %mul3A_1613 : vector<16xf32>
    %get3A_1615 = arith.constant 3 : i32
    %get3A_1616 = arith.index_cast %get3A_1615 : i32 to index
    %get3A_1617 = arith.constant 112 : index
    %get3A_1618 = tpu.vector_load %arg9[%get3A_1616, %get3A_1617] {strides = array<i32>} : memref<8x128xf32, #tpu.memory_space<vmem>>, vector<1x16xf32>,
    %get3A_1619 = vector.shape_cast %get3A_1618 : vector<1x16xf32> to vector<16xf32>
    %get3A_1620 = arith.constant 3 : i32
    %get3A_1621 = arith.index_cast %get3A_1620 : i32 to index
    %get3A_1622 = arith.constant 112 : index
    %get3A_1623 = tpu.vector_load %arg10[%get3A_1621, %get3A_1622] {strides = array<i32>} : memref<4x128xf32, #tpu.memory_space<vmem>>, vector<1x16xf32>,
    %get3A_1624 = vector.shape_cast %get3A_1623 : vector<1x16xf32> to vector<16xf32>
    %sub3A_1625 = arith.subf %get3A_1619, %get3A_1624 : vector<16xf32>
    %mul3A_1626 = arith.mulf %sub3A_1625, %sub3A_1625 : vector<16xf32>
    %get3A_1627 = arith.constant 3 : i32
    %get3A_1628 = arith.index_cast %get3A_1627 : i32 to index
    %get3A_1629 = arith.constant 112 : index
    %get3A_1630 = tpu.vector_load %arg11[%get3A_1628, %get3A_1629] {strides = array<i32>} : memref<4x128xf32, #tpu.memory_space<vmem>>, vector<1x16xf32>,
    %get3A_1631 = vector.shape_cast %get3A_1630 : vector<1x16xf32> to vector<16xf32>
    %mul3A_1632 = arith.mulf %mul3A_1626, %get3A_1631 : vector<16xf32>
    %add3A_1633 = arith.addf %add3A_1614, %mul3A_1632 : vector<16xf32>
    %get3A_1634 = arith.constant 4 : i32
    %get3A_1635 = arith.index_cast %get3A_1634 : i32 to index
    %get3A_1636 = arith.constant 0 : index
    %get3A_1637 = tpu.vector_load %arg9[%get3A_1635, %get3A_1636] {strides = array<i32>} : memref<8x128xf32, #tpu.memory_space<vmem>>, vector<1x16xf32>,
    %get3A_1638 = vector.shape_cast %get3A_1637 : vector<1x16xf32> to vector<16xf32>
    %get3A_1639 = arith.constant 0 : i32
    %get3A_1640 = arith.index_cast %get3A_1639 : i32 to index
    %get3A_1641 = arith.constant 0 : index
    %get3A_1642 = tpu.vector_load %arg10[%get3A_1640, %get3A_1641] {strides = array<i32>} : memref<4x128xf32, #tpu.memory_space<vmem>>, vector<1x16xf32>,
    %get3A_1643 = vector.shape_cast %get3A_1642 : vector<1x16xf32> to vector<16xf32>
    %sub3A_1644 = arith.subf %get3A_1638, %get3A_1643 : vector<16xf32>
    %mul3A_1645 = arith.mulf %sub3A_1644, %sub3A_1644 : vector<16xf32>
    %get3A_1646 = arith.constant 0 : i32
    %get3A_1647 = arith.index_cast %get3A_1646 : i32 to index
    %get3A_1648 = arith.constant 0 : index
    %get3A_1649 = tpu.vector_load %arg11[%get3A_1647, %get3A_1648] {strides = array<i32>} : memref<4x128xf32, #tpu.memory_space<vmem>>, vector<1x16xf32>,
    %get3A_1650 = vector.shape_cast %get3A_1649 : vector<1x16xf32> to vector<16xf32>
    %mul3A_1651 = arith.mulf %mul3A_1645, %get3A_1650 : vector<16xf32>
    %add3A_1652 = arith.addf %add3A_1633, %mul3A_1651 : vector<16xf32>
    %get3A_1653 = arith.constant 4 : i32
    %get3A_1654 = arith.index_cast %get3A_1653 : i32 to index
    %get3A_1655 = arith.constant 16 : index
    %get3A_1656 = tpu.vector_load %arg9[%get3A_1654, %get3A_1655] {strides = array<i32>} : memref<8x128xf32, #tpu.memory_space<vmem>>, vector<1x16xf32>,
    %get3A_1657 = vector.shape_cast %get3A_1656 : vector<1x16xf32> to vector<16xf32>
    %get3A_1658 = arith.constant 0 : i32
    %get3A_1659 = arith.index_cast %get3A_1658 : i32 to index
    %get3A_1660 = arith.constant 16 : index
    %get3A_1661 = tpu.vector_load %arg10[%get3A_1659, %get3A_1660] {strides = array<i32>} : memref<4x128xf32, #tpu.memory_space<vmem>>, vector<1x16xf32>,
    %get3A_1662 = vector.shape_cast %get3A_1661 : vector<1x16xf32> to vector<16xf32>
    %sub3A_1663 = arith.subf %get3A_1657, %get3A_1662 : vector<16xf32>
    %mul3A_1664 = arith.mulf %sub3A_1663, %sub3A_1663 : vector<16xf32>
    %get3A_1665 = arith.constant 0 : i32
    %get3A_1666 = arith.index_cast %get3A_1665 : i32 to index
    %get3A_1667 = arith.constant 16 : index
    %get3A_1668 = tpu.vector_load %arg11[%get3A_1666, %get3A_1667] {strides = array<i32>} : memref<4x128xf32, #tpu.memory_space<vmem>>, vector<1x16xf32>,
    %get3A_1669 = vector.shape_cast %get3A_1668 : vector<1x16xf32> to vector<16xf32>
    %mul3A_1670 = arith.mulf %mul3A_1664, %get3A_1669 : vector<16xf32>
    %add3A_1671 = arith.addf %add3A_1652, %mul3A_1670 : vector<16xf32>
    %get3A_1672 = arith.constant 4 : i32
    %get3A_1673 = arith.index_cast %get3A_1672 : i32 to index
    %get3A_1674 = arith.constant 32 : index
    %get3A_1675 = tpu.vector_load %arg9[%get3A_1673, %get3A_1674] {strides = array<i32>} : memref<8x128xf32, #tpu.memory_space<vmem>>, vector<1x16xf32>,
    %get3A_1676 = vector.shape_cast %get3A_1675 : vector<1x16xf32> to vector<16xf32>
    %get3A_1677 = arith.constant 0 : i32
    %get3A_1678 = arith.index_cast %get3A_1677 : i32 to index
    %get3A_1679 = arith.constant 32 : index
    %get3A_1680 = tpu.vector_load %arg10[%get3A_1678, %get3A_1679] {strides = array<i32>} : memref<4x128xf32, #tpu.memory_space<vmem>>, vector<1x16xf32>,
    %get3A_1681 = vector.shape_cast %get3A_1680 : vector<1x16xf32> to vector<16xf32>
    %sub3A_1682 = arith.subf %get3A_1676, %get3A_1681 : vector<16xf32>
    %mul3A_1683 = arith.mulf %sub3A_1682, %sub3A_1682 : vector<16xf32>
    %get3A_1684 = arith.constant 0 : i32
    %get3A_1685 = arith.index_cast %get3A_1684 : i32 to index
    %get3A_1686 = arith.constant 32 : index
    %get3A_1687 = tpu.vector_load %arg11[%get3A_1685, %get3A_1686] {strides = array<i32>} : memref<4x128xf32, #tpu.memory_space<vmem>>, vector<1x16xf32>,
    %get3A_1688 = vector.shape_cast %get3A_1687 : vector<1x16xf32> to vector<16xf32>
    %mul3A_1689 = arith.mulf %mul3A_1683, %get3A_1688 : vector<16xf32>
    %add3A_1690 = arith.addf %add3A_1671, %mul3A_1689 : vector<16xf32>
    %get3A_1691 = arith.constant 4 : i32
    %get3A_1692 = arith.index_cast %get3A_1691 : i32 to index
    %get3A_1693 = arith.constant 48 : index
    %get3A_1694 = tpu.vector_load %arg9[%get3A_1692, %get3A_1693] {strides = array<i32>} : memref<8x128xf32, #tpu.memory_space<vmem>>, vector<1x16xf32>,
    %get3A_1695 = vector.shape_cast %get3A_1694 : vector<1x16xf32> to vector<16xf32>
    %get3A_1696 = arith.constant 0 : i32
    %get3A_1697 = arith.index_cast %get3A_1696 : i32 to index
    %get3A_1698 = arith.constant 48 : index
    %get3A_1699 = tpu.vector_load %arg10[%get3A_1697, %get3A_1698] {strides = array<i32>} : memref<4x128xf32, #tpu.memory_space<vmem>>, vector<1x16xf32>,
    %get3A_1700 = vector.shape_cast %get3A_1699 : vector<1x16xf32> to vector<16xf32>
    %sub3A_1701 = arith.subf %get3A_1695, %get3A_1700 : vector<16xf32>
    %mul3A_1702 = arith.mulf %sub3A_1701, %sub3A_1701 : vector<16xf32>
    %get3A_1703 = arith.constant 0 : i32
    %get3A_1704 = arith.index_cast %get3A_1703 : i32 to index
    %get3A_1705 = arith.constant 48 : index
    %get3A_1706 = tpu.vector_load %arg11[%get3A_1704, %get3A_1705] {strides = array<i32>} : memref<4x128xf32, #tpu.memory_space<vmem>>, vector<1x16xf32>,
    %get3A_1707 = vector.shape_cast %get3A_1706 : vector<1x16xf32> to vector<16xf32>
    %mul3A_1708 = arith.mulf %mul3A_1702, %get3A_1707 : vector<16xf32>
    %add3A_1709 = arith.addf %add3A_1690, %mul3A_1708 : vector<16xf32>
    %get3A_1710 = arith.constant 4 : i32
    %get3A_1711 = arith.index_cast %get3A_1710 : i32 to index
    %get3A_1712 = arith.constant 64 : index
    %get3A_1713 = tpu.vector_load %arg9[%get3A_1711, %get3A_1712] {strides = array<i32>} : memref<8x128xf32, #tpu.memory_space<vmem>>, vector<1x16xf32>,
    %get3A_1714 = vector.shape_cast %get3A_1713 : vector<1x16xf32> to vector<16xf32>
    %get3A_1715 = arith.constant 0 : i32
    %get3A_1716 = arith.index_cast %get3A_1715 : i32 to index
    %get3A_1717 = arith.constant 64 : index
    %get3A_1718 = tpu.vector_load %arg10[%get3A_1716, %get3A_1717] {strides = array<i32>} : memref<4x128xf32, #tpu.memory_space<vmem>>, vector<1x16xf32>,
    %get3A_1719 = vector.shape_cast %get3A_1718 : vector<1x16xf32> to vector<16xf32>
    %sub3A_1720 = arith.subf %get3A_1714, %get3A_1719 : vector<16xf32>
    %mul3A_1721 = arith.mulf %sub3A_1720, %sub3A_1720 : vector<16xf32>
    %get3A_1722 = arith.constant 0 : i32
    %get3A_1723 = arith.index_cast %get3A_1722 : i32 to index
    %get3A_1724 = arith.constant 64 : index
    %get3A_1725 = tpu.vector_load %arg11[%get3A_1723, %get3A_1724] {strides = array<i32>} : memref<4x128xf32, #tpu.memory_space<vmem>>, vector<1x16xf32>,
    %get3A_1726 = vector.shape_cast %get3A_1725 : vector<1x16xf32> to vector<16xf32>
    %mul3A_1727 = arith.mulf %mul3A_1721, %get3A_1726 : vector<16xf32>
    %add3A_1728 = arith.addf %add3A_1709, %mul3A_1727 : vector<16xf32>
    %get3A_1729 = arith.constant 4 : i32
    %get3A_1730 = arith.index_cast %get3A_1729 : i32 to index
    %get3A_1731 = arith.constant 80 : index
    %get3A_1732 = tpu.vector_load %arg9[%get3A_1730, %get3A_1731] {strides = array<i32>} : memref<8x128xf32, #tpu.memory_space<vmem>>, vector<1x16xf32>,
    %get3A_1733 = vector.shape_cast %get3A_1732 : vector<1x16xf32> to vector<16xf32>
    %get3A_1734 = arith.constant 0 : i32
    %get3A_1735 = arith.index_cast %get3A_1734 : i32 to index
    %get3A_1736 = arith.constant 80 : index
    %get3A_1737 = tpu.vector_load %arg10[%get3A_1735, %get3A_1736] {strides = array<i32>} : memref<4x128xf32, #tpu.memory_space<vmem>>, vector<1x16xf32>,
    %get3A_1738 = vector.shape_cast %get3A_1737 : vector<1x16xf32> to vector<16xf32>
    %sub3A_1739 = arith.subf %get3A_1733, %get3A_1738 : vector<16xf32>
    %mul3A_1740 = arith.mulf %sub3A_1739, %sub3A_1739 : vector<16xf32>
    %get3A_1741 = arith.constant 0 : i32
    %get3A_1742 = arith.index_cast %get3A_1741 : i32 to index
    %get3A_1743 = arith.constant 80 : index
    %get3A_1744 = tpu.vector_load %arg11[%get3A_1742, %get3A_1743] {strides = array<i32>} : memref<4x128xf32, #tpu.memory_space<vmem>>, vector<1x16xf32>,
    %get3A_1745 = vector.shape_cast %get3A_1744 : vector<1x16xf32> to vector<16xf32>
    %mul3A_1746 = arith.mulf %mul3A_1740, %get3A_1745 : vector<16xf32>
    %add3A_1747 = arith.addf %add3A_1728, %mul3A_1746 : vector<16xf32>
    %get3A_1748 = arith.constant 4 : i32
    %get3A_1749 = arith.index_cast %get3A_1748 : i32 to index
    %get3A_1750 = arith.constant 96 : index
    %get3A_1751 = tpu.vector_load %arg9[%get3A_1749, %get3A_1750] {strides = array<i32>} : memref<8x128xf32, #tpu.memory_space<vmem>>, vector<1x16xf32>,
    %get3A_1752 = vector.shape_cast %get3A_1751 : vector<1x16xf32> to vector<16xf32>
    %get3A_1753 = arith.constant 0 : i32
    %get3A_1754 = arith.index_cast %get3A_1753 : i32 to index
    %get3A_1755 = arith.constant 96 : index
    %get3A_1756 = tpu.vector_load %arg10[%get3A_1754, %get3A_1755] {strides = array<i32>} : memref<4x128xf32, #tpu.memory_space<vmem>>, vector<1x16xf32>,
    %get3A_1757 = vector.shape_cast %get3A_1756 : vector<1x16xf32> to vector<16xf32>
    %sub3A_1758 = arith.subf %get3A_1752, %get3A_1757 : vector<16xf32>
    %mul3A_1759 = arith.mulf %sub3A_1758, %sub3A_1758 : vector<16xf32>
    %get3A_1760 = arith.constant 0 : i32
    %get3A_1761 = arith.index_cast %get3A_1760 : i32 to index
    %get3A_1762 = arith.constant 96 : index
    %get3A_1763 = tpu.vector_load %arg11[%get3A_1761, %get3A_1762] {strides = array<i32>} : memref<4x128xf32, #tpu.memory_space<vmem>>, vector<1x16xf32>,
    %get3A_1764 = vector.shape_cast %get3A_1763 : vector<1x16xf32> to vector<16xf32>
    %mul3A_1765 = arith.mulf %mul3A_1759, %get3A_1764 : vector<16xf32>
    %add3A_1766 = arith.addf %add3A_1747, %mul3A_1765 : vector<16xf32>
    %get3A_1767 = arith.constant 4 : i32
    %get3A_1768 = arith.index_cast %get3A_1767 : i32 to index
    %get3A_1769 = arith.constant 112 : index
    %get3A_1770 = tpu.vector_load %arg9[%get3A_1768, %get3A_1769] {strides = array<i32>} : memref<8x128xf32, #tpu.memory_space<vmem>>, vector<1x16xf32>,
    %get3A_1771 = vector.shape_cast %get3A_1770 : vector<1x16xf32> to vector<16xf32>
    %get3A_1772 = arith.constant 0 : i32
    %get3A_1773 = arith.index_cast %get3A_1772 : i32 to index
    %get3A_1774 = arith.constant 112 : index
    %get3A_1775 = tpu.vector_load %arg10[%get3A_1773, %get3A_1774] {strides = array<i32>} : memref<4x128xf32, #tpu.memory_space<vmem>>, vector<1x16xf32>,
    %get3A_1776 = vector.shape_cast %get3A_1775 : vector<1x16xf32> to vector<16xf32>
    %sub3A_1777 = arith.subf %get3A_1771, %get3A_1776 : vector<16xf32>
    %mul3A_1778 = arith.mulf %sub3A_1777, %sub3A_1777 : vector<16xf32>
    %get3A_1779 = arith.constant 0 : i32
    %get3A_1780 = arith.index_cast %get3A_1779 : i32 to index
    %get3A_1781 = arith.constant 112 : index
    %get3A_1782 = tpu.vector_load %arg11[%get3A_1780, %get3A_1781] {strides = array<i32>} : memref<4x128xf32, #tpu.memory_space<vmem>>, vector<1x16xf32>,
    %get3A_1783 = vector.shape_cast %get3A_1782 : vector<1x16xf32> to vector<16xf32>
    %mul3A_1784 = arith.mulf %mul3A_1778, %get3A_1783 : vector<16xf32>
    %add3A_1785 = arith.addf %add3A_1766, %mul3A_1784 : vector<16xf32>
    %get3A_1786 = arith.constant 5 : i32
    %get3A_1787 = arith.index_cast %get3A_1786 : i32 to index
    %get3A_1788 = arith.constant 0 : index
    %get3A_1789 = tpu.vector_load %arg9[%get3A_1787, %get3A_1788] {strides = array<i32>} : memref<8x128xf32, #tpu.memory_space<vmem>>, vector<1x16xf32>,
    %get3A_1790 = vector.shape_cast %get3A_1789 : vector<1x16xf32> to vector<16xf32>
    %get3A_1791 = arith.constant 1 : i32
    %get3A_1792 = arith.index_cast %get3A_1791 : i32 to index
    %get3A_1793 = arith.constant 0 : index
    %get3A_1794 = tpu.vector_load %arg10[%get3A_1792, %get3A_1793] {strides = array<i32>} : memref<4x128xf32, #tpu.memory_space<vmem>>, vector<1x16xf32>,
    %get3A_1795 = vector.shape_cast %get3A_1794 : vector<1x16xf32> to vector<16xf32>
    %sub3A_1796 = arith.subf %get3A_1790, %get3A_1795 : vector<16xf32>
    %mul3A_1797 = arith.mulf %sub3A_1796, %sub3A_1796 : vector<16xf32>
    %get3A_1798 = arith.constant 1 : i32
    %get3A_1799 = arith.index_cast %get3A_1798 : i32 to index
    %get3A_1800 = arith.constant 0 : index
    %get3A_1801 = tpu.vector_load %arg11[%get3A_1799, %get3A_1800] {strides = array<i32>} : memref<4x128xf32, #tpu.memory_space<vmem>>, vector<1x16xf32>,
    %get3A_1802 = vector.shape_cast %get3A_1801 : vector<1x16xf32> to vector<16xf32>
    %mul3A_1803 = arith.mulf %mul3A_1797, %get3A_1802 : vector<16xf32>
    %add3A_1804 = arith.addf %add3A_1785, %mul3A_1803 : vector<16xf32>
    %get3A_1805 = arith.constant 5 : i32
    %get3A_1806 = arith.index_cast %get3A_1805 : i32 to index
    %get3A_1807 = arith.constant 16 : index
    %get3A_1808 = tpu.vector_load %arg9[%get3A_1806, %get3A_1807] {strides = array<i32>} : memref<8x128xf32, #tpu.memory_space<vmem>>, vector<1x16xf32>,
    %get3A_1809 = vector.shape_cast %get3A_1808 : vector<1x16xf32> to vector<16xf32>
    %get3A_1810 = arith.constant 1 : i32
    %get3A_1811 = arith.index_cast %get3A_1810 : i32 to index
    %get3A_1812 = arith.constant 16 : index
    %get3A_1813 = tpu.vector_load %arg10[%get3A_1811, %get3A_1812] {strides = array<i32>} : memref<4x128xf32, #tpu.memory_space<vmem>>, vector<1x16xf32>,
    %get3A_1814 = vector.shape_cast %get3A_1813 : vector<1x16xf32> to vector<16xf32>
    %sub3A_1815 = arith.subf %get3A_1809, %get3A_1814 : vector<16xf32>
    %mul3A_1816 = arith.mulf %sub3A_1815, %sub3A_1815 : vector<16xf32>
    %get3A_1817 = arith.constant 1 : i32
    %get3A_1818 = arith.index_cast %get3A_1817 : i32 to index
    %get3A_1819 = arith.constant 16 : index
    %get3A_1820 = tpu.vector_load %arg11[%get3A_1818, %get3A_1819] {strides = array<i32>} : memref<4x128xf32, #tpu.memory_space<vmem>>, vector<1x16xf32>,
    %get3A_1821 = vector.shape_cast %get3A_1820 : vector<1x16xf32> to vector<16xf32>
    %mul3A_1822 = arith.mulf %mul3A_1816, %get3A_1821 : vector<16xf32>
    %add3A_1823 = arith.addf %add3A_1804, %mul3A_1822 : vector<16xf32>
    %get3A_1824 = arith.constant 5 : i32
    %get3A_1825 = arith.index_cast %get3A_1824 : i32 to index
    %get3A_1826 = arith.constant 32 : index
    %get3A_1827 = tpu.vector_load %arg9[%get3A_1825, %get3A_1826] {strides = array<i32>} : memref<8x128xf32, #tpu.memory_space<vmem>>, vector<1x16xf32>,
    %get3A_1828 = vector.shape_cast %get3A_1827 : vector<1x16xf32> to vector<16xf32>
    %get3A_1829 = arith.constant 1 : i32
    %get3A_1830 = arith.index_cast %get3A_1829 : i32 to index
    %get3A_1831 = arith.constant 32 : index
    %get3A_1832 = tpu.vector_load %arg10[%get3A_1830, %get3A_1831] {strides = array<i32>} : memref<4x128xf32, #tpu.memory_space<vmem>>, vector<1x16xf32>,
    %get3A_1833 = vector.shape_cast %get3A_1832 : vector<1x16xf32> to vector<16xf32>
    %sub3A_1834 = arith.subf %get3A_1828, %get3A_1833 : vector<16xf32>
    %mul3A_1835 = arith.mulf %sub3A_1834, %sub3A_1834 : vector<16xf32>
    %get3A_1836 = arith.constant 1 : i32
    %get3A_1837 = arith.index_cast %get3A_1836 : i32 to index
    %get3A_1838 = arith.constant 32 : index
    %get3A_1839 = tpu.vector_load %arg11[%get3A_1837, %get3A_1838] {strides = array<i32>} : memref<4x128xf32, #tpu.memory_space<vmem>>, vector<1x16xf32>,
    %get3A_1840 = vector.shape_cast %get3A_1839 : vector<1x16xf32> to vector<16xf32>
    %mul3A_1841 = arith.mulf %mul3A_1835, %get3A_1840 : vector<16xf32>
    %add3A_1842 = arith.addf %add3A_1823, %mul3A_1841 : vector<16xf32>
    %get3A_1843 = arith.constant 5 : i32
    %get3A_1844 = arith.index_cast %get3A_1843 : i32 to index
    %get3A_1845 = arith.constant 48 : index
    %get3A_1846 = tpu.vector_load %arg9[%get3A_1844, %get3A_1845] {strides = array<i32>} : memref<8x128xf32, #tpu.memory_space<vmem>>, vector<1x16xf32>,
    %get3A_1847 = vector.shape_cast %get3A_1846 : vector<1x16xf32> to vector<16xf32>
    %get3A_1848 = arith.constant 1 : i32
    %get3A_1849 = arith.index_cast %get3A_1848 : i32 to index
    %get3A_1850 = arith.constant 48 : index
    %get3A_1851 = tpu.vector_load %arg10[%get3A_1849, %get3A_1850] {strides = array<i32>} : memref<4x128xf32, #tpu.memory_space<vmem>>, vector<1x16xf32>,
    %get3A_1852 = vector.shape_cast %get3A_1851 : vector<1x16xf32> to vector<16xf32>
    %sub3A_1853 = arith.subf %get3A_1847, %get3A_1852 : vector<16xf32>
    %mul3A_1854 = arith.mulf %sub3A_1853, %sub3A_1853 : vector<16xf32>
    %get3A_1855 = arith.constant 1 : i32
    %get3A_1856 = arith.index_cast %get3A_1855 : i32 to index
    %get3A_1857 = arith.constant 48 : index
    %get3A_1858 = tpu.vector_load %arg11[%get3A_1856, %get3A_1857] {strides = array<i32>} : memref<4x128xf32, #tpu.memory_space<vmem>>, vector<1x16xf32>,
    %get3A_1859 = vector.shape_cast %get3A_1858 : vector<1x16xf32> to vector<16xf32>
    %mul3A_1860 = arith.mulf %mul3A_1854, %get3A_1859 : vector<16xf32>
    %add3A_1861 = arith.addf %add3A_1842, %mul3A_1860 : vector<16xf32>
    %get3A_1862 = arith.constant 5 : i32
    %get3A_1863 = arith.index_cast %get3A_1862 : i32 to index
    %get3A_1864 = arith.constant 64 : index
    %get3A_1865 = tpu.vector_load %arg9[%get3A_1863, %get3A_1864] {strides = array<i32>} : memref<8x128xf32, #tpu.memory_space<vmem>>, vector<1x16xf32>,
    %get3A_1866 = vector.shape_cast %get3A_1865 : vector<1x16xf32> to vector<16xf32>
    %get3A_1867 = arith.constant 1 : i32
    %get3A_1868 = arith.index_cast %get3A_1867 : i32 to index
    %get3A_1869 = arith.constant 64 : index
    %get3A_1870 = tpu.vector_load %arg10[%get3A_1868, %get3A_1869] {strides = array<i32>} : memref<4x128xf32, #tpu.memory_space<vmem>>, vector<1x16xf32>,
    %get3A_1871 = vector.shape_cast %get3A_1870 : vector<1x16xf32> to vector<16xf32>
    %sub3A_1872 = arith.subf %get3A_1866, %get3A_1871 : vector<16xf32>
    %mul3A_1873 = arith.mulf %sub3A_1872, %sub3A_1872 : vector<16xf32>
    %get3A_1874 = arith.constant 1 : i32
    %get3A_1875 = arith.index_cast %get3A_1874 : i32 to index
    %get3A_1876 = arith.constant 64 : index
    %get3A_1877 = tpu.vector_load %arg11[%get3A_1875, %get3A_1876] {strides = array<i32>} : memref<4x128xf32, #tpu.memory_space<vmem>>, vector<1x16xf32>,
    %get3A_1878 = vector.shape_cast %get3A_1877 : vector<1x16xf32> to vector<16xf32>
    %mul3A_1879 = arith.mulf %mul3A_1873, %get3A_1878 : vector<16xf32>
    %add3A_1880 = arith.addf %add3A_1861, %mul3A_1879 : vector<16xf32>
    %get3A_1881 = arith.constant 5 : i32
    %get3A_1882 = arith.index_cast %get3A_1881 : i32 to index
    %get3A_1883 = arith.constant 80 : index
    %get3A_1884 = tpu.vector_load %arg9[%get3A_1882, %get3A_1883] {strides = array<i32>} : memref<8x128xf32, #tpu.memory_space<vmem>>, vector<1x16xf32>,
    %get3A_1885 = vector.shape_cast %get3A_1884 : vector<1x16xf32> to vector<16xf32>
    %get3A_1886 = arith.constant 1 : i32
    %get3A_1887 = arith.index_cast %get3A_1886 : i32 to index
    %get3A_1888 = arith.constant 80 : index
    %get3A_1889 = tpu.vector_load %arg10[%get3A_1887, %get3A_1888] {strides = array<i32>} : memref<4x128xf32, #tpu.memory_space<vmem>>, vector<1x16xf32>,
    %get3A_1890 = vector.shape_cast %get3A_1889 : vector<1x16xf32> to vector<16xf32>
    %sub3A_1891 = arith.subf %get3A_1885, %get3A_1890 : vector<16xf32>
    %mul3A_1892 = arith.mulf %sub3A_1891, %sub3A_1891 : vector<16xf32>
    %get3A_1893 = arith.constant 1 : i32
    %get3A_1894 = arith.index_cast %get3A_1893 : i32 to index
    %get3A_1895 = arith.constant 80 : index
    %get3A_1896 = tpu.vector_load %arg11[%get3A_1894, %get3A_1895] {strides = array<i32>} : memref<4x128xf32, #tpu.memory_space<vmem>>, vector<1x16xf32>,
    %get3A_1897 = vector.shape_cast %get3A_1896 : vector<1x16xf32> to vector<16xf32>
    %mul3A_1898 = arith.mulf %mul3A_1892, %get3A_1897 : vector<16xf32>
    %add3A_1899 = arith.addf %add3A_1880, %mul3A_1898 : vector<16xf32>
    %get3A_1900 = arith.constant 5 : i32
    %get3A_1901 = arith.index_cast %get3A_1900 : i32 to index
    %get3A_1902 = arith.constant 96 : index
    %get3A_1903 = tpu.vector_load %arg9[%get3A_1901, %get3A_1902] {strides = array<i32>} : memref<8x128xf32, #tpu.memory_space<vmem>>, vector<1x16xf32>,
    %get3A_1904 = vector.shape_cast %get3A_1903 : vector<1x16xf32> to vector<16xf32>
    %get3A_1905 = arith.constant 1 : i32
    %get3A_1906 = arith.index_cast %get3A_1905 : i32 to index
    %get3A_1907 = arith.constant 96 : index
    %get3A_1908 = tpu.vector_load %arg10[%get3A_1906, %get3A_1907] {strides = array<i32>} : memref<4x128xf32, #tpu.memory_space<vmem>>, vector<1x16xf32>,
    %get3A_1909 = vector.shape_cast %get3A_1908 : vector<1x16xf32> to vector<16xf32>
    %sub3A_1910 = arith.subf %get3A_1904, %get3A_1909 : vector<16xf32>
    %mul3A_1911 = arith.mulf %sub3A_1910, %sub3A_1910 : vector<16xf32>
    %get3A_1912 = arith.constant 1 : i32
    %get3A_1913 = arith.index_cast %get3A_1912 : i32 to index
    %get3A_1914 = arith.constant 96 : index
    %get3A_1915 = tpu.vector_load %arg11[%get3A_1913, %get3A_1914] {strides = array<i32>} : memref<4x128xf32, #tpu.memory_space<vmem>>, vector<1x16xf32>,
    %get3A_1916 = vector.shape_cast %get3A_1915 : vector<1x16xf32> to vector<16xf32>
    %mul3A_1917 = arith.mulf %mul3A_1911, %get3A_1916 : vector<16xf32>
    %add3A_1918 = arith.addf %add3A_1899, %mul3A_1917 : vector<16xf32>
    %get3A_1919 = arith.constant 5 : i32
    %get3A_1920 = arith.index_cast %get3A_1919 : i32 to index
    %get3A_1921 = arith.constant 112 : index
    %get3A_1922 = tpu.vector_load %arg9[%get3A_1920, %get3A_1921] {strides = array<i32>} : memref<8x128xf32, #tpu.memory_space<vmem>>, vector<1x16xf32>,
    %get3A_1923 = vector.shape_cast %get3A_1922 : vector<1x16xf32> to vector<16xf32>
    %get3A_1924 = arith.constant 1 : i32
    %get3A_1925 = arith.index_cast %get3A_1924 : i32 to index
    %get3A_1926 = arith.constant 112 : index
    %get3A_1927 = tpu.vector_load %arg10[%get3A_1925, %get3A_1926] {strides = array<i32>} : memref<4x128xf32, #tpu.memory_space<vmem>>, vector<1x16xf32>,
    %get3A_1928 = vector.shape_cast %get3A_1927 : vector<1x16xf32> to vector<16xf32>
    %sub3A_1929 = arith.subf %get3A_1923, %get3A_1928 : vector<16xf32>
    %mul3A_1930 = arith.mulf %sub3A_1929, %sub3A_1929 : vector<16xf32>
    %get3A_1931 = arith.constant 1 : i32
    %get3A_1932 = arith.index_cast %get3A_1931 : i32 to index
    %get3A_1933 = arith.constant 112 : index
    %get3A_1934 = tpu.vector_load %arg11[%get3A_1932, %get3A_1933] {strides = array<i32>} : memref<4x128xf32, #tpu.memory_space<vmem>>, vector<1x16xf32>,
    %get3A_1935 = vector.shape_cast %get3A_1934 : vector<1x16xf32> to vector<16xf32>
    %mul3A_1936 = arith.mulf %mul3A_1930, %get3A_1935 : vector<16xf32>
    %add3A_1937 = arith.addf %add3A_1918, %mul3A_1936 : vector<16xf32>
    %get3A_1938 = arith.constant 6 : i32
    %get3A_1939 = arith.index_cast %get3A_1938 : i32 to index
    %get3A_1940 = arith.constant 0 : index
    %get3A_1941 = tpu.vector_load %arg9[%get3A_1939, %get3A_1940] {strides = array<i32>} : memref<8x128xf32, #tpu.memory_space<vmem>>, vector<1x16xf32>,
    %get3A_1942 = vector.shape_cast %get3A_1941 : vector<1x16xf32> to vector<16xf32>
    %get3A_1943 = arith.constant 2 : i32
    %get3A_1944 = arith.index_cast %get3A_1943 : i32 to index
    %get3A_1945 = arith.constant 0 : index
    %get3A_1946 = tpu.vector_load %arg10[%get3A_1944, %get3A_1945] {strides = array<i32>} : memref<4x128xf32, #tpu.memory_space<vmem>>, vector<1x16xf32>,
    %get3A_1947 = vector.shape_cast %get3A_1946 : vector<1x16xf32> to vector<16xf32>
    %sub3A_1948 = arith.subf %get3A_1942, %get3A_1947 : vector<16xf32>
    %mul3A_1949 = arith.mulf %sub3A_1948, %sub3A_1948 : vector<16xf32>
    %get3A_1950 = arith.constant 2 : i32
    %get3A_1951 = arith.index_cast %get3A_1950 : i32 to index
    %get3A_1952 = arith.constant 0 : index
    %get3A_1953 = tpu.vector_load %arg11[%get3A_1951, %get3A_1952] {strides = array<i32>} : memref<4x128xf32, #tpu.memory_space<vmem>>, vector<1x16xf32>,
    %get3A_1954 = vector.shape_cast %get3A_1953 : vector<1x16xf32> to vector<16xf32>
    %mul3A_1955 = arith.mulf %mul3A_1949, %get3A_1954 : vector<16xf32>
    %add3A_1956 = arith.addf %add3A_1937, %mul3A_1955 : vector<16xf32>
    %get3A_1957 = arith.constant 6 : i32
    %get3A_1958 = arith.index_cast %get3A_1957 : i32 to index
    %get3A_1959 = arith.constant 16 : index
    %get3A_1960 = tpu.vector_load %arg9[%get3A_1958, %get3A_1959] {strides = array<i32>} : memref<8x128xf32, #tpu.memory_space<vmem>>, vector<1x16xf32>,
    %get3A_1961 = vector.shape_cast %get3A_1960 : vector<1x16xf32> to vector<16xf32>
    %get3A_1962 = arith.constant 2 : i32
    %get3A_1963 = arith.index_cast %get3A_1962 : i32 to index
    %get3A_1964 = arith.constant 16 : index
    %get3A_1965 = tpu.vector_load %arg10[%get3A_1963, %get3A_1964] {strides = array<i32>} : memref<4x128xf32, #tpu.memory_space<vmem>>, vector<1x16xf32>,
    %get3A_1966 = vector.shape_cast %get3A_1965 : vector<1x16xf32> to vector<16xf32>
    %sub3A_1967 = arith.subf %get3A_1961, %get3A_1966 : vector<16xf32>
    %mul3A_1968 = arith.mulf %sub3A_1967, %sub3A_1967 : vector<16xf32>
    %get3A_1969 = arith.constant 2 : i32
    %get3A_1970 = arith.index_cast %get3A_1969 : i32 to index
    %get3A_1971 = arith.constant 16 : index
    %get3A_1972 = tpu.vector_load %arg11[%get3A_1970, %get3A_1971] {strides = array<i32>} : memref<4x128xf32, #tpu.memory_space<vmem>>, vector<1x16xf32>,
    %get3A_1973 = vector.shape_cast %get3A_1972 : vector<1x16xf32> to vector<16xf32>
    %mul3A_1974 = arith.mulf %mul3A_1968, %get3A_1973 : vector<16xf32>
    %add3A_1975 = arith.addf %add3A_1956, %mul3A_1974 : vector<16xf32>
    %get3A_1976 = arith.constant 6 : i32
    %get3A_1977 = arith.index_cast %get3A_1976 : i32 to index
    %get3A_1978 = arith.constant 32 : index
    %get3A_1979 = tpu.vector_load %arg9[%get3A_1977, %get3A_1978] {strides = array<i32>} : memref<8x128xf32, #tpu.memory_space<vmem>>, vector<1x16xf32>,
    %get3A_1980 = vector.shape_cast %get3A_1979 : vector<1x16xf32> to vector<16xf32>
    %get3A_1981 = arith.constant 2 : i32
    %get3A_1982 = arith.index_cast %get3A_1981 : i32 to index
    %get3A_1983 = arith.constant 32 : index
    %get3A_1984 = tpu.vector_load %arg10[%get3A_1982, %get3A_1983] {strides = array<i32>} : memref<4x128xf32, #tpu.memory_space<vmem>>, vector<1x16xf32>,
    %get3A_1985 = vector.shape_cast %get3A_1984 : vector<1x16xf32> to vector<16xf32>
    %sub3A_1986 = arith.subf %get3A_1980, %get3A_1985 : vector<16xf32>
    %mul3A_1987 = arith.mulf %sub3A_1986, %sub3A_1986 : vector<16xf32>
    %get3A_1988 = arith.constant 2 : i32
    %get3A_1989 = arith.index_cast %get3A_1988 : i32 to index
    %get3A_1990 = arith.constant 32 : index
    %get3A_1991 = tpu.vector_load %arg11[%get3A_1989, %get3A_1990] {strides = array<i32>} : memref<4x128xf32, #tpu.memory_space<vmem>>, vector<1x16xf32>,
    %get3A_1992 = vector.shape_cast %get3A_1991 : vector<1x16xf32> to vector<16xf32>
    %mul3A_1993 = arith.mulf %mul3A_1987, %get3A_1992 : vector<16xf32>
    %add3A_1994 = arith.addf %add3A_1975, %mul3A_1993 : vector<16xf32>
    %get3A_1995 = arith.constant 6 : i32
    %get3A_1996 = arith.index_cast %get3A_1995 : i32 to index
    %get3A_1997 = arith.constant 48 : index
    %get3A_1998 = tpu.vector_load %arg9[%get3A_1996, %get3A_1997] {strides = array<i32>} : memref<8x128xf32, #tpu.memory_space<vmem>>, vector<1x16xf32>,
    %get3A_1999 = vector.shape_cast %get3A_1998 : vector<1x16xf32> to vector<16xf32>
    %get3A_2000 = arith.constant 2 : i32
    %get3A_2001 = arith.index_cast %get3A_2000 : i32 to index
    %get3A_2002 = arith.constant 48 : index
    %get3A_2003 = tpu.vector_load %arg10[%get3A_2001, %get3A_2002] {strides = array<i32>} : memref<4x128xf32, #tpu.memory_space<vmem>>, vector<1x16xf32>,
    %get3A_2004 = vector.shape_cast %get3A_2003 : vector<1x16xf32> to vector<16xf32>
    %sub3A_2005 = arith.subf %get3A_1999, %get3A_2004 : vector<16xf32>
    %mul3A_2006 = arith.mulf %sub3A_2005, %sub3A_2005 : vector<16xf32>
    %get3A_2007 = arith.constant 2 : i32
    %get3A_2008 = arith.index_cast %get3A_2007 : i32 to index
    %get3A_2009 = arith.constant 48 : index
    %get3A_2010 = tpu.vector_load %arg11[%get3A_2008, %get3A_2009] {strides = array<i32>} : memref<4x128xf32, #tpu.memory_space<vmem>>, vector<1x16xf32>,
    %get3A_2011 = vector.shape_cast %get3A_2010 : vector<1x16xf32> to vector<16xf32>
    %mul3A_2012 = arith.mulf %mul3A_2006, %get3A_2011 : vector<16xf32>
    %add3A_2013 = arith.addf %add3A_1994, %mul3A_2012 : vector<16xf32>
    %get3A_2014 = arith.constant 6 : i32
    %get3A_2015 = arith.index_cast %get3A_2014 : i32 to index
    %get3A_2016 = arith.constant 64 : index
    %get3A_2017 = tpu.vector_load %arg9[%get3A_2015, %get3A_2016] {strides = array<i32>} : memref<8x128xf32, #tpu.memory_space<vmem>>, vector<1x16xf32>,
    %get3A_2018 = vector.shape_cast %get3A_2017 : vector<1x16xf32> to vector<16xf32>
    %get3A_2019 = arith.constant 2 : i32
    %get3A_2020 = arith.index_cast %get3A_2019 : i32 to index
    %get3A_2021 = arith.constant 64 : index
    %get3A_2022 = tpu.vector_load %arg10[%get3A_2020, %get3A_2021] {strides = array<i32>} : memref<4x128xf32, #tpu.memory_space<vmem>>, vector<1x16xf32>,
    %get3A_2023 = vector.shape_cast %get3A_2022 : vector<1x16xf32> to vector<16xf32>
    %sub3A_2024 = arith.subf %get3A_2018, %get3A_2023 : vector<16xf32>
    %mul3A_2025 = arith.mulf %sub3A_2024, %sub3A_2024 : vector<16xf32>
    %get3A_2026 = arith.constant 2 : i32
    %get3A_2027 = arith.index_cast %get3A_2026 : i32 to index
    %get3A_2028 = arith.constant 64 : index
    %get3A_2029 = tpu.vector_load %arg11[%get3A_2027, %get3A_2028] {strides = array<i32>} : memref<4x128xf32, #tpu.memory_space<vmem>>, vector<1x16xf32>,
    %get3A_2030 = vector.shape_cast %get3A_2029 : vector<1x16xf32> to vector<16xf32>
    %mul3A_2031 = arith.mulf %mul3A_2025, %get3A_2030 : vector<16xf32>
    %add3A_2032 = arith.addf %add3A_2013, %mul3A_2031 : vector<16xf32>
    %get3A_2033 = arith.constant 6 : i32
    %get3A_2034 = arith.index_cast %get3A_2033 : i32 to index
    %get3A_2035 = arith.constant 80 : index
    %get3A_2036 = tpu.vector_load %arg9[%get3A_2034, %get3A_2035] {strides = array<i32>} : memref<8x128xf32, #tpu.memory_space<vmem>>, vector<1x16xf32>,
    %get3A_2037 = vector.shape_cast %get3A_2036 : vector<1x16xf32> to vector<16xf32>
    %get3A_2038 = arith.constant 2 : i32
    %get3A_2039 = arith.index_cast %get3A_2038 : i32 to index
    %get3A_2040 = arith.constant 80 : index
    %get3A_2041 = tpu.vector_load %arg10[%get3A_2039, %get3A_2040] {strides = array<i32>} : memref<4x128xf32, #tpu.memory_space<vmem>>, vector<1x16xf32>,
    %get3A_2042 = vector.shape_cast %get3A_2041 : vector<1x16xf32> to vector<16xf32>
    %sub3A_2043 = arith.subf %get3A_2037, %get3A_2042 : vector<16xf32>
    %mul3A_2044 = arith.mulf %sub3A_2043, %sub3A_2043 : vector<16xf32>
    %get3A_2045 = arith.constant 2 : i32
    %get3A_2046 = arith.index_cast %get3A_2045 : i32 to index
    %get3A_2047 = arith.constant 80 : index
    %get3A_2048 = tpu.vector_load %arg11[%get3A_2046, %get3A_2047] {strides = array<i32>} : memref<4x128xf32, #tpu.memory_space<vmem>>, vector<1x16xf32>,
    %get3A_2049 = vector.shape_cast %get3A_2048 : vector<1x16xf32> to vector<16xf32>
    %mul3A_2050 = arith.mulf %mul3A_2044, %get3A_2049 : vector<16xf32>
    %add3A_2051 = arith.addf %add3A_2032, %mul3A_2050 : vector<16xf32>
    %get3A_2052 = arith.constant 6 : i32
    %get3A_2053 = arith.index_cast %get3A_2052 : i32 to index
    %get3A_2054 = arith.constant 96 : index
    %get3A_2055 = tpu.vector_load %arg9[%get3A_2053, %get3A_2054] {strides = array<i32>} : memref<8x128xf32, #tpu.memory_space<vmem>>, vector<1x16xf32>,
    %get3A_2056 = vector.shape_cast %get3A_2055 : vector<1x16xf32> to vector<16xf32>
    %get3A_2057 = arith.constant 2 : i32
    %get3A_2058 = arith.index_cast %get3A_2057 : i32 to index
    %get3A_2059 = arith.constant 96 : index
    %get3A_2060 = tpu.vector_load %arg10[%get3A_2058, %get3A_2059] {strides = array<i32>} : memref<4x128xf32, #tpu.memory_space<vmem>>, vector<1x16xf32>,
    %get3A_2061 = vector.shape_cast %get3A_2060 : vector<1x16xf32> to vector<16xf32>
    %sub3A_2062 = arith.subf %get3A_2056, %get3A_2061 : vector<16xf32>
    %mul3A_2063 = arith.mulf %sub3A_2062, %sub3A_2062 : vector<16xf32>
    %get3A_2064 = arith.constant 2 : i32
    %get3A_2065 = arith.index_cast %get3A_2064 : i32 to index
    %get3A_2066 = arith.constant 96 : index
    %get3A_2067 = tpu.vector_load %arg11[%get3A_2065, %get3A_2066] {strides = array<i32>} : memref<4x128xf32, #tpu.memory_space<vmem>>, vector<1x16xf32>,
    %get3A_2068 = vector.shape_cast %get3A_2067 : vector<1x16xf32> to vector<16xf32>
    %mul3A_2069 = arith.mulf %mul3A_2063, %get3A_2068 : vector<16xf32>
    %add3A_2070 = arith.addf %add3A_2051, %mul3A_2069 : vector<16xf32>
    %get3A_2071 = arith.constant 6 : i32
    %get3A_2072 = arith.index_cast %get3A_2071 : i32 to index
    %get3A_2073 = arith.constant 112 : index
    %get3A_2074 = tpu.vector_load %arg9[%get3A_2072, %get3A_2073] {strides = array<i32>} : memref<8x128xf32, #tpu.memory_space<vmem>>, vector<1x16xf32>,
    %get3A_2075 = vector.shape_cast %get3A_2074 : vector<1x16xf32> to vector<16xf32>
    %get3A_2076 = arith.constant 2 : i32
    %get3A_2077 = arith.index_cast %get3A_2076 : i32 to index
    %get3A_2078 = arith.constant 112 : index
    %get3A_2079 = tpu.vector_load %arg10[%get3A_2077, %get3A_2078] {strides = array<i32>} : memref<4x128xf32, #tpu.memory_space<vmem>>, vector<1x16xf32>,
    %get3A_2080 = vector.shape_cast %get3A_2079 : vector<1x16xf32> to vector<16xf32>
    %sub3A_2081 = arith.subf %get3A_2075, %get3A_2080 : vector<16xf32>
    %mul3A_2082 = arith.mulf %sub3A_2081, %sub3A_2081 : vector<16xf32>
    %get3A_2083 = arith.constant 2 : i32
    %get3A_2084 = arith.index_cast %get3A_2083 : i32 to index
    %get3A_2085 = arith.constant 112 : index
    %get3A_2086 = tpu.vector_load %arg11[%get3A_2084, %get3A_2085] {strides = array<i32>} : memref<4x128xf32, #tpu.memory_space<vmem>>, vector<1x16xf32>,
    %get3A_2087 = vector.shape_cast %get3A_2086 : vector<1x16xf32> to vector<16xf32>
    %mul3A_2088 = arith.mulf %mul3A_2082, %get3A_2087 : vector<16xf32>
    %add3A_2089 = arith.addf %add3A_2070, %mul3A_2088 : vector<16xf32>
    %get3A_2090 = arith.constant 7 : i32
    %get3A_2091 = arith.index_cast %get3A_2090 : i32 to index
    %get3A_2092 = arith.constant 0 : index
    %get3A_2093 = tpu.vector_load %arg9[%get3A_2091, %get3A_2092] {strides = array<i32>} : memref<8x128xf32, #tpu.memory_space<vmem>>, vector<1x16xf32>,
    %get3A_2094 = vector.shape_cast %get3A_2093 : vector<1x16xf32> to vector<16xf32>
    %get3A_2095 = arith.constant 3 : i32
    %get3A_2096 = arith.index_cast %get3A_2095 : i32 to index
    %get3A_2097 = arith.constant 0 : index
    %get3A_2098 = tpu.vector_load %arg10[%get3A_2096, %get3A_2097] {strides = array<i32>} : memref<4x128xf32, #tpu.memory_space<vmem>>, vector<1x16xf32>,
    %get3A_2099 = vector.shape_cast %get3A_2098 : vector<1x16xf32> to vector<16xf32>
    %sub3A_2100 = arith.subf %get3A_2094, %get3A_2099 : vector<16xf32>
    %mul3A_2101 = arith.mulf %sub3A_2100, %sub3A_2100 : vector<16xf32>
    %get3A_2102 = arith.constant 3 : i32
    %get3A_2103 = arith.index_cast %get3A_2102 : i32 to index
    %get3A_2104 = arith.constant 0 : index
    %get3A_2105 = tpu.vector_load %arg11[%get3A_2103, %get3A_2104] {strides = array<i32>} : memref<4x128xf32, #tpu.memory_space<vmem>>, vector<1x16xf32>,
    %get3A_2106 = vector.shape_cast %get3A_2105 : vector<1x16xf32> to vector<16xf32>
    %mul3A_2107 = arith.mulf %mul3A_2101, %get3A_2106 : vector<16xf32>
    %add3A_2108 = arith.addf %add3A_2089, %mul3A_2107 : vector<16xf32>
    %get3A_2109 = arith.constant 7 : i32
    %get3A_2110 = arith.index_cast %get3A_2109 : i32 to index
    %get3A_2111 = arith.constant 16 : index
    %get3A_2112 = tpu.vector_load %arg9[%get3A_2110, %get3A_2111] {strides = array<i32>} : memref<8x128xf32, #tpu.memory_space<vmem>>, vector<1x16xf32>,
    %get3A_2113 = vector.shape_cast %get3A_2112 : vector<1x16xf32> to vector<16xf32>
    %get3A_2114 = arith.constant 3 : i32
    %get3A_2115 = arith.index_cast %get3A_2114 : i32 to index
    %get3A_2116 = arith.constant 16 : index
    %get3A_2117 = tpu.vector_load %arg10[%get3A_2115, %get3A_2116] {strides = array<i32>} : memref<4x128xf32, #tpu.memory_space<vmem>>, vector<1x16xf32>,
    %get3A_2118 = vector.shape_cast %get3A_2117 : vector<1x16xf32> to vector<16xf32>
    %sub3A_2119 = arith.subf %get3A_2113, %get3A_2118 : vector<16xf32>
    %mul3A_2120 = arith.mulf %sub3A_2119, %sub3A_2119 : vector<16xf32>
    %get3A_2121 = arith.constant 3 : i32
    %get3A_2122 = arith.index_cast %get3A_2121 : i32 to index
    %get3A_2123 = arith.constant 16 : index
    %get3A_2124 = tpu.vector_load %arg11[%get3A_2122, %get3A_2123] {strides = array<i32>} : memref<4x128xf32, #tpu.memory_space<vmem>>, vector<1x16xf32>,
    %get3A_2125 = vector.shape_cast %get3A_2124 : vector<1x16xf32> to vector<16xf32>
    %mul3A_2126 = arith.mulf %mul3A_2120, %get3A_2125 : vector<16xf32>
    %add3A_2127 = arith.addf %add3A_2108, %mul3A_2126 : vector<16xf32>
    %get3A_2128 = arith.constant 7 : i32
    %get3A_2129 = arith.index_cast %get3A_2128 : i32 to index
    %get3A_2130 = arith.constant 32 : index
    %get3A_2131 = tpu.vector_load %arg9[%get3A_2129, %get3A_2130] {strides = array<i32>} : memref<8x128xf32, #tpu.memory_space<vmem>>, vector<1x16xf32>,
    %get3A_2132 = vector.shape_cast %get3A_2131 : vector<1x16xf32> to vector<16xf32>
    %get3A_2133 = arith.constant 3 : i32
    %get3A_2134 = arith.index_cast %get3A_2133 : i32 to index
    %get3A_2135 = arith.constant 32 : index
    %get3A_2136 = tpu.vector_load %arg10[%get3A_2134, %get3A_2135] {strides = array<i32>} : memref<4x128xf32, #tpu.memory_space<vmem>>, vector<1x16xf32>,
    %get3A_2137 = vector.shape_cast %get3A_2136 : vector<1x16xf32> to vector<16xf32>
    %sub3A_2138 = arith.subf %get3A_2132, %get3A_2137 : vector<16xf32>
    %mul3A_2139 = arith.mulf %sub3A_2138, %sub3A_2138 : vector<16xf32>
    %get3A_2140 = arith.constant 3 : i32
    %get3A_2141 = arith.index_cast %get3A_2140 : i32 to index
    %get3A_2142 = arith.constant 32 : index
    %get3A_2143 = tpu.vector_load %arg11[%get3A_2141, %get3A_2142] {strides = array<i32>} : memref<4x128xf32, #tpu.memory_space<vmem>>, vector<1x16xf32>,
    %get3A_2144 = vector.shape_cast %get3A_2143 : vector<1x16xf32> to vector<16xf32>
    %mul3A_2145 = arith.mulf %mul3A_2139, %get3A_2144 : vector<16xf32>
    %add3A_2146 = arith.addf %add3A_2127, %mul3A_2145 : vector<16xf32>
    %get3A_2147 = arith.constant 7 : i32
    %get3A_2148 = arith.index_cast %get3A_2147 : i32 to index
    %get3A_2149 = arith.constant 48 : index
    %get3A_2150 = tpu.vector_load %arg9[%get3A_2148, %get3A_2149] {strides = array<i32>} : memref<8x128xf32, #tpu.memory_space<vmem>>, vector<1x16xf32>,
    %get3A_2151 = vector.shape_cast %get3A_2150 : vector<1x16xf32> to vector<16xf32>
    %get3A_2152 = arith.constant 3 : i32
    %get3A_2153 = arith.index_cast %get3A_2152 : i32 to index
    %get3A_2154 = arith.constant 48 : index
    %get3A_2155 = tpu.vector_load %arg10[%get3A_2153, %get3A_2154] {strides = array<i32>} : memref<4x128xf32, #tpu.memory_space<vmem>>, vector<1x16xf32>,
    %get3A_2156 = vector.shape_cast %get3A_2155 : vector<1x16xf32> to vector<16xf32>
    %sub3A_2157 = arith.subf %get3A_2151, %get3A_2156 : vector<16xf32>
    %mul3A_2158 = arith.mulf %sub3A_2157, %sub3A_2157 : vector<16xf32>
    %get3A_2159 = arith.constant 3 : i32
    %get3A_2160 = arith.index_cast %get3A_2159 : i32 to index
    %get3A_2161 = arith.constant 48 : index
    %get3A_2162 = tpu.vector_load %arg11[%get3A_2160, %get3A_2161] {strides = array<i32>} : memref<4x128xf32, #tpu.memory_space<vmem>>, vector<1x16xf32>,
    %get3A_2163 = vector.shape_cast %get3A_2162 : vector<1x16xf32> to vector<16xf32>
    %mul3A_2164 = arith.mulf %mul3A_2158, %get3A_2163 : vector<16xf32>
    %add3A_2165 = arith.addf %add3A_2146, %mul3A_2164 : vector<16xf32>
    %get3A_2166 = arith.constant 7 : i32
    %get3A_2167 = arith.index_cast %get3A_2166 : i32 to index
    %get3A_2168 = arith.constant 64 : index
    %get3A_2169 = tpu.vector_load %arg9[%get3A_2167, %get3A_2168] {strides = array<i32>} : memref<8x128xf32, #tpu.memory_space<vmem>>, vector<1x16xf32>,
    %get3A_2170 = vector.shape_cast %get3A_2169 : vector<1x16xf32> to vector<16xf32>
    %get3A_2171 = arith.constant 3 : i32
    %get3A_2172 = arith.index_cast %get3A_2171 : i32 to index
    %get3A_2173 = arith.constant 64 : index
    %get3A_2174 = tpu.vector_load %arg10[%get3A_2172, %get3A_2173] {strides = array<i32>} : memref<4x128xf32, #tpu.memory_space<vmem>>, vector<1x16xf32>,
    %get3A_2175 = vector.shape_cast %get3A_2174 : vector<1x16xf32> to vector<16xf32>
    %sub3A_2176 = arith.subf %get3A_2170, %get3A_2175 : vector<16xf32>
    %mul3A_2177 = arith.mulf %sub3A_2176, %sub3A_2176 : vector<16xf32>
    %get3A_2178 = arith.constant 3 : i32
    %get3A_2179 = arith.index_cast %get3A_2178 : i32 to index
    %get3A_2180 = arith.constant 64 : index
    %get3A_2181 = tpu.vector_load %arg11[%get3A_2179, %get3A_2180] {strides = array<i32>} : memref<4x128xf32, #tpu.memory_space<vmem>>, vector<1x16xf32>,
    %get3A_2182 = vector.shape_cast %get3A_2181 : vector<1x16xf32> to vector<16xf32>
    %mul3A_2183 = arith.mulf %mul3A_2177, %get3A_2182 : vector<16xf32>
    %add3A_2184 = arith.addf %add3A_2165, %mul3A_2183 : vector<16xf32>
    %get3A_2185 = arith.constant 7 : i32
    %get3A_2186 = arith.index_cast %get3A_2185 : i32 to index
    %get3A_2187 = arith.constant 80 : index
    %get3A_2188 = tpu.vector_load %arg9[%get3A_2186, %get3A_2187] {strides = array<i32>} : memref<8x128xf32, #tpu.memory_space<vmem>>, vector<1x16xf32>,
    %get3A_2189 = vector.shape_cast %get3A_2188 : vector<1x16xf32> to vector<16xf32>
    %get3A_2190 = arith.constant 3 : i32
    %get3A_2191 = arith.index_cast %get3A_2190 : i32 to index
    %get3A_2192 = arith.constant 80 : index
    %get3A_2193 = tpu.vector_load %arg10[%get3A_2191, %get3A_2192] {strides = array<i32>} : memref<4x128xf32, #tpu.memory_space<vmem>>, vector<1x16xf32>,
    %get3A_2194 = vector.shape_cast %get3A_2193 : vector<1x16xf32> to vector<16xf32>
    %sub3A_2195 = arith.subf %get3A_2189, %get3A_2194 : vector<16xf32>
    %mul3A_2196 = arith.mulf %sub3A_2195, %sub3A_2195 : vector<16xf32>
    %get3A_2197 = arith.constant 3 : i32
    %get3A_2198 = arith.index_cast %get3A_2197 : i32 to index
    %get3A_2199 = arith.constant 80 : index
    %get3A_2200 = tpu.vector_load %arg11[%get3A_2198, %get3A_2199] {strides = array<i32>} : memref<4x128xf32, #tpu.memory_space<vmem>>, vector<1x16xf32>,
    %get3A_2201 = vector.shape_cast %get3A_2200 : vector<1x16xf32> to vector<16xf32>
    %mul3A_2202 = arith.mulf %mul3A_2196, %get3A_2201 : vector<16xf32>
    %add3A_2203 = arith.addf %add3A_2184, %mul3A_2202 : vector<16xf32>
    %get3A_2204 = arith.constant 7 : i32
    %get3A_2205 = arith.index_cast %get3A_2204 : i32 to index
    %get3A_2206 = arith.constant 96 : index
    %get3A_2207 = tpu.vector_load %arg9[%get3A_2205, %get3A_2206] {strides = array<i32>} : memref<8x128xf32, #tpu.memory_space<vmem>>, vector<1x16xf32>,
    %get3A_2208 = vector.shape_cast %get3A_2207 : vector<1x16xf32> to vector<16xf32>
    %get3A_2209 = arith.constant 3 : i32
    %get3A_2210 = arith.index_cast %get3A_2209 : i32 to index
    %get3A_2211 = arith.constant 96 : index
    %get3A_2212 = tpu.vector_load %arg10[%get3A_2210, %get3A_2211] {strides = array<i32>} : memref<4x128xf32, #tpu.memory_space<vmem>>, vector<1x16xf32>,
    %get3A_2213 = vector.shape_cast %get3A_2212 : vector<1x16xf32> to vector<16xf32>
    %sub3A_2214 = arith.subf %get3A_2208, %get3A_2213 : vector<16xf32>
    %mul3A_2215 = arith.mulf %sub3A_2214, %sub3A_2214 : vector<16xf32>
    %get3A_2216 = arith.constant 3 : i32
    %get3A_2217 = arith.index_cast %get3A_2216 : i32 to index
    %get3A_2218 = arith.constant 96 : index
    %get3A_2219 = tpu.vector_load %arg11[%get3A_2217, %get3A_2218] {strides = array<i32>} : memref<4x128xf32, #tpu.memory_space<vmem>>, vector<1x16xf32>,
    %get3A_2220 = vector.shape_cast %get3A_2219 : vector<1x16xf32> to vector<16xf32>
    %mul3A_2221 = arith.mulf %mul3A_2215, %get3A_2220 : vector<16xf32>
    %add3A_2222 = arith.addf %add3A_2203, %mul3A_2221 : vector<16xf32>
    %get3A_2223 = arith.constant 7 : i32
    %get3A_2224 = arith.index_cast %get3A_2223 : i32 to index
    %get3A_2225 = arith.constant 112 : index
    %get3A_2226 = tpu.vector_load %arg9[%get3A_2224, %get3A_2225] {strides = array<i32>} : memref<8x128xf32, #tpu.memory_space<vmem>>, vector<1x16xf32>,
    %get3A_2227 = vector.shape_cast %get3A_2226 : vector<1x16xf32> to vector<16xf32>
    %get3A_2228 = arith.constant 3 : i32
    %get3A_2229 = arith.index_cast %get3A_2228 : i32 to index
    %get3A_2230 = arith.constant 112 : index
    %get3A_2231 = tpu.vector_load %arg10[%get3A_2229, %get3A_2230] {strides = array<i32>} : memref<4x128xf32, #tpu.memory_space<vmem>>, vector<1x16xf32>,
    %get3A_2232 = vector.shape_cast %get3A_2231 : vector<1x16xf32> to vector<16xf32>
    %sub3A_2233 = arith.subf %get3A_2227, %get3A_2232 : vector<16xf32>
    %mul3A_2234 = arith.mulf %sub3A_2233, %sub3A_2233 : vector<16xf32>
    %get3A_2235 = arith.constant 3 : i32
    %get3A_2236 = arith.index_cast %get3A_2235 : i32 to index
    %get3A_2237 = arith.constant 112 : index
    %get3A_2238 = tpu.vector_load %arg11[%get3A_2236, %get3A_2237] {strides = array<i32>} : memref<4x128xf32, #tpu.memory_space<vmem>>, vector<1x16xf32>,
    %get3A_2239 = vector.shape_cast %get3A_2238 : vector<1x16xf32> to vector<16xf32>
    %mul3A_2240 = arith.mulf %mul3A_2234, %get3A_2239 : vector<16xf32>
    %add3A_2241 = arith.addf %add3A_2222, %mul3A_2240 : vector<16xf32>
    %swap3A_2242 = arith.constant 0 : index
    %swap3A_2243 = tpu.vector_load %arg12[%swap3A_2242] {strides = array<i32>} : memref<16xf32, #tpu.memory_space<vmem>>, vector<16xf32>,
    %swap3A_2244 = vector.shape_cast %swap3A_2243 : vector<16xf32> to vector<16xf32>
    %swap3A_2245 = vector.shape_cast %add3A_2241 : vector<16xf32> to vector<16xf32>
    tpu.vector_store %arg12[%swap3A_2242], %swap3A_2245 {strides = array<i32>} : memref<16xf32, #tpu.memory_space<vmem>>, vector<16xf32>,
    "tpu.region"() ({
      %run_scoped3A = tpu.sem_alloc : memref<!tpu.dma_semaphore, #tpu.memory_space<semaphore_mem>>
      %dma_start3A_2246 = arith.constant 0 : i32
      %dma_start3A_2247 = tpu.memref_slice %arg6[%add3A, %dma_start3A_2246] : memref<32x16xf32, #tpu.memory_space<hbm>> -> memref<1x16xf32, #tpu.memory_space<hbm>>
      %dma_start3A_2248 = tpu.memref_squeeze %dma_start3A_2247 : memref<1x16xf32, #tpu.memory_space<hbm>> -> memref<16xf32, #tpu.memory_space<hbm>>
      %dma_start3A_2249 = arith.constant 0 : i32
      %dma_start3A_2250 = tpu.memref_slice %arg6[%add3A, %dma_start3A_2249] : memref<32x16xf32, #tpu.memory_space<hbm>> -> memref<1x16xf32, #tpu.memory_space<hbm>>
      %dma_start3A_2251 = tpu.memref_squeeze %dma_start3A_2250 : memref<1x16xf32, #tpu.memory_space<hbm>> -> memref<16xf32, #tpu.memory_space<hbm>>
      tpu.enqueue_dma source(%arg12 : memref<16xf32, #tpu.memory_space<vmem>>) target(%dma_start3A_2251 : memref<16xf32, #tpu.memory_space<hbm>>) target_semaphore(%run_scoped3A : memref<!tpu.dma_semaphore, #tpu.memory_space<semaphore_mem>>)
      %dma_wait3A_2252 = arith.constant 0 : i32
      %dma_wait3A_2253 = tpu.memref_slice %arg6[%add3A, %dma_wait3A_2252] : memref<32x16xf32, #tpu.memory_space<hbm>> -> memref<1x16xf32, #tpu.memory_space<hbm>>
      %dma_wait3A_2254 = tpu.memref_squeeze %dma_wait3A_2253 : memref<1x16xf32, #tpu.memory_space<hbm>> -> memref<16xf32, #tpu.memory_space<hbm>>
      %dma_wait3A_2255 = arith.constant 0 : i32
      %dma_wait3A_2256 = tpu.memref_slice %arg6[%add3A, %dma_wait3A_2255] : memref<32x16xf32, #tpu.memory_space<hbm>> -> memref<1x16xf32, #tpu.memory_space<hbm>>
      %dma_wait3A_2257 = tpu.memref_squeeze %dma_wait3A_2256 : memref<1x16xf32, #tpu.memory_space<hbm>> -> memref<16xf32, #tpu.memory_space<hbm>>
      tpu.wait_dma2 semaphore(%run_scoped3A : memref<!tpu.dma_semaphore, #tpu.memory_space<semaphore_mem>>) src(%arg12 : memref<16xf32, #tpu.memory_space<vmem>>) dst(%dma_wait3A_2257 : memref<16xf32, #tpu.memory_space<hbm>>)
      tpu.yield
    }) : () -> ()
    return
  }
}

module attributes {stable_mosaic.version = 14 : i64} {
  func.func @_det_body(%arg0: i32, %arg1: memref<2x4x17x128x128xf32, #tpu.memory_space<vmem>>, %arg2: memref<2x17x128x128xf32, #tpu.memory_space<vmem>>, %arg3: memref<2x128x128xf32, #tpu.memory_space<vmem>>, %arg4: memref<1x1xf32, #tpu.memory_space<smem>>) attributes {dimension_semantics = [#tpu.dimension_semantics<arbitrary>], iteration_bounds = array<i64: 8>, scalar_prefetch = 0 : i64, scratch_operands = 0 : i64, tpu.core_type = #tpu.core_type<tc>, window_params = [{transform_indices = @transform_0, window_bounds = array<i64: 2, 4, 17, 128, 128>}, {transform_indices = @transform_1, window_bounds = array<i64: 2, 17, 128, 128>}, {transform_indices = @transform_2, window_bounds = array<i64: 2, 128, 128>}, {transform_indices = @transform_3, window_bounds = array<i64: 1, 1>}]} {
    %get3A = arith.constant 0 : index
    %get3A_0 = arith.constant 0 : index
    %get3A_1 = arith.constant 0 : index
    %get3A_2 = arith.constant 0 : index
    %get3A_3 = arith.constant 0 : index
    %get3A_4 = vector.load %arg1[%get3A, %get3A_0, %get3A_1, %get3A_2, %get3A_3] : memref<2x4x17x128x128xf32, #tpu.memory_space<vmem>>, vector<2x4x17x128x128xf32>
    %get3A_5 = arith.constant 0 : index
    %get3A_6 = arith.constant 0 : index
    %get3A_7 = arith.constant 0 : index
    %get3A_8 = arith.constant 0 : index
    %get3A_9 = vector.load %arg2[%get3A_5, %get3A_6, %get3A_7, %get3A_8] : memref<2x17x128x128xf32, #tpu.memory_space<vmem>>, vector<2x17x128x128xf32>
    %get3A_10 = arith.constant 0 : index
    %get3A_11 = arith.constant 0 : index
    %get3A_12 = arith.constant 0 : index
    %get3A_13 = vector.load %arg3[%get3A_10, %get3A_11, %get3A_12] : memref<2x128x128xf32, #tpu.memory_space<vmem>>, vector<2x128x128xf32>
    %broadcast_in_dim3A = vector.shape_cast %get3A_9 : vector<2x17x128x128xf32> to vector<2x1x17x128x128xf32>
    %sub3A = vector.broadcast %broadcast_in_dim3A : vector<2x1x17x128x128xf32> to vector<2x4x17x128x128xf32>
    %sub3A_14 = arith.subf %get3A_4, %sub3A : vector<2x4x17x128x128xf32>
    %integer_pow3A = arith.mulf %sub3A_14, %sub3A_14 : vector<2x4x17x128x128xf32>
    %broadcast_in_dim3A_15 = vector.shape_cast %get3A_13 : vector<2x128x128xf32> to vector<2x1x1x128x128xf32>
    %mul3A = vector.broadcast %broadcast_in_dim3A_15 : vector<2x1x1x128x128xf32> to vector<2x4x17x128x128xf32>
    %mul3A_16 = arith.mulf %integer_pow3A, %mul3A : vector<2x4x17x128x128xf32>
    %reduce_sum3A = vector.shape_cast %mul3A_16 : vector<2x4x17x128x128xf32> to vector<1x2x4x17x128x128xf32>
    %reduce_sum3A_17 = arith.constant dense<0.000000e+00> : vector<1xf32>
    %reduce_sum3A_18 = vector.multi_reduction <add>, %reduce_sum3A, %reduce_sum3A_17 [1, 2, 3, 4, 5] : vector<1x2x4x17x128x128xf32> to vector<1xf32>
    %reduce_sum3A_19 = vector.shape_cast %reduce_sum3A_18 : vector<1xf32> to vector<1x1x1x1x1x1xf32>
    %reduce_sum3A_20 = vector.extract %reduce_sum3A_19[0, 0, 0, 0, 0, 0] : f32 from vector<1x1x1x1x1x1xf32>
    %eq3A = arith.constant 0 : i32
    %eq3A_21 = arith.cmpi eq, %arg0, %eq3A : i32
    %convert_element_type3A = arith.extui %eq3A_21 : i1 to i32
    %cond3A = arith.constant 0 : i32
    %cond3A_22 = arith.cmpi ne, %convert_element_type3A, %cond3A : i32
    scf.if %cond3A_22 {
      %swap3A_30 = arith.constant 0.000000e+00 : f32
      %swap3A_31 = arith.constant 0 : index
      %swap3A_32 = arith.constant 0 : index
      %swap3A_33 = memref.load %arg4[%swap3A_31, %swap3A_32] : memref<1x1xf32, #tpu.memory_space<smem>>
      memref.store %swap3A_30, %arg4[%swap3A_31, %swap3A_32] : memref<1x1xf32, #tpu.memory_space<smem>>
    } else {
    }
    %get3A_23 = arith.constant 0 : index
    %get3A_24 = arith.constant 0 : index
    %get3A_25 = memref.load %arg4[%get3A_23, %get3A_24] : memref<1x1xf32, #tpu.memory_space<smem>>
    %mul3A_26 = arith.constant 5.60984894E-8 : f32
    %mul3A_27 = arith.mulf %reduce_sum3A_20, %mul3A_26 : f32
    %add3A = arith.addf %get3A_25, %mul3A_27 : f32
    %swap3A = arith.constant 0 : index
    %swap3A_28 = arith.constant 0 : index
    %swap3A_29 = memref.load %arg4[%swap3A, %swap3A_28] : memref<1x1xf32, #tpu.memory_space<smem>>
    memref.store %add3A, %arg4[%swap3A, %swap3A_28] : memref<1x1xf32, #tpu.memory_space<smem>>
    return
  }
  func.func @transform_0(%arg0: i32) -> (i32, i32, i32, i32, i32) {
    %c0_i32 = arith.constant 0 : i32
    %c0_i32_0 = arith.constant 0 : i32
    %c0_i32_1 = arith.constant 0 : i32
    %c0_i32_2 = arith.constant 0 : i32
    %c0_i32_3 = arith.constant 0 : i32
    return %arg0, %c0_i32, %c0_i32_0, %c0_i32_1, %c0_i32_2 : i32, i32, i32, i32, i32
  }
  func.func @transform_1(%arg0: i32) -> (i32, i32, i32, i32) {
    %c0_i32 = arith.constant 0 : i32
    %c0_i32_0 = arith.constant 0 : i32
    %c0_i32_1 = arith.constant 0 : i32
    %c0_i32_2 = arith.constant 0 : i32
    return %arg0, %c0_i32, %c0_i32_0, %c0_i32_1 : i32, i32, i32, i32
  }
  func.func @transform_2(%arg0: i32) -> (i32, i32, i32) {
    %c0_i32 = arith.constant 0 : i32
    %c0_i32_0 = arith.constant 0 : i32
    %c0_i32_1 = arith.constant 0 : i32
    return %arg0, %c0_i32, %c0_i32_0 : i32, i32, i32
  }
  func.func @transform_3(%arg0: i32) -> (i32, i32) {
    %c0_i32 = arith.constant 0 : i32
    %c0_i32_0 = arith.constant 0 : i32
    %c0_i32_1 = arith.constant 0 : i32
    return %c0_i32, %c0_i32_0 : i32, i32
  }
}

</mosaic_0001>

<sc_bundles>
// kernel: kernel.4.cloned.1.call-start
scs
__scs_entry_jumppad:
0x0: {  	(pc) =	sbr.rel $0x88, $3  }
0x1: {  	(tag) =	ssettag $0x0;
	lr =	simm.s32 $0x1  }
0x2: {  	[smem:$0x3F9C] =	sst lr;
	_ =	strace $0xD0000000  }
0x3: {  	_ = 	snop  }
0x4: {  	_ = 	snop  }
0x5: {  	_ = 	snop  }
0x6: {  	_ = 	snop  }
0x7: {  	_ = 	snop  }
__scs_overlays_trampoline_lowered:
0x8: {  	[smem:$0x3FAB] =	sst s0  }
0x9: {  	[smem:$0x3FAC] =	sst s1  }
0xa: {  	[smem:$0x3FAD] =	sst s2  }
0xb: {  	[smem:$0x3FAE] =	sst s3  }
0xc: {  	[smem:$0x3FAF] =	sst s4  }
0xd: {  	[smem:$0x3FB0] =	sst s5  }
0xe: {  	[smem:$0x3FB1] =	sst s6  }
0xf: {  	[smem:$0x3FB2] =	sst s7  }
0x10: {  	[smem:$0x3FB3] =	sst s8  }
0x11: {  	[smem:$0x3FB4] =	sst s9;
	s0 =	simm.s32 @!p0 $0x0  }
0x12: {  	s1 =	sld [smem:$0x3F9A];
	s0 =	simm.s32 @p0 $0x1  }
0x13: {  	[smem:$0x3FB5] =	sst s0;
	s0 =	simm.s32 @!p1 $0x0  }
0x14: {  	s2 =	sld [smem:$0x3F99];
	s0 =	simm.s32 @p1 $0x1  }
0x15: {  	[smem:$0x3FB6] =	sst s0;
	s0 =	simm.s32 @!p2 $0x0  }
0x16: {  	s3 =	sld [smem:$0x3FDB];
	s0 =	simm.s32 @p2 $0x1  }
0x17: {  	s4 =	simm.s32 $0x1BF5;
	[smem:$0x3FB8] =	sst s0  }
0x18: {  	s0 =	sld [smem:$0x3F9B];
	_ =	swait.ge [sflag:s4], $0x0  }
0x19: {  	s7 =	sld [smem:$0x3F9C]  }
0x1a: {  	s8 =	sadd.s32 $0xFFFFE003, lr  }
0x1b: {  	s9 =	sadd.s32 $0xFFFFFEF7, lr;
	s5 =	simm.s32 $0xFFFFFFFF;
	p2 =	slt.u32 s8, $0xFFFFF086  }
0x1c: {  	p1 =	slt.u32 s9, $0xF7A;
	s5 =	simm.s32 @!p2 $0x0  }
0x1d: {  	s5 =	simm.s32 @p1 $0x1;
	p0 =	seq.s32 s7, s2  }
0x1e: {  	s7 =	smul.u32 @!p0 $0xF7A, s2;
	p2 =	seq.s32 @!p0 s5, $0x0  }
0x1f: {  	s9 =	smul.u32 $0xF7A, s1;
	s8 =	simm.s32 @!p0 $0x1BF5;
	p2 =	por !p2, p0  }
0x20: {  	[sflag:s8] =	ssyncset.s32 @!p0 $0xFFFFF086;
	s6 =	sadd.s32 @!p0 s3, s7;
	s7 =	simm.s32 @!p0 $0x108  }
0x21: {  	s3 =	sadd.s32 s3, s9;
	s6 =	sadd.s32 @!p0 $0x88, s6;
	s7 =	simm.s32 @p2 $0x1082  }
0x22: {  	[simem:s7], [sflag:s8] =	dma.local @!p0 [hbm:s6], $0xF7A  }
0x23: {  	s9 =	sor.u32 $0xD0000000, s2;
	s6 =	simm.s32 $0x108;
	_ =	swait.ge @!p0 [sflag:s8], $0x0  }
0x24: {  	s3 =	sadd.s32 $0x88, s3;
	s6 =	simm.s32 @!p1 $0x1082;
	[sflag:s4] =	ssyncset.s32 $0xFFFFF086  }
0x25: {  	[simem:s6], [sflag:s4] =	dma.local [hbm:s3], $0xF7A  }
0x26: {  	[smem:$0x3F9C] =	sst s1;
	(tag) =	ssettag s2;
	_ =	strace s9  }
0x27: {  	s1 =	sld [smem:$0x3FAC]  }
0x28: {  	s2 =	sld [smem:$0x3FAD]  }
0x29: {  	s4 =	sld [smem:$0x3FAF]  }
0x2a: {  	p0 =	seq.s32 s5, $0x0;
	s5 =	sld [smem:$0x3FB0]  }
0x2b: {  	s6 =	sld [smem:$0x3FB1]  }
0x2c: {  	s7 =	sld [smem:$0x3FB2]  }
0x2d: {  	s3 =	simm.s32 $0x108;
	s8 =	sld [smem:$0x3FB3]  }
0x2e: {  	s3 =	simm.s32 @!p0 $0x1082;
	s9 =	sld [smem:$0x3FB4]  }
0x2f: {  	lr =	sadd.s32 s0, s3;
	s0 =	sld [smem:$0x3FAB]  }
0x30: {  	s3 =	sld [smem:$0x3FAE]  }
0x31: {  	[smem:$0x3FB7] =	sst s10  }
0x32: {  	s10 =	sld [smem:$0x3FB5];
	_ =	sdelay $0x3  }
0x33: {  	p0 =	seq.s32 s10, $0x1;
	s10 =	sld [smem:$0x3FB7];
	_ =	sdelay $0x3  }
0x34: {  	[smem:$0x3FB7] =	sst s10  }
0x35: {  	s10 =	sld [smem:$0x3FB6];
	_ =	sdelay $0x3  }
0x36: {  	p1 =	seq.s32 s10, $0x1;
	s10 =	sld [smem:$0x3FB7];
	_ =	sdelay $0x3  }
0x37: {  	[smem:$0x3FB7] =	sst s10  }
0x38: {  	s10 =	sld [smem:$0x3FB8]  }
0x39: {  	_ = 	snop;
	(pc) =	sbr.ind lr, $3  }
0x3a: {  	_ = 	snop  }
0x3b: {  	_ = 	snop  }
0x3c: {  	p2 =	seq.s32 s10, $0x1;
	s10 =	sld [smem:$0x3FB7]  }
0x3d: {  	_ =	shalt  }
0x3e: {  	_ =	shalt  }
0x3f: {  	_ =	shalt  }
0x40: {  	_ =	shalt  }
0x41: {  	_ =	shalt  }
0x42: {  	_ =	shalt  }
0x43: {  	_ =	shalt  }
0x44: {  	_ =	shalt  }
0x45: {  	_ =	shalt  }
0x46: {  	_ =	shalt  }
0x47: {  	_ =	shalt  }
0x48: {  	_ =	shalt  }
0x49: {  	_ =	shalt  }
0x4a: {  	_ =	shalt  }
0x4b: {  	_ =	shalt  }
0x4c: {  	_ =	shalt  }
0x4d: {  	_ =	shalt  }
0x4e: {  	_ =	shalt  }
0x4f: {  	_ =	shalt  }
0x50: {  	_ =	shalt  }
0x51: {  	_ =	shalt  }
0x52: {  	_ =	shalt  }
0x53: {  	_ =	shalt  }
0x54: {  	_ =	shalt  }
0x55: {  	_ =	shalt  }
0x56: {  	_ =	shalt  }
0x57: {  	_ =	shalt  }
0x58: {  	_ =	shalt  }
0x59: {  	_ =	shalt  }
0x5a: {  	_ =	shalt  }
0x5b: {  	_ =	shalt  }
0x5c: {  	_ =	shalt  }
0x5d: {  	_ =	shalt  }
0x5e: {  	_ =	shalt  }
0x5f: {  	_ =	shalt  }
0x60: {  	_ =	shalt  }
0x61: {  	_ =	shalt  }
0x62: {  	_ =	shalt  }
0x63: {  	_ =	shalt  }
0x64: {  	_ =	shalt  }
0x65: {  	_ =	shalt  }
0x66: {  	_ =	shalt  }
0x67: {  	_ =	shalt  }
0x68: {  	_ =	shalt  }
0x69: {  	_ =	shalt  }
0x6a: {  	_ =	shalt  }
0x6b: {  	_ =	shalt  }
0x6c: {  	_ =	shalt  }
0x6d: {  	_ =	shalt  }
0x6e: {  	_ =	shalt  }
0x6f: {  	_ =	shalt  }
0x70: {  	_ =	shalt  }
0x71: {  	_ =	shalt  }
0x72: {  	_ =	shalt  }
0x73: {  	_ =	shalt  }
0x74: {  	_ =	shalt  }
0x75: {  	_ =	shalt  }
0x76: {  	_ =	shalt  }
0x77: {  	_ =	shalt  }
0x78: {  	_ =	shalt  }
0x79: {  	_ =	shalt  }
0x7a: {  	_ =	shalt  }
0x7b: {  	_ =	shalt  }
0x7c: {  	_ =	shalt  }
0x7d: {  	_ =	shalt  }
0x7e: {  	_ =	shalt  }
0x7f: {  	_ =	shalt  }
0x80: {  	_ =	shalt  }
0x81: {  	_ =	shalt  }
0x82: {  	_ =	shalt  }
0x83: {  	_ =	shalt  }
0x84: {  	_ =	shalt  }
0x85: {  	_ =	shalt  }
0x86: {  	_ =	shalt  }
0x87: {  	_ =	shalt  }
.Lfunc_end0:
.L_simem_size_0:
called_computation_lowered:
.L_overlay_start_0:
0x88: {  	s2 =	sld [smem:$0x3FD9]  }
0x89: {  	s3 =	sld [smem:$0x3FFE];
	_ =	sdelay $0x1  }
0x8a: {  	s1 =	srdreg.scid  }
0x8b: {  	s0 =	sand.u32 $0x1, s1  }
0x8c: {  	s17 =	sshll.u32 s0, $0xA;
	s2 =	sadd.s32 s3, s2  }
0x8d: {  	s2 =	sadd.s32 s2, s17  }
0x8e: {  	[smem:$0x3FC3] =	sst s2  }
0x8f: {  	_ = 	snop  }
0x90: {  	s2 =	sld [smem:$0x3FC9];
	(tm) =	ssettm $0x1  }
0x91: {  	s18 =	sld [smem:$0x3FFB];
	_ =	sdelay $0x3  }
0x92: {  	_ =	strace s18  }
0x93: {  	s3 =	sld [smem:$0x3FFC];
	_ =	sdelay $0x3  }
0x94: {  	_ =	strace s3  }
0x95: {  	s3 =	sld [smem:$0x3FFD];
	_ =	sdelay $0x3  }
0x96: {  	_ =	strace s3  }
0x97: {  	_ =	strace $0x8FFFFFFF  }
0x98: {  	s19 =	sld [smem:$0x3FDB];
	_ =	sdelay $0x1  }
0x99: {  	s4 =	simm.s32 $_scs_section_size  }
0x9a: {  	s5 =	simm.s32 $_size__tile_overlayer_lowered;
	s6 =	simm.s32 $_tile_overlayer_lowered  }
0x9b: {  	s22 =	simm.s32 $0x1BFF;
	s21 =	sshll.u32 s6, $0x1;
	s3 =	sadd.s32 s4, s19  }
0x9c: {  	s7 =	simm.s32 $0x0;
	s20 =	sshll.u32 s5, $0x1;
	s5 =	sadd.s32 s21, s3  }
0x9d: {  	[timem:s7], [sflag:s22] =	dma.local [hbm:s5], s20  }
0x9e: {  	_ =	swait.ge [sflag:s22], s20  }
0x9f: {  	s4 =	ssub.s32 $0x0, s20;
	[sflag:s22] =	ssyncset.done $0x0  }
0xa0: {  	[sflag:s22] =	ssyncadd.s32 s4;
	_ =	sdelay $0x1  }
0xa1: {  	s23 =	simm.s32 $0x1B8B  }
0xa2: {  	_ =	swait.ge [sflag:s23], $0x1  }
0xa3: {  	[sflag:s23] =	ssyncset.done $0x0  }
0xa4: {  	s25 =	simm.s32 $0x1B8E;
	s24 =	sld [smem:$0x3FFE];
	[sflag:s23] =	ssyncadd.s32 $0xFFFFFFFF  }
0xa5: {  	s26 =	simm.s32 $execute0_lowered;
	[smem:$0x3FD2] =	sst s25  }
0xa6: {  	s5 =	sshll.u32 s26, $0x1;
	_ =	strace $0x80000046;
	[dreg:$0x1] =	wrdreg $0xFFFFFFFF  }
0xa7: {  	s28 =	simm.s32 $_size_execute0_lowered;
	s3 =	sadd.s32 s3, s5;
	[dreg:$0x0] =	wrdreg $0x0  }
0xa8: {  	s5 =	sshll.u32 s28, $0x1;
	[dreg:$0x2] =	wrdreg s3  }
0xa9: {  	[dreg:$0x3] =	wrdreg s5  }
0xaa: {  	[dreg:$0x4] =	wrdreg $0xC0  }
0xab: {  	_ =	task [dreg:s7], $0x5FFFF  }
0xac: {  	[dreg:$0x1] =	wrdreg $0xFFFFFFFF  }
0xad: {  	[dreg:$0x0] =	wrdreg $0x60  }
0xae: {  	[dreg:$0x2] =	wrdreg s2  }
0xaf: {  	[dreg:$0x3] =	wrdreg s24  }
0xb0: {  	[dreg:$0x4] =	wrdreg $0x9  }
0xb1: {  	_ =	task.clear_ibuf [dreg:s7], $0x5FFFF;
	_ =	strace $0x90000046  }
0xb2: {  	s29 =	simm.s32 $0x9;
	_ =	strace $0x80000048  }
0xb3: {  	_ =	swait.ge [sflag:s29], $0x1  }
0xb4: {  	[sflag:s29] =	ssyncadd.s32 $0xFFFFFFFF  }
0xb5: {  	_ =	strace $0x90000048  }
0xb6: {  	_ =	sfence  }
0xb7: {  	s30 =	sld [smem:$0x0];
	_ =	sdelay $0x2  }
0xb8: {  	s31 =	sshll.u32 s1, $0xD;
	s1 =	sshrl.u32 s1, $0x2  }
0xb9: {  	s3 =	sand.u32 $0x4000, s31;
	s1 =	sadd.s32 s1, s30  }
0xba: {  	s0 =	sor.u32 s3, s0;
	s1 =	sshll.u32 s1, $0x11  }
0xbb: {  	s0 =	sor.u32 s1, s0  }
0xbc: {  	s0 =	sadd.s32 $0x8F2B, s0  }
0xbd: {  	[sflag:s0] =	ssyncadd.remote.s32 $0x1  }
0xbe: {  	_ =	sfence.sel $0xFFFF  }
0xbf: {  	[dreg:$0x0] =	wrdreg $0xFFFFFFFF;
	(pc) =	sbr.abs _section_cstart, $3  }
0xc0: {  	[dreg:$0x1] =	wrdreg $0xFFFFFFFF  }
0xc1: {  	_ =	task.clear_ibuf [dreg:s7], $0x2FFFF;
	_ =	strace $0x9FFFFFFF  }
0xc2: {  	(tm) =	ssettm $0x7FFFFFFF  }
0xc3: {  	_ =	shalt  }
tec
execute0_lowered:
.L_overlay_start_1:
0x0: {  	(tag) =	ssettag $0x1  }
0x1: {  	s1 =	srdreg.scid;
	s2 =	rddreg [dreg:$0x0]  }
0x2: {  	s0 =	stileid.u32;
	s4 =	simm.s32 $0x1;
	s7 =	rddreg [dreg:$0x1]  }
0x3: {  	s3 =	simm.s32 $0x0;
	s12 =	simm.s32 $0xC00;
	s13 =	simm.s32 $0x80  }
0x4: {  	s14 =	simm.s32 $0x200;
	s15 =	simm.s32 $0x600;
	s16 =	simm.s32 $0x280  }
0x5: {  	s17 =	simm.s32 $0x680;
	s18 =	simm.s32 $0x300;
	s19 =	simm.s32 $0x700  }
0x6: {  	s20 =	simm.s32 $0x380;
	s21 =	simm.s32 $0x780;
	s22 =	simm.s32 $0x400  }
0x7: {  	s23 =	simm.s32 $0x800;
	s24 =	simm.s32 $0x480;
	s25 =	simm.s32 $0x880  }
0x8: {  	s28 =	simm.s32 $0x900;
	s5 =	sand.u32 $0x1, s1;
	s26 =	sshll.u32 s0, $0x1  }
0x9: {  	s31 =	simm.s32 $0xE00;
	s1 =	rddreg [dreg:$0x2];
	s6 =	sor.u32 s5, s26  }
0xa: {  	[smem:$0x7FF] =	sst s3;
	p1 =	seq.s32 s5, $0x1;
	p0 =	seq.s32 s6, $0x0  }
0xb: {  	_ =	strace $0x80000047;
	s5 =	ssub.s32 $0x2, s5;
	p0 =	por !p0, !p1  }
0xc: {  	s26 =	simm.s32 $0x500;
	s9 =	sshll.u32 s6, $0x4;
	p0 =	por !p0, !p0  }
0xd: {  	s10 =	sshrl.u32 s5, $0x1;
	s11 =	smul.u32 $0x110000, s6;
	s4 =	simm.s32 @!p0 $0x0  }
0xe: {  	s9 =	sadd.s32 s9, s7;
	s10 =	ssub.s32 s5, s10;
	s4 =	ssub.s32 s0, s4  }
0xf: {  	s29 =	sadd.s32 $0x44000, s11;
	s30 =	sadd.s32 $0xCC000, s11;
	s4 =	sshll.u32 s4, $0x6  }
0x10: {  	s11 =	simm.s32 $0xA00;
	v12 =	vmov s29;
	s29 =	simm.s32 $0x580;
	s8 =	sand.u32 $0x1FFFFFC0, s4  }
0x11: {  	v1 =	vmov s30;
	s30 =	simm.s32 $0x980;
	s4 =	simm.s32 $0x1;
	s8 =	sadd.s32 s8, s7  }
0x12: {  	s5 =	sadd.s32 $0xA00, s8;
	s6 =	sadd.s32 $0xE00, s8;
	s7 =	sadd.s32 $0x600, s8  }
0x13: {  	s8 =	sadd.s32 $0x1200, s9;
	s9 =	smax.u32 s10, $0x1;
	s10 =	simm.s32 $0x2  }
.LBB2_1:
0x14: {  	[tilespmem:s3], [sflag:$0x2] =	stream.linear.gather [hbm4b:s5+s3], $0x200, $0x38;
	[tilespmem:$0xE80] =	vst v63  }
0x15: {  	_ =	swait.ge [sflag:s10], $0x200  }
0x16: {  	[sflag:s10] =	ssyncset.done $0x0  }
0x17: {  	[sflag:s10] =	ssyncadd.s32 $0xFFFFFE00  }
0x18: {  	[tilespmem:s11], [sflag:$0x2] =	stream.linear.gather [hbm4b:s6+s3], $0x200, $0x38;
	[tilespmem:$0xE80] =	vst v63  }
0x19: {  	_ =	swait.ge [sflag:s10], $0x200  }
0x1a: {  	[sflag:s10] =	ssyncset.done $0x0  }
0x1b: {  	[sflag:s10] =	ssyncadd.s32 $0xFFFFFE00  }
0x1c: {  	[tilespmem:s12], [sflag:$0x2] =	stream.linear.gather [hbm4b:s7+s3], $0x200, $0x38;
	[tilespmem:$0xE80] =	vst v63  }
0x1d: {  	_ =	swait.ge [sflag:s10], $0x200  }
0x1e: {  	[sflag:s10] =	ssyncset.done $0x0  }
0x1f: {  	[sflag:s10] =	ssyncadd.s32 $0xFFFFFE00  }
0x20: {  	v2 =	vld [tilespmem:$0x0]  }
0x21: {  	v3 =	vld [tilespmem:$0x10]  }
0x22: {  	v4 =	vld [tilespmem:$0x20]  }
0x23: {  	v5 =	vld [tilespmem:$0x30]  }
0x24: {  	v6 =	vld [tilespmem:$0x40]  }
0x25: {  	v7 =	vld [tilespmem:$0x50];
	v2 =	vadd.s32 v12, v2  }
0x26: {  	[tilespmem:$0x200] =	vst v2;
	v2 =	vadd.s32 v12, v3;
	v3 =	vld [tilespmem:$0x60]  }
0x27: {  	v11 =	vld [tilespmem:$0x70];
	[tilespmem:$0x210] =	vst v2;
	v2 =	vadd.s32 v12, v4  }
0x28: {  	v16 =	vld [tilespmem:$0x80];
	[tilespmem:$0x220] =	vst v2;
	v2 =	vadd.s32 v12, v5  }
0x29: {  	v17 =	vld [tilespmem:$0x90];
	[tilespmem:$0x230] =	vst v2;
	v2 =	vadd.s32 v12, v6  }
0x2a: {  	v18 =	vld [tilespmem:$0xA0];
	[tilespmem:$0x240] =	vst v2;
	v2 =	vadd.s32 v12, v7  }
0x2b: {  	[tilespmem:$0x250] =	vst v2;
	v2 =	vadd.s32 v12, v3;
	v3 =	vld [tilespmem:$0xB0]  }
0x2c: {  	v19 =	vld [tilespmem:$0xC0];
	[tilespmem:$0x260] =	vst v2;
	v2 =	vadd.s32 v12, v11  }
0x2d: {  	v20 =	vld [tilespmem:$0xD0];
	[tilespmem:$0x270] =	vst v2;
	v2 =	vadd.s32 v12, v16  }
0x2e: {  	v21 =	vld [tilespmem:$0xE0];
	[tilespmem:$0x280] =	vst v2;
	v2 =	vadd.s32 v12, v17  }
0x2f: {  	v22 =	vld [tilespmem:$0xF0];
	[tilespmem:$0x290] =	vst v2;
	v2 =	vadd.s32 v12, v18  }
0x30: {  	[tilespmem:$0x2A0] =	vst v2;
	v2 =	vadd.s32 v12, v3;
	v3 =	vld [tilespmem:$0x100]  }
0x31: {  	v23 =	vld [tilespmem:$0x110];
	[tilespmem:$0x2B0] =	vst v2;
	v2 =	vadd.s32 v12, v19  }
0x32: {  	v24 =	vld [tilespmem:$0x120];
	[tilespmem:$0x2C0] =	vst v2;
	v2 =	vadd.s32 v12, v20  }
0x33: {  	v25 =	vld [tilespmem:$0x130];
	[tilespmem:$0x2D0] =	vst v2;
	v2 =	vadd.s32 v12, v21  }
0x34: {  	v26 =	vld [tilespmem:$0x140];
	[tilespmem:$0x2E0] =	vst v2;
	v2 =	vadd.s32 v12, v22  }
0x35: {  	[tilespmem:$0x2F0] =	vst v2;
	v2 =	vadd.s32 v12, v3;
	v3 =	vld [tilespmem:$0x150]  }
0x36: {  	v27 =	vld [tilespmem:$0x160];
	[tilespmem:$0x300] =	vst v2;
	v2 =	vadd.s32 v12, v23  }
0x37: {  	v28 =	vld [tilespmem:$0x170];
	[tilespmem:$0x310] =	vst v2;
	v2 =	vadd.s32 v12, v24  }
0x38: {  	v29 =	vld [tilespmem:$0x180];
	[tilespmem:$0x320] =	vst v2;
	v2 =	vadd.s32 v12, v25  }
0x39: {  	v30 =	vld [tilespmem:$0x190];
	[tilespmem:$0x330] =	vst v2;
	v2 =	vadd.s32 v12, v26  }
0x3a: {  	[tilespmem:$0x340] =	vst v2;
	v2 =	vadd.s32 v12, v3;
	v3 =	vld [tilespmem:$0x1A0]  }
0x3b: {  	v31 =	vld [tilespmem:$0x1B0];
	[tilespmem:$0x350] =	vst v2;
	v2 =	vadd.s32 v12, v27  }
0x3c: {  	v32 =	vld [tilespmem:$0x1C0];
	[tilespmem:$0x360] =	vst v2;
	v2 =	vadd.s32 v12, v28  }
0x3d: {  	v33 =	vld [tilespmem:$0x1D0];
	[tilespmem:$0x370] =	vst v2;
	v2 =	vadd.s32 v12, v29  }
0x3e: {  	v34 =	vld [tilespmem:$0x1E0];
	[tilespmem:$0x380] =	vst v2;
	v2 =	vadd.s32 v12, v30  }
0x3f: {  	[tilespmem:$0x390] =	vst v2;
	v2 =	vadd.s32 v12, v3;
	v3 =	vld [tilespmem:$0x1F0]  }
0x40: {  	v35 =	vld [tilespmem:$0x0];
	[tilespmem:$0x3A0] =	vst v2;
	v2 =	vadd.s32 v12, v31  }
0x41: {  	v36 =	vld [tilespmem:$0x10];
	[tilespmem:$0x3B0] =	vst v2;
	v2 =	vadd.s32 v12, v32  }
0x42: {  	v37 =	vld [tilespmem:$0x20];
	[tilespmem:$0x3C0] =	vst v2;
	v2 =	vadd.s32 v12, v33  }
0x43: {  	v38 =	vld [tilespmem:$0x30];
	[tilespmem:$0x3D0] =	vst v2;
	v2 =	vadd.s32 v12, v34  }
0x44: {  	[tilespmem:$0x3E0] =	vst v2;
	v2 =	vadd.s32 v12, v3;
	v3 =	vld [tilespmem:$0x40]  }
0x45: {  	v39 =	vld [tilespmem:$0x50];
	[tilespmem:$0x3F0] =	vst v2;
	v2 =	vadd.s32 v1, v35  }
0x46: {  	v40 =	vld [tilespmem:$0x60];
	[tilespmem:$0x400] =	vst v2;
	v2 =	vadd.s32 v1, v36  }
0x47: {  	v41 =	vld [tilespmem:$0x70];
	[tilespmem:$0x410] =	vst v2;
	v2 =	vadd.s32 v1, v37  }
0x48: {  	v42 =	vld [tilespmem:$0x80];
	[tilespmem:$0x420] =	vst v2;
	v2 =	vadd.s32 v1, v38  }
0x49: {  	[tilespmem:$0x430] =	vst v2;
	v2 =	vadd.s32 v1, v3;
	v3 =	vld [tilespmem:$0x90]  }
0x4a: {  	v43 =	vld [tilespmem:$0xA0];
	[tilespmem:$0x440] =	vst v2;
	v2 =	vadd.s32 v1, v39  }
0x4b: {  	v44 =	vld [tilespmem:$0xB0];
	[tilespmem:$0x450] =	vst v2;
	v2 =	vadd.s32 v1, v40  }
0x4c: {  	v45 =	vld [tilespmem:$0xC0];
	[tilespmem:$0x460] =	vst v2;
	v2 =	vadd.s32 v1, v41  }
0x4d: {  	v46 =	vld [tilespmem:$0xD0];
	[tilespmem:$0x470] =	vst v2;
	v2 =	vadd.s32 v1, v42  }
0x4e: {  	[tilespmem:$0x480] =	vst v2;
	v2 =	vadd.s32 v1, v3;
	v3 =	vld [tilespmem:$0xE0]  }
0x4f: {  	v47 =	vld [tilespmem:$0xF0];
	[tilespmem:$0x490] =	vst v2;
	v2 =	vadd.s32 v1, v43  }
0x50: {  	v48 =	vld [tilespmem:$0x100];
	[tilespmem:$0x4A0] =	vst v2;
	v2 =	vadd.s32 v1, v44  }
0x51: {  	v49 =	vld [tilespmem:$0x110];
	[tilespmem:$0x4B0] =	vst v2;
	v2 =	vadd.s32 v1, v45  }
0x52: {  	v50 =	vld [tilespmem:$0x120];
	[tilespmem:$0x4C0] =	vst v2;
	v2 =	vadd.s32 v1, v46  }
0x53: {  	[tilespmem:$0x4D0] =	vst v2;
	v2 =	vadd.s32 v1, v3;
	v3 =	vld [tilespmem:$0x130]  }
0x54: {  	v51 =	vld [tilespmem:$0x140];
	[tilespmem:$0x4E0] =	vst v2;
	v2 =	vadd.s32 v1, v47  }
0x55: {  	v52 =	vld [tilespmem:$0x150];
	[tilespmem:$0x4F0] =	vst v2;
	v2 =	vadd.s32 v1, v48  }
0x56: {  	v53 =	vld [tilespmem:$0x160];
	[tilespmem:$0x500] =	vst v2;
	v2 =	vadd.s32 v1, v49  }
0x57: {  	v54 =	vld [tilespmem:$0x170];
	[tilespmem:$0x510] =	vst v2;
	v2 =	vadd.s32 v1, v50  }
0x58: {  	[tilespmem:$0x520] =	vst v2;
	v2 =	vadd.s32 v1, v3;
	v3 =	vld [tilespmem:$0x180]  }
0x59: {  	v55 =	vld [tilespmem:$0x190];
	[tilespmem:$0x530] =	vst v2;
	v2 =	vadd.s32 v1, v51  }
0x5a: {  	v56 =	vld [tilespmem:$0x1A0];
	[tilespmem:$0x540] =	vst v2;
	v2 =	vadd.s32 v1, v52  }
0x5b: {  	v57 =	vld [tilespmem:$0x1B0];
	[tilespmem:$0x550] =	vst v2;
	v2 =	vadd.s32 v1, v53  }
0x5c: {  	v58 =	vld [tilespmem:$0x1C0];
	[tilespmem:$0x560] =	vst v2;
	v2 =	vadd.s32 v1, v54  }
0x5d: {  	[tilespmem:$0x570] =	vst v2;
	v2 =	vadd.s32 v1, v3;
	v3 =	vld [tilespmem:$0x1D0]  }
0x5e: {  	v59 =	vld [tilespmem:$0x1E0];
	[tilespmem:$0x580] =	vst v2;
	v2 =	vadd.s32 v1, v55  }
0x5f: {  	v60 =	vld [tilespmem:$0x1F0];
	[tilespmem:$0x590] =	vst v2;
	v2 =	vadd.s32 v1, v56  }
0x60: {  	[tilespmem:$0x5A0] =	vst v2;
	v2 =	vadd.s32 v1, v57  }
0x61: {  	[tilespmem:$0x5B0] =	vst v2;
	v2 =	vadd.s32 v1, v58  }
0x62: {  	[tilespmem:$0x5C0] =	vst v2;
	v2 =	vadd.s32 v1, v3  }
0x63: {  	[tilespmem:$0x5D0] =	vst v2;
	v2 =	vadd.s32 v1, v59  }
0x64: {  	[tilespmem:$0x5E0] =	vst v2;
	v2 =	vadd.s32 v1, v60  }
0x65: {  	[tilespmem:$0x5F0] =	vst v2  }
0x66: {  	[tilespmem:s15], [sflag:$0x1] =	stream.indirect.gather [hbm4b:s2+s13], $0x1, s14, s13, $0xb8;
	[tilespmem:$0xE80] =	vst v63  }
0x67: {  	_ = 	snop  }
0x68: {  	[tilespmem:s17], [sflag:$0x1] =	stream.indirect.gather [hbm4b:s2+s13], $0x1, s16, s13, $0xb8;
	[tilespmem:$0xE80] =	vst v63  }
0x69: {  	_ = 	snop  }
0x6a: {  	[tilespmem:s19], [sflag:$0x1] =	stream.indirect.gather [hbm4b:s2+s13], $0x1, s18, s13, $0xb8;
	[tilespmem:$0xE80] =	vst v63  }
0x6b: {  	_ = 	snop  }
0x6c: {  	[tilespmem:s21], [sflag:$0x1] =	stream.indirect.gather [hbm4b:s2+s13], $0x1, s20, s13, $0xb8;
	[tilespmem:$0xE80] =	vst v63  }
0x6d: {  	_ = 	snop  }
0x6e: {  	[tilespmem:s23], [sflag:$0x1] =	stream.indirect.gather [hbm4b:s2+s13], $0x1, s22, s13, $0xb8;
	[tilespmem:$0xE80] =	vst v63  }
0x6f: {  	_ = 	snop  }
0x70: {  	[tilespmem:s25], [sflag:$0x1] =	stream.indirect.gather [hbm4b:s2+s13], $0x1, s24, s13, $0xb8;
	[tilespmem:$0xE80] =	vst v63  }
0x71: {  	_ = 	snop  }
0x72: {  	[tilespmem:s28], [sflag:$0x1] =	stream.indirect.gather [hbm4b:s2+s13], $0x1, s26, s13, $0xb8;
	[tilespmem:$0xE80] =	vst v63  }
0x73: {  	_ = 	snop  }
0x74: {  	[tilespmem:s30], [sflag:$0x1] =	stream.indirect.gather [hbm4b:s2+s13], $0x1, s29, s13, $0xb8;
	[tilespmem:$0xE80] =	vst v63  }
0x75: {  	_ =	swait.ge [sflag:s4], $0x80  }
0x76: {  	[sflag:s4] =	ssyncset.done $0x0  }
0x77: {  	[sflag:s4] =	ssyncadd.s32 $0xFFFFFF80  }
0x78: {  	_ =	swait.ge [sflag:s4], $0x80  }
0x79: {  	[sflag:s4] =	ssyncset.done $0x0  }
0x7a: {  	[sflag:s4] =	ssyncadd.s32 $0xFFFFFF80  }
0x7b: {  	_ =	swait.ge [sflag:s4], $0x80  }
0x7c: {  	[sflag:s4] =	ssyncset.done $0x0  }
0x7d: {  	[sflag:s4] =	ssyncadd.s32 $0xFFFFFF80  }
0x7e: {  	_ =	swait.ge [sflag:s4], $0x80  }
0x7f: {  	[sflag:s4] =	ssyncset.done $0x0  }
0x80: {  	[sflag:s4] =	ssyncadd.s32 $0xFFFFFF80  }
0x81: {  	_ =	swait.ge [sflag:s4], $0x80  }
0x82: {  	[sflag:s4] =	ssyncset.done $0x0  }
0x83: {  	[sflag:s4] =	ssyncadd.s32 $0xFFFFFF80  }
0x84: {  	_ =	swait.ge [sflag:s4], $0x80  }
0x85: {  	[sflag:s4] =	ssyncset.done $0x0  }
0x86: {  	[sflag:s4] =	ssyncadd.s32 $0xFFFFFF80  }
0x87: {  	_ =	swait.ge [sflag:s4], $0x80  }
0x88: {  	[sflag:s4] =	ssyncset.done $0x0  }
0x89: {  	[sflag:s4] =	ssyncadd.s32 $0xFFFFFF80  }
0x8a: {  	_ =	swait.ge [sflag:s4], $0x80  }
0x8b: {  	[sflag:s4] =	ssyncset.done $0x0  }
0x8c: {  	[sflag:s4] =	ssyncadd.s32 $0xFFFFFF80  }
0x8d: {  	v2 =	vld [tilespmem:$0x600]  }
0x8e: {  	v32 =	vld [tilespmem:$0xA00]  }
0x8f: {  	v23 =	vld [tilespmem:$0xC00]  }
0x90: {  	v3 =	vld [tilespmem:$0x610]  }
0x91: {  	v31 =	vld [tilespmem:$0xA10]  }
0x92: {  	v20 =	vld [tilespmem:$0xC10]  }
0x93: {  	v61 =	vld [tilespmem:$0x620]  }
0x94: {  	v26 =	vld [tilespmem:$0xA20]  }
0x95: {  	v17 =	vld [tilespmem:$0xC20]  }
0x96: {  	v11 =	vld [tilespmem:$0x630]  }
0x97: {  	v24 =	vld [tilespmem:$0xA30]  }
0x98: {  	v13 =	vld [tilespmem:$0xC30]  }
0x99: {  	v16 =	vld [tilespmem:$0x640]  }
0x9a: {  	v21 =	vld [tilespmem:$0xA40]  }
0x9b: {  	v30 =	vld [tilespmem:$0xC40]  }
0x9c: {  	v22 =	vld [tilespmem:$0x650]  }
0x9d: {  	v18 =	vld [tilespmem:$0xA50]  }
0x9e: {  	v9 =	vld [tilespmem:$0xC50]  }
0x9f: {  	v27 =	vld [tilespmem:$0x660]  }
0xa0: {  	v15 =	vld [tilespmem:$0xA60]  }
0xa1: {  	v8 =	vld [tilespmem:$0xC60]  }
0xa2: {  	v29 =	vld [tilespmem:$0x670]  }
0xa3: {  	v6 =	vld [tilespmem:$0xA70]  }
0xa4: {  	v62 =	vld [tilespmem:$0xC70]  }
0xa5: {  	v33 =	vld [tilespmem:$0x680]  }
0xa6: {  	v10 =	vld [tilespmem:$0xA80]  }
0xa7: {  	v0 =	vld [tilespmem:$0xC80]  }
0xa8: {  	v34 =	vld [tilespmem:$0x690]  }
0xa9: {  	v38 =	vld [tilespmem:$0xA90]  }
0xaa: {  	v63 =	vld [tilespmem:$0xC90]  }
0xab: {  	v35 =	vld [tilespmem:$0x6A0]  }
0xac: {  	v14 =	vld [tilespmem:$0xAA0]  }
0xad: {  	v37 =	vld [tilespmem:$0x6B0]  }
0xae: {  	v39 =	vld [tilespmem:$0x6C0]  }
0xaf: {  	v41 =	vld [tilespmem:$0x6D0]  }
0xb0: {  	v42 =	vld [tilespmem:$0x6E0];
	v2 =	vsub.f32 v2, v32  }
0xb1: {  	v44 =	vld [tilespmem:$0x700]  }
0xb2: {  	v45 =	vld [tilespmem:$0x710];
	v3 =	vsub.f32 v3, v31;
	v2 =	vmul.f32 v2, v2  }
0xb3: {  	v47 =	vld [tilespmem:$0x720]  }
0xb4: {  	v49 =	vld [tilespmem:$0x730];
	v7 =	vsub.f32 v61, v26;
	v3 =	vmul.f32 v3, v3;
	v2 =	vmul.f32 v2, v23  }
0xb5: {  	v50 =	vld [tilespmem:$0x740];
	v11 =	vsub.f32 v11, v24  }
0xb6: {  	v51 =	vld [tilespmem:$0x750];
	v19 =	vmul.f32 v7, v7;
	v3 =	vmul.f32 v3, v20;
	v2 =	vadd.f32 $0.0e+00, v2  }
0xb7: {  	v55 =	vld [tilespmem:$0x780];
	v16 =	vsub.f32 v16, v21  }
0xb8: {  	v57 =	vld [tilespmem:$0x790];
	v25 =	vmul.f32 v11, v11;
	v2 =	vadd.f32 v3, v2;
	v3 =	vmul.f32 v19, v17  }
0xb9: {  	v60 =	vld [tilespmem:$0x7A0];
	[tilespmem:$0x1FFD0] =	vst v38;
	v22 =	vsub.f32 v22, v18;
	v38 =	vsub.f32 v34, v38  }
0xba: {  	v34 =	vld [tilespmem:$0xAF0];
	v28 =	vmul.f32 v16, v16;
	v2 =	vadd.f32 v3, v2;
	v3 =	vmul.f32 v25, v13  }
0xbb: {  	[tilespmem:$0x1FFB0] =	vst v10;
	v27 =	vsub.f32 v27, v15;
	v33 =	vsub.f32 v33, v10;
	v10 =	vld [tilespmem:$0x770]  }
0xbc: {  	v61 =	vld [tilespmem:$0x7B0];
	v22 =	vmul.f32 v22, v22;
	v2 =	vadd.f32 v3, v2;
	v3 =	vmul.f32 v28, v30  }
0xbd: {  	v29 =	vsub.f32 v29, v6;
	v7 =	vld [tilespmem:$0xCA0]  }
0xbe: {  	v11 =	vld [tilespmem:$0xCB0];
	v27 =	vmul.f32 v27, v27;
	v2 =	vadd.f32 v3, v2;
	v3 =	vmul.f32 v22, v9  }
0xbf: {  	v35 =	vsub.f32 v35, v14;
	v29 =	vmul.f32 v29, v29;
	v19 =	vld [tilespmem:$0xAB0]  }
0xc0: {  	v16 =	vld [tilespmem:$0xCC0];
	v2 =	vadd.f32 v3, v2;
	v3 =	vmul.f32 v27, v8  }
0xc1: {  	v35 =	vmul.f32 v35, v35;
	v36 =	vmul.f32 v29, v62;
	v29 =	vld [tilespmem:$0xCF0]  }
0xc2: {  	v33 =	vmul.f32 v33, v33;
	v25 =	vld [tilespmem:$0xAC0];
	v2 =	vadd.f32 v3, v2  }
0xc3: {  	v38 =	vmul.f32 v38, v38;
	v40 =	vmul.f32 v35, v7;
	v35 =	vld [tilespmem:$0xD10]  }
0xc4: {  	v33 =	vmul.f32 v33, v0;
	v28 =	vld [tilespmem:$0xAD0];
	v37 =	vsub.f32 v37, v19;
	v2 =	vadd.f32 v36, v2  }
0xc5: {  	[tilespmem:$0x1FF80] =	vst v30;
	v30 =	vld [tilespmem:$0xAE0]  }
0xc6: {  	v38 =	vmul.f32 v38, v63;
	v22 =	vld [tilespmem:$0xCD0];
	v37 =	vmul.f32 v37, v37;
	v2 =	vadd.f32 v33, v2  }
0xc7: {  	v39 =	vsub.f32 v39, v25;
	v27 =	vld [tilespmem:$0xCE0]  }
0xc8: {  	v43 =	vmul.f32 v37, v11;
	v37 =	vld [tilespmem:$0xD20];
	v2 =	vadd.f32 v38, v2  }
0xc9: {  	v39 =	vmul.f32 v39, v39;
	v41 =	vsub.f32 v41, v28;
	v3 =	vld [tilespmem:$0x6F0]  }
0xca: {  	[tilespmem:$0x1FFA0] =	vst v8;
	v8 =	vsub.f32 v42, v30;
	v36 =	vld [tilespmem:$0xB00];
	v2 =	vadd.f32 v40, v2  }
0xcb: {  	v42 =	vld [tilespmem:$0xB30];
	v39 =	vmul.f32 v39, v16  }
0xcc: {  	v41 =	vmul.f32 v41, v41;
	v46 =	vmul.f32 v8, v8;
	v8 =	vld [tilespmem:$0x7F0];
	v2 =	vadd.f32 v43, v2  }
0xcd: {  	v38 =	vld [tilespmem:$0xB10]  }
0xce: {  	v41 =	vmul.f32 v41, v22;
	v33 =	vld [tilespmem:$0xD00];
	v3 =	vsub.f32 v3, v34;
	v2 =	vadd.f32 v39, v2  }
0xcf: {  	v46 =	vmul.f32 v46, v27;
	v44 =	vsub.f32 v44, v36;
	v40 =	vld [tilespmem:$0xB20]  }
0xd0: {  	v54 =	vsub.f32 v49, v42;
	v49 =	vld [tilespmem:$0xB70];
	v3 =	vmul.f32 v3, v3;
	v2 =	vadd.f32 v41, v2  }
0xd1: {  	v48 =	vmul.f32 v44, v44;
	v44 =	vld [tilespmem:$0xD50]  }
0xd2: {  	v3 =	vmul.f32 v3, v29;
	v43 =	vld [tilespmem:$0xB40];
	v45 =	vsub.f32 v45, v38;
	v2 =	vadd.f32 v46, v2  }
0xd3: {  	v52 =	vmul.f32 v48, v33;
	v48 =	vld [tilespmem:$0xB60]  }
0xd4: {  	v39 =	vld [tilespmem:$0xD30];
	v53 =	vmul.f32 v45, v45;
	v47 =	vsub.f32 v47, v40;
	v2 =	vadd.f32 v3, v2  }
0xd5: {  	v46 =	vld [tilespmem:$0xB50]  }
0xd6: {  	[tilespmem:$0x1FF90] =	vst v9;
	v41 =	vld [tilespmem:$0xD40];
	v9 =	vmul.f32 v53, v35;
	v47 =	vmul.f32 v47, v47;
	v2 =	vadd.f32 v52, v2  }
0xd7: {  	v50 =	vsub.f32 v50, v43;
	v3 =	vld [tilespmem:$0x760]  }
0xd8: {  	[tilespmem:$0x1FFF0] =	vst v63;
	v54 =	vmul.f32 v54, v54;
	v45 =	vld [tilespmem:$0xD60];
	v63 =	vmul.f32 v47, v37;
	v2 =	vadd.f32 v9, v2  }
0xd9: {  	v53 =	vld [tilespmem:$0xDA0];
	v56 =	vmul.f32 v50, v50  }
0xda: {  	v54 =	vmul.f32 v54, v39;
	v52 =	vld [tilespmem:$0xB80];
	v51 =	vsub.f32 v51, v46;
	v2 =	vadd.f32 v63, v2  }
0xdb: {  	v47 =	vld [tilespmem:$0xD70];
	v56 =	vmul.f32 v56, v41  }
0xdc: {  	v50 =	vld [tilespmem:$0xD80];
	v58 =	vmul.f32 v51, v51;
	v3 =	vsub.f32 v3, v48;
	v2 =	vadd.f32 v54, v2  }
0xdd: {  	v59 =	vsub.f32 v10, v49;
	v54 =	vld [tilespmem:$0xB90]  }
0xde: {  	v58 =	vmul.f32 v58, v44;
	v3 =	vmul.f32 v3, v3;
	v2 =	vadd.f32 v56, v2;
	v56 =	vld [tilespmem:$0xBA0]  }
0xdf: {  	v51 =	vld [tilespmem:$0xD90];
	v55 =	vsub.f32 v55, v52  }
0xe0: {  	v59 =	vmul.f32 v59, v59;
	v63 =	vld [tilespmem:$0x7C0];
	v3 =	vmul.f32 v3, v45;
	v2 =	vadd.f32 v58, v2  }
0xe1: {  	v4 =	vmul.f32 v55, v55;
	v58 =	vld [tilespmem:$0xBB0]  }
0xe2: {  	v55 =	vld [tilespmem:$0xDB0];
	v57 =	vsub.f32 v57, v54;
	v2 =	vadd.f32 v3, v2;
	v3 =	vmul.f32 v59, v47  }
0xe3: {  	v59 =	vld [tilespmem:$0xBC0];
	v60 =	vsub.f32 v60, v56  }
0xe4: {  	[tilespmem:$0x1FFC0] =	vst v62;
	v62 =	vmul.f32 v57, v57;
	v57 =	vld [tilespmem:$0xDC0];
	v2 =	vadd.f32 v3, v2;
	v3 =	vmul.f32 v4, v50  }
0xe5: {  	[tilespmem:$0x1FFE0] =	vst v0;
	v0 =	vmul.f32 v60, v60;
	v60 =	vld [tilespmem:$0xBD0]  }
0xe6: {  	v62 =	vmul.f32 v62, v51;
	v61 =	vsub.f32 v61, v58;
	v2 =	vadd.f32 v3, v2;
	v3 =	vld [tilespmem:$0x7D0]  }
0xe7: {  	v4 =	vld [tilespmem:$0x7E0];
	v0 =	vmul.f32 v0, v53  }
0xe8: {  	v5 =	vmul.f32 v61, v61;
	v63 =	vsub.f32 v63, v59;
	v2 =	vadd.f32 v62, v2;
	v62 =	vld [tilespmem:$0xBE0]  }
0xe9: {  	v10 =	vld [tilespmem:$0x800]  }
0xea: {  	v61 =	vld [tilespmem:$0xDD0];
	v63 =	vmul.f32 v63, v63;
	v0 =	vadd.f32 v0, v2;
	v2 =	vmul.f32 v5, v55  }
0xeb: {  	v5 =	vld [tilespmem:$0xDE0];
	v9 =	vsub.f32 v3, v60  }
0xec: {  	v3 =	vld [tilespmem:$0xBF0];
	v63 =	vmul.f32 v63, v57;
	v0 =	vadd.f32 v2, v0  }
0xed: {  	v9 =	vmul.f32 v9, v9;
	v4 =	vsub.f32 v4, v62  }
0xee: {  	v0 =	vadd.f32 v63, v0;
	v63 =	vld [tilespmem:$0x810]  }
0xef: {  	v9 =	vmul.f32 v9, v61;
	v4 =	vmul.f32 v4, v4  }
0xf0: {  	v32 =	vsub.f32 v10, v32;
	v2 =	vld [tilespmem:$0xDF0]  }
0xf1: {  	v10 =	vld [tilespmem:$0x820];
	v8 =	vsub.f32 v8, v3;
	v0 =	vadd.f32 v9, v0;
	v4 =	vmul.f32 v4, v5;
	_ =	sdelay $0x1  }
0xf2: {  	v8 =	vmul.f32 v8, v8;
	v0 =	vadd.f32 v4, v0;
	v4 =	vsub.f32 v63, v31;
	v63 =	vld [tilespmem:$0x830]  }
0xf3: {  	v9 =	vmul.f32 v32, v32  }
0xf4: {  	v8 =	vmul.f32 v8, v2;
	v4 =	vmul.f32 v4, v4  }
0xf5: {  	v10 =	vsub.f32 v10, v26;
	v23 =	vmul.f32 v9, v23;
	v9 =	vld [tilespmem:$0x840]  }
0xf6: {  	v0 =	vadd.f32 v8, v0;
	v4 =	vmul.f32 v4, v20;
	v20 =	vld [tilespmem:$0x850]  }
0xf7: {  	v32 =	vmul.f32 v10, v10;
	v63 =	vsub.f32 v63, v24  }
0xf8: {  	v31 =	vld [tilespmem:$0x860];
	v0 =	vadd.f32 v23, v0  }
0xf9: {  	v24 =	vmul.f32 v32, v17;
	v17 =	vld [tilespmem:$0x870];
	v26 =	vmul.f32 v63, v63  }
0xfa: {  	v9 =	vsub.f32 v9, v21;
	v21 =	vld [tilespmem:$0x1FF90];
	v0 =	vadd.f32 v4, v0  }
0xfb: {  	v32 =	vmul.f32 v26, v13;
	v13 =	vsub.f32 v20, v18;
	v18 =	vld [tilespmem:$0x1FF80]  }
0xfc: {  	v0 =	vadd.f32 v24, v0;
	v24 =	vld [tilespmem:$0x890]  }
0xfd: {  	v20 =	vmul.f32 v13, v13;
	v13 =	vld [tilespmem:$0x880]  }
0xfe: {  	v63 =	vmul.f32 v9, v9;
	v0 =	vadd.f32 v32, v0;
	v32 =	vld [tilespmem:$0x1FFB0]  }
0xff: {  	v10 =	vsub.f32 v31, v15;
	v26 =	vld [tilespmem:$0x1FFA0]  }
0x100: {  	v4 =	vmul.f32 v63, v18;
	v63 =	vld [tilespmem:$0x1FFC0]  }
0x101: {  	v23 =	vmul.f32 v10, v10;
	v18 =	vld [tilespmem:$0x1FFD0]  }
0x102: {  	v31 =	vld [tilespmem:$0x8A0];
	v6 =	vsub.f32 v17, v6;
	v0 =	vadd.f32 v4, v0;
	v4 =	vmul.f32 v20, v21  }
0x103: {  	v10 =	vsub.f32 v13, v32;
	v21 =	vld [tilespmem:$0x1FFE0]  }
0x104: {  	v6 =	vmul.f32 v6, v6;
	v20 =	vld [tilespmem:$0x8B0];
	v0 =	vadd.f32 v4, v0;
	v4 =	vmul.f32 v23, v26  }
0x105: {  	v17 =	vmul.f32 v10, v10;
	v26 =	vld [tilespmem:$0x1FFF0]  }
0x106: {  	v9 =	vsub.f32 v24, v18;
	v0 =	vadd.f32 v4, v0;
	v4 =	vmul.f32 v6, v63  }
0x107: {  	v8 =	vsub.f32 v31, v14;
	v24 =	vld [tilespmem:$0x8C0]  }
0x108: {  	v32 =	vld [tilespmem:$0x8D0];
	v23 =	vmul.f32 v9, v9;
	v0 =	vadd.f32 v4, v0;
	v4 =	vmul.f32 v17, v21  }
0x109: {  	v31 =	vmul.f32 v8, v8  }
0x10a: {  	v10 =	vsub.f32 v20, v19;
	v0 =	vadd.f32 v4, v0;
	v4 =	vmul.f32 v23, v26  }
0x10b: {  	v63 =	vmul.f32 v31, v7;
	v19 =	vld [tilespmem:$0x8E0]  }
0x10c: {  	v17 =	vmul.f32 v10, v10;
	v18 =	vsub.f32 v24, v25;
	v24 =	vld [tilespmem:$0x8F0];
	v0 =	vadd.f32 v4, v0  }
0x10d: {  	v23 =	vsub.f32 v32, v28  }
0x10e: {  	v28 =	vld [tilespmem:$0x900];
	v20 =	vmul.f32 v17, v11;
	v21 =	vmul.f32 v18, v18;
	v0 =	vadd.f32 v63, v0  }
0x10f: {  	v26 =	vmul.f32 v23, v23  }
0x110: {  	v9 =	vsub.f32 v19, v30;
	v25 =	vmul.f32 v21, v16;
	v0 =	vadd.f32 v20, v0  }
0x111: {  	v8 =	vsub.f32 v24, v34;
	v34 =	vld [tilespmem:$0x910]  }
0x112: {  	v17 =	vld [tilespmem:$0x920];
	v31 =	vmul.f32 v26, v22;
	v32 =	vmul.f32 v9, v9;
	v0 =	vadd.f32 v25, v0  }
0x113: {  	v7 =	vsub.f32 v28, v36  }
0x114: {  	v63 =	vmul.f32 v32, v27;
	v16 =	vmul.f32 v8, v8;
	v0 =	vadd.f32 v31, v0  }
0x115: {  	v20 =	vld [tilespmem:$0x930];
	v19 =	vmul.f32 v7, v7  }
0x116: {  	v18 =	vmul.f32 v16, v29;
	v9 =	vsub.f32 v34, v38;
	v0 =	vadd.f32 v63, v0  }
0x117: {  	v23 =	vld [tilespmem:$0x940];
	v8 =	vsub.f32 v17, v40  }
0x118: {  	v26 =	vld [tilespmem:$0x950];
	v21 =	vmul.f32 v19, v33;
	v22 =	vmul.f32 v9, v9;
	v0 =	vadd.f32 v18, v0  }
0x119: {  	v25 =	vmul.f32 v8, v8  }
0x11a: {  	v7 =	vsub.f32 v20, v42;
	v24 =	vmul.f32 v22, v35;
	v0 =	vadd.f32 v21, v0  }
0x11b: {  	v29 =	vld [tilespmem:$0x960];
	v27 =	vmul.f32 v25, v37  }
0x11c: {  	v32 =	vld [tilespmem:$0x970];
	v9 =	vsub.f32 v23, v43;
	v28 =	vmul.f32 v7, v7;
	v0 =	vadd.f32 v24, v0  }
0x11d: {  	v8 =	vsub.f32 v26, v46  }
0x11e: {  	v31 =	vmul.f32 v9, v9;
	v30 =	vmul.f32 v28, v39;
	v0 =	vadd.f32 v27, v0  }
0x11f: {  	v34 =	vmul.f32 v8, v8;
	v35 =	vld [tilespmem:$0x980]  }
0x120: {  	v38 =	vld [tilespmem:$0x990];
	v7 =	vsub.f32 v29, v48;
	v33 =	vmul.f32 v31, v41;
	v0 =	vadd.f32 v30, v0  }
0x121: {  	v9 =	vsub.f32 v32, v49  }
0x122: {  	v36 =	vmul.f32 v34, v44;
	v37 =	vmul.f32 v7, v7;
	v41 =	vld [tilespmem:$0x9A0];
	v0 =	vadd.f32 v33, v0  }
0x123: {  	v40 =	vmul.f32 v9, v9  }
0x124: {  	v44 =	vld [tilespmem:$0x9B0];
	v39 =	vmul.f32 v37, v45;
	v8 =	vsub.f32 v35, v52;
	v0 =	vadd.f32 v36, v0  }
0x125: {  	v7 =	vsub.f32 v38, v54  }
0x126: {  	v42 =	vmul.f32 v40, v47;
	v47 =	vld [tilespmem:$0x9C0];
	v43 =	vmul.f32 v8, v8;
	v0 =	vadd.f32 v39, v0  }
0x127: {  	v9 =	vsub.f32 v41, v56  }
0x128: {  	v46 =	vmul.f32 v7, v7;
	v45 =	vmul.f32 v43, v50;
	v0 =	vadd.f32 v42, v0  }
0x129: {  	v8 =	vsub.f32 v44, v58;
	v49 =	vmul.f32 v9, v9;
	v50 =	vld [tilespmem:$0x9D0]  }
0x12a: {  	v48 =	vmul.f32 v46, v51;
	v0 =	vadd.f32 v45, v0  }
0x12b: {  	v52 =	vmul.f32 v8, v8;
	v7 =	vsub.f32 v47, v59;
	v51 =	vmul.f32 v49, v53;
	v53 =	vld [tilespmem:$0x9E0]  }
0x12c: {  	v56 =	vld [tilespmem:$0x9F0];
	v0 =	vadd.f32 v48, v0  }
0x12d: {  	v54 =	vmul.f32 v52, v55;
	v55 =	vmul.f32 v7, v7  }
0x12e: {  	v9 =	vsub.f32 v50, v60;
	v0 =	vadd.f32 v51, v0  }
0x12f: {  	v58 =	vmul.f32 v55, v57  }
0x130: {  	v59 =	vsub.f32 v53, v62;
	v60 =	vmul.f32 v9, v9;
	v0 =	vadd.f32 v54, v0  }
0x131: {  	v3 =	vsub.f32 v56, v3  }
0x132: {  	v62 =	vmul.f32 v60, v61;
	v6 =	vmul.f32 v59, v59;
	v0 =	vadd.f32 v58, v0;
	_ =	sdelay $0x1  }
0x133: {  	v3 =	vmul.f32 v3, v3;
	v63 =	vmul.f32 v6, v5;
	v0 =	vadd.f32 v62, v0;
	_ =	sdelay $0x1  }
0x134: {  	v2 =	vmul.f32 v3, v2;
	v0 =	vadd.f32 v63, v0;
	_ =	sdelay $0x1  }
0x135: {  	v0 =	vadd.f32 v2, v0  }
0x136: {  	p0 =	sne.s32 s9, $0x1  }
.Ltmp0:
0x137: {  	[tilespmem:$0xE00] =	vst v0;
	(pc) =	sbr.rel @p0 .LBB2_1-.Ltmp0, $4  }
0x138: {  	[hbm4b:s8+s3] =	stream.linear.scatter [tilespmem:s31], [sflag:$0x2], $0x80, $0x38;
	[tilespmem:$0xE80] =	vst v63  }
0x139: {  	_ =	swait.ge [sflag:s10], $0x80  }
0x13a: {  	[sflag:s10] =	ssyncset.done $0x0  }
0x13b: {  	s9 =	sadd.s32 $0xFFFFFFFF, s9;
	[sflag:s10] =	ssyncadd.s32 $0xFFFFFF80  }
0x13c: {  	_ =	sfence.sel $0x180000  }
0x13d: {  	[bflag:$0x0] =	sbarrier.arrive $0xFFFF  }
0x13e: {  	p0 =	sne.s32 s0, $0x0;
	_ =	strace $0x90000047  }
0x13f: {  	s0 =	sadd.s32 @!p0 $0x100000, s1;
	[bflag:$0x2] =	sbarrier.arrive $0xFFFF  }
0x140: {  	[sflag:s0] =	ssyncadd.tile.s32 @!p0 $0x1;
	_ =	shalt  }
.Lfunc_end2:
_tile_overlayer_lowered:
.L_overlay_start_2:
0x141: {  	(tag) =	ssettag $0x2  }
0x142: {  	s0 =	rddreg [dreg:$0x0];
	s2 =	stileid.u32  }
0x143: {  	s1 =	rddreg [dreg:$0x1];
	p0 =	sne.s32 s2, $0x0  }
0x144: {  	s3 =	rddreg [dreg:$0x2];
	[bflag:$0x3] =	sbarrier.arrive $0xFFFF;
	s2 =	simm.s32 @!p0 $0x1C02  }
0x145: {  	[timem:s3], [sflag:s2] =	dma.local @!p0 [hbm:s0], s1  }
0x146: {  	s0 =	simm.s32 @!p0 $0x2  }
0x147: {  	_ =	swait.ge @!p0 [sflag:s0], s1  }
0x148: {  	s1 =	ssub.s32 @!p0 $0x0, s1;
	[sflag:s0] =	ssyncset.done @!p0 $0x0  }
0x149: {  	[sflag:s0] =	ssyncadd.s32 @!p0 s1  }
0x14a: {  	[bflag:$0x3] =	sbarrier.arrive $0xFFFF  }
0x14b: {  	_ =	shalt  }

</sc_bundles>
